<compile_context>
chip_gen: v7x
topology: tpu7x:2x2x1
jax: 0.10.2.dev20260603
libtpu: 0.0.44.dev20260713+nightly
codegen_flags: <defaults>
</compile_context>

<pallas_src>
import functools
import jax
import jax.numpy as jnp
from jax import lax
from jax.experimental import pallas as pl
from jax.experimental.pallas import tpu as pltpu
from jax.experimental.pallas import tpu_sc as plsc

N_ACT = 128
G = 1024
F = 16
NWORK = 32
RPW = 3136
NPAD = NWORK * RPW
WSIZE = 8192
NPAD2 = NPAD + WSIZE
OFFW = 1040
NEG = -1e9


RROW = 500
NROWS = 12500


def _tc1_body(hb, mm, bn, nl_out):
    pk = jax.lax.dot_general(
        hb[0], mm[...], (((1,), (0,)), ((), ())),
        preferred_element_type=jnp.float32) + bn[0, 0]
    nl_out[0] = pk


def _tc1(h3, mm, bn):
    nb = NROWS // RROW
    return pl.pallas_call(
        _tc1_body,
        grid=(nb,),
        in_specs=[
            pl.BlockSpec((1, RROW, 128), lambda j: (j, 0, 0)),
            pl.BlockSpec((128, 8), lambda j: (0, 0)),
            pl.BlockSpec((1, 1), lambda j: (0, 0)),
        ],
        out_specs=pl.BlockSpec((1, RROW, 8), lambda j: (j, 0, 0)),
        out_shape=jax.ShapeDtypeStruct((nb, RROW, 8), jnp.float32),
    )(h3, mm, bn)


def _sca_body(n_real, bidx_hbm, offtab_hbm, bbuf, offloc, dsem):
    widx = lax.axis_index("s") * 2 + lax.axis_index("c")
    iota = lax.iota(jnp.int32, 16)
    neg1 = jnp.full((16,), -1, jnp.int32)
    last_n = n_real - (NWORK - 1) * RPW

    @pl.when(widx < NWORK - 1)
    def _():
        pltpu.sync_copy(bidx_hbm.at[pl.ds(widx * RPW, RPW)],
                        bbuf.at[pl.ds(16, RPW)])

    @pl.when(widx == NWORK - 1)
    def _():
        pltpu.sync_copy(bidx_hbm.at[pl.ds((NWORK - 1) * RPW, last_n)],
                        bbuf.at[pl.ds(16, last_n)])

    @pl.when(widx > 0)
    def _():
        pltpu.sync_copy(bidx_hbm.at[pl.ds(widx * RPW - 16, 16)],
                        bbuf.at[pl.ds(0, 16)])

    @pl.when(widx == 0)
    def _():
        bbuf[pl.ds(0, 16)] = neg1

    for i in range(OFFW // 16):
        offloc[pl.ds(i * 16, 16)] = neg1
    offloc[pl.ds(G, 16)] = jnp.where(iota == 0, n_real, -1)

    def step(c, _):
        cur = bbuf[pl.ds(16 + c * 16, 16)]
        prev = bbuf[pl.ds(15 + c * 16, 16)]
        bmask = cur != prev
        posv = widx * RPW + c * 16 + iota
        plsc.store_scatter(offloc, [cur], posv, mask=bmask)
        return _

    nchunks = jnp.where(widx == NWORK - 1, last_n // 16, RPW // 16)
    lax.fori_loop(0, nchunks, step, 0)
    pltpu.sync_copy(offloc, offtab_hbm.at[pl.ds(widx * OFFW, OFFW)])


def _sca(bidx_p, n_real):
    mesh = plsc.VectorSubcoreMesh(core_axis_name="c", subcore_axis_name="s")
    kern = pl.kernel(
        functools.partial(_sca_body, n_real),
        out_type=jax.ShapeDtypeStruct((NWORK * OFFW,), jnp.int32),
        mesh=mesh,
        scratch_types=[
            pltpu.VMEM((RPW + 16,), jnp.int32),
            pltpu.VMEM((OFFW,), jnp.int32),
            pltpu.SemaphoreType.DMA,
        ],
        compiler_params=pltpu.CompilerParams(needs_layout_passes=False),
    )
    return kern(bidx_p)


def _scb_body(nl_hbm, sc_hbm, h_hbm, offtab_hbm,
              m_hbm, s_hbm, d_hbm, a_hbm, nla_hbm, hsel_hbm,
              nlbuf, scbuf, offrows, offmer,
              outm, outs, outd, outnla, outa, rowscr, rowsbuf,
              hselloc, dsem):
    widx = lax.axis_index("s") * 2 + lax.axis_index("c")
    iota = lax.iota(jnp.int32, 16)
    sb = widx * 32

    pltpu.sync_copy(offtab_hbm, offrows)
    for kk in range(3):
        acc = jnp.full((16,), -1, jnp.int32)
        for r in range(NWORK):
            acc = jnp.maximum(acc, offrows[pl.ds(r * OFFW + sb + kk * 16, 16)])
        offmer[pl.ds(kk * 16, 16)] = acc

    def put(ref, j, val):
        plsc.store_scatter(ref, [jnp.full((16,), j, jnp.int32)],
                           jnp.full((16,), val), mask=(iota == 0))

    def seg_step(j, cur_w):
        vv = offmer[pl.ds(j, 16)]
        s0 = jnp.maximum(vv[0], 0)
        e0 = jnp.maximum(vv[1], s0)

        def ensure(pos, cw):
            need = (pos < cw) | (pos + 16 > cw + WSIZE)
            nw = pl.multiple_of(jnp.where(need, pos - lax.rem(pos, 8), cw), 8)

            @pl.when(need)
            def _():
                pltpu.sync_copy(nl_hbm.at[pl.ds(nw, WSIZE)], nlbuf)
                pltpu.sync_copy(sc_hbm.at[pl.ds(nw, WSIZE)], scbuf)

            return nw

        def bodyA(carry):
            pos, cw, mvec, bvec, ivec, nlvec = carry
            cw = ensure(pos, cw)
            off = pos - cw
            v = nlbuf[pl.ds(off, 16)]
            sv = v + scbuf[pl.ds(off, 16)]
            lm = iota < (e0 - pos)
            vm = jnp.where(lm, v, NEG)
            svm = jnp.where(lm, sv, NEG)
            mvec = jnp.maximum(mvec, vm)
            take = svm >= bvec
            bvec = jnp.where(take, svm, bvec)
            ivec = jnp.where(take, pos + iota, ivec)
            nlvec = jnp.where(take, vm, nlvec)
            return pos + 16, cw, mvec, bvec, ivec, nlvec

        init = (s0, cur_w,
                jnp.full((16,), NEG), jnp.full((16,), NEG),
                jnp.full((16,), -1, jnp.int32), jnp.full((16,), NEG))
        pos, cur_w, mvec, bvec, ivec, nlvec = lax.while_loop(
            lambda c: c[0] < e0, bodyA, init)

        m = jnp.max(mvec)
        b2 = jnp.max(bvec)
        a = jnp.max(jnp.where(bvec == b2, ivec, -1))
        nla = jnp.max(jnp.where(ivec == a, nlvec, NEG))
        a = jnp.maximum(a, 0)

        def bodyB(carry):
            pos, cw, svec, dvec = carry
            cw = ensure(pos, cw)
            off = pos - cw
            v = nlbuf[pl.ds(off, 16)]
            lm = iota < (e0 - pos)
            sh = v - m
            ex = jnp.where(lm, jnp.exp(sh), jnp.float32(0.0))
            return pos + 16, cw, svec + ex, dvec + ex * sh

        initb = (s0, cur_w, jnp.zeros((16,), jnp.float32),
                 jnp.zeros((16,), jnp.float32))
        pos, cur_w, svec, dvec = lax.while_loop(
            lambda c: c[0] < e0, bodyB, initb)

        put(outm, j, m)
        put(outs, j, jnp.sum(svec))
        put(outd, j, jnp.sum(dvec))
        put(outnla, j, nla)
        put(outa, j, a)
        return cur_w

    lax.fori_loop(0, 32, seg_step, jnp.int32(-2 ** 30))

    pltpu.sync_copy(outm, m_hbm.at[pl.ds(sb, 32)])
    pltpu.sync_copy(outs, s_hbm.at[pl.ds(sb, 32)])
    pltpu.sync_copy(outd, d_hbm.at[pl.ds(sb, 32)])
    pltpu.sync_copy(outnla, nla_hbm.at[pl.ds(sb, 32)])
    pltpu.sync_copy(outa, a_hbm.at[pl.ds(sb, 32)])
    va = outa[pl.ds(0, 16)]
    vb = outa[pl.ds(16, 16)]
    rowscr[pl.ds(0, 16)] = lax.shift_right_logical(va, 3)
    rowscr[pl.ds(16, 16)] = lax.shift_right_logical(vb, 3)
    pltpu.async_copy(h_hbm.at[rowscr], rowsbuf, dsem).wait()
    for k in range(32):
        ak = va[k] if k < 16 else vb[k - 16]
        off = (ak & 7) * F
        hselloc[k // 8, pl.ds((k % 8) * F, F)] = rowsbuf[k, pl.ds(off, F)]
    for j in range(4):
        pltpu.sync_copy(hselloc.at[j],
                        hsel_hbm.at[pl.ds(sb * F + j * 128, 128)])


def _scb(nl, sc, h2d, offtabs):
    mesh = plsc.VectorSubcoreMesh(core_axis_name="c", subcore_axis_name="s")
    kern = pl.kernel(
        _scb_body,
        out_type=(
            jax.ShapeDtypeStruct((G,), jnp.float32),
            jax.ShapeDtypeStruct((G,), jnp.float32),
            jax.ShapeDtypeStruct((G,), jnp.float32),
            jax.ShapeDtypeStruct((G,), jnp.int32),
            jax.ShapeDtypeStruct((G,), jnp.float32),
            jax.ShapeDtypeStruct((G * F,), jnp.float32),
        ),
        mesh=mesh,
        scratch_types=[
            pltpu.VMEM((WSIZE,), jnp.float32),
            pltpu.VMEM((WSIZE,), jnp.float32),
            pltpu.VMEM((NWORK * OFFW,), jnp.int32),
            pltpu.VMEM((48,), jnp.int32),
            pltpu.VMEM((32,), jnp.float32),
            pltpu.VMEM((32,), jnp.float32),
            pltpu.VMEM((32,), jnp.float32),
            pltpu.VMEM((32,), jnp.float32),
            pltpu.VMEM((32,), jnp.int32),
            pltpu.VMEM((32,), jnp.int32),
            pltpu.VMEM((32, 128), jnp.float32),
            pltpu.VMEM((4, 128), jnp.float32),
            pltpu.SemaphoreType.DMA,
        ],
        compiler_params=pltpu.CompilerParams(needs_layout_passes=False),
    )
    return kern(nl, sc, h2d, offtabs)


def _tc2_body(hs, wa, ba, g2, mv, sv, dv, nla, lp_out, ent_out, act_out):
    al = jax.lax.dot_general(
        hs[...], wa[...], (((1,), (0,)), ((), ())),
        preferred_element_type=jnp.float32) + ba[...]
    rmax = jnp.max(al, axis=1, keepdims=True)
    sha = al - rmax
    lse = jnp.log(jnp.sum(jnp.exp(sha), axis=1, keepdims=True))
    logp = sha - lse
    sc2 = al + g2[...]
    smax = jnp.max(sc2, axis=1, keepdims=True)
    lanes = jax.lax.broadcasted_iota(jnp.int32, (G, N_ACT), 1)
    aidx = jnp.min(jnp.where(sc2 == smax, lanes, N_ACT), axis=1,
                   keepdims=True)
    alogp = jnp.sum(jnp.where(lanes == aidx, logp, 0.0), axis=1,
                    keepdims=True)
    aent = -jnp.sum(jnp.exp(logp) * logp, axis=1, keepdims=True)

    S = sv[...]
    logS = jnp.log(S)
    lp = (nla[...] - mv[...] - logS) + alogp.reshape(8, N_ACT)
    ent = (logS - dv[...] / S) + aent.reshape(8, N_ACT)
    lp_out[...] = lp
    ent_out[...] = ent
    act_out[...] = aidx.reshape(8, N_ACT)


def _tc2(hsel, wa, ba, g2, mv, sv, dv, nla):
    return pl.pallas_call(
        _tc2_body,
        out_shape=[
            jax.ShapeDtypeStruct((8, N_ACT), jnp.float32),
            jax.ShapeDtypeStruct((8, N_ACT), jnp.float32),
            jax.ShapeDtypeStruct((8, N_ACT), jnp.int32),
        ],
    )(hsel, wa, ba, g2, mv, sv, dv, nla)


def kernel(h, batch_idx, W_node, b_node, W_act, b_act):
    n = h.shape[0]

    kg = jax.random.key(42)
    g1 = jax.random.gumbel(kg, (n,), dtype=jnp.float32)
    g2 = jax.random.gumbel(jax.random.fold_in(kg, 1), (G, N_ACT),
                           dtype=jnp.float32)

    hlin = h.astype(jnp.float32).reshape(NROWS, 128)
    h3 = hlin.reshape(NROWS // RROW, RROW, 128)
    wvec = W_node.astype(jnp.float32).reshape(1, F)
    mm = (jnp.tile(wvec, (8, 1)).reshape(128, 1)
          * jnp.repeat(jnp.eye(8, dtype=jnp.float32), F, axis=0))
    nl2 = _tc1(h3, mm, b_node.reshape(1, 1).astype(jnp.float32))
    nl = jnp.pad(nl2.reshape(n), (0, NPAD2 - n))
    g1p = jnp.pad(g1, (0, NPAD2 - n))

    offtabs = _sca(batch_idx.astype(jnp.int32), n)
    mv, sv, dv, nidx, nla, hselflat = _scb(nl, g1p, hlin, offtabs)

    lp, ent, act = _tc2(
        hselflat.reshape(G, F), W_act.astype(jnp.float32),
        b_act.reshape(1, N_ACT).astype(jnp.float32),
        g2, mv.reshape(8, N_ACT), sv.reshape(8, N_ACT),
        dv.reshape(8, N_ACT), nla.reshape(8, N_ACT))

    actions = jnp.stack([nidx, act.reshape(G)], axis=-1)
    return actions, lp.reshape(G), ent.reshape(G)

# --- scband reference (transcript-rebuilt; emitter-appended) ---
"""Pipeline reference for scband-gnnpolicy-51943334478183 (READ-ONLY COPY).

The authoritative reference and input builder live on the scoring server;
editing this copy changes nothing except your own understanding.
"""

import jax, jax.numpy as jnp
import numpy as np

NUM_ACTIONS = 128
N = 100000
G = 1024

def setup_inputs(seed: int = 0):
    key = jax.random.key(seed)
    k1, k2, k3, k4 = jax.random.split(key, 4)
    h = jax.random.normal(k1, (N, 16), dtype=jnp.float32)
    batch_idx = jnp.sort(jax.random.randint(k2, (N,), 0, G))
    batch_idx = batch_idx.at[-1].set(G - 1)  # ensure num_graphs == G
    W_node = jax.random.normal(k3, (16, 1), dtype=jnp.float32) * 0.25
    b_node = jnp.zeros((1,), dtype=jnp.float32)
    W_act = jax.random.normal(k4, (16, NUM_ACTIONS), dtype=jnp.float32) * 0.25
    b_act = jnp.zeros((NUM_ACTIONS,), dtype=jnp.float32)
    return {"h": h, "batch_idx": batch_idx, "W_node": W_node, "b_node": b_node, "W_act": W_act, "b_act": b_act}

def reference(h, batch_idx, W_node, b_node, W_act, b_act):
    n = h.shape[0]
    num_graphs = G
    node_logits = (h @ W_node + b_node).squeeze(-1)
    action_logits = h @ W_act + b_act
    node_mask = jnp.ones((n,), dtype=bool)
    action_mask = jnp.ones((num_graphs, NUM_ACTIONS), dtype=bool)
    neg_inf = jnp.float32(-1e9)
    # --- node distribution: segment softmax over nodes of each graph ---
    nl = jnp.where(node_mask, node_logits, neg_inf)
    seg_max = jax.ops.segment_max(nl, batch_idx, num_segments=num_graphs)
    shifted = nl - seg_max[batch_idx]
    ex = jnp.exp(shifted)
    seg_sum = jax.ops.segment_sum(ex, batch_idx, num_segments=num_graphs)
    logp_node_all = shifted - jnp.log(seg_sum)[batch_idx]
    p_node_all = ex / seg_sum[batch_idx]
    # --- sample one node per graph via gumbel-max within segments ---
    kg = jax.random.key(42)
    g1 = jax.random.gumbel(kg, (n,), dtype=jnp.float32)
    scores = jnp.where(node_mask, nl + g1, neg_inf)
    seg_best = jax.ops.segment_max(scores, batch_idx, num_segments=num_graphs)
    winner = jnp.where(scores == seg_best[batch_idx], jnp.arange(n), -1)
    node_idx = jax.ops.segment_max(winner, batch_idx, num_segments=num_graphs)
    node_logp = logp_node_all[node_idx]
    node_ent = -jax.ops.segment_sum(p_node_all * logp_node_all, batch_idx, num_segments=num_graphs)
    # --- action distribution conditioned on sampled node ---
    al = action_logits[node_idx]
    al = jnp.where(action_mask, al, neg_inf)
    al_logp = jax.nn.log_softmax(al, axis=-1)
    al_p = jnp.exp(al_logp)
    g2 = jax.random.gumbel(jax.random.fold_in(kg, 1), (num_graphs, NUM_ACTIONS), dtype=jnp.float32)
    act_idx = jnp.argmax(jnp.where(action_mask, al + g2, neg_inf), axis=-1)
    act_logp = jnp.take_along_axis(al_logp, act_idx[:, None], axis=-1).squeeze(-1)
    act_ent = -jnp.sum(al_p * al_logp, axis=-1)
    actions = jnp.stack([node_idx, act_idx], axis=-1)
    logprob = node_logp + act_logp
    entropy = node_ent + act_ent
    return actions, logprob, entropy

if __name__ == "__main__":
    import jax
    _d = setup_inputs()
    print(jax.jit(kernel)(*tuple(_d.values())))

</pallas_src>

<mosaic_0001>
#map = affine_map<(d0, d1) -> (0)>
module attributes {stable_mosaic.version = 14 : i64} {
  func.func @_sca_body(%arg0: i32, %arg1: i32, %arg2: memref<100000xi32, #tpu.memory_space<hbm>>, %arg3: memref<33280xi32, #tpu.memory_space<hbm>>, %arg4: memref<3152xi32, #tpu.memory_space<vmem>>, %arg5: memref<1040xi32, #tpu.memory_space<vmem>>, %arg6: memref<!tpu.dma_semaphore, #tpu.memory_space<semaphore_mem>>) attributes {dimension_semantics = [#tpu.dimension_semantics<core_parallel>, #tpu.dimension_semantics<subcore_parallel>], iteration_bounds = array<i64: 2, 16>, scalar_prefetch = 0 : i64, scratch_operands = 3 : i64, tpu.core_type = #tpu.core_type<sc_vector_subcore>, window_params = [{transform_indices = #map}, {transform_indices = #map}]} {
    %mul3A = arith.constant 2 : i32
    %mul3A_0 = arith.muli %arg1, %mul3A : i32
    %add3A = arith.addi %mul3A_0, %arg0 : i32
    %iota3A = tpu.iota {dimensions = array<i32: 0>} : vector<16xi32>
    %broadcast_in_dim3A = arith.constant -1 : i32
    %broadcast_in_dim3A_1 = vector.broadcast %broadcast_in_dim3A : i32 to vector<16xi32>
    %lt3A = arith.constant 31 : i32
    %lt3A_2 = arith.cmpi slt, %add3A, %lt3A : i32
    %convert_element_type3A = arith.extui %lt3A_2 : i1 to i32
    %cond3A = arith.constant 0 : i32
    %cond3A_3 = arith.cmpi ne, %convert_element_type3A, %cond3A : i32
    scf.if %cond3A_3 {
      %mul3A_170 = arith.constant 3136 : i32
      %mul3A_171 = arith.muli %add3A, %mul3A_170 : i32
      "tpu.region"() ({
        %run_scoped3A = tpu.sem_alloc : memref<!tpu.dma_semaphore, #tpu.memory_space<semaphore_mem>>
        %dma_start3A = arith.constant 16 : i32
        %dma_start3A_172 = tpu.memref_slice %arg4[%dma_start3A] : memref<3152xi32, #tpu.memory_space<vmem>> -> memref<3136xi32, #tpu.memory_space<vmem>>
        %dma_start3A_173 = tpu.memref_slice %arg2[%mul3A_171] : memref<100000xi32, #tpu.memory_space<hbm>> -> memref<3136xi32, #tpu.memory_space<hbm>>
        %dma_start3A_174 = arith.constant 16 : i32
        %dma_start3A_175 = tpu.memref_slice %arg4[%dma_start3A_174] : memref<3152xi32, #tpu.memory_space<vmem>> -> memref<3136xi32, #tpu.memory_space<vmem>>
        %dma_start3A_176 = tpu.memref_slice %arg2[%mul3A_171] : memref<100000xi32, #tpu.memory_space<hbm>> -> memref<3136xi32, #tpu.memory_space<hbm>>
        tpu.enqueue_dma source(%dma_start3A_176 : memref<3136xi32, #tpu.memory_space<hbm>>) target(%dma_start3A_175 : memref<3136xi32, #tpu.memory_space<vmem>>) target_semaphore(%run_scoped3A : memref<!tpu.dma_semaphore, #tpu.memory_space<semaphore_mem>>)
        %dma_wait3A = arith.constant 16 : i32
        %dma_wait3A_177 = tpu.memref_slice %arg4[%dma_wait3A] : memref<3152xi32, #tpu.memory_space<vmem>> -> memref<3136xi32, #tpu.memory_space<vmem>>
        %dma_wait3A_178 = tpu.memref_slice %arg2[%mul3A_171] : memref<100000xi32, #tpu.memory_space<hbm>> -> memref<3136xi32, #tpu.memory_space<hbm>>
        %dma_wait3A_179 = arith.constant 16 : i32
        %dma_wait3A_180 = tpu.memref_slice %arg4[%dma_wait3A_179] : memref<3152xi32, #tpu.memory_space<vmem>> -> memref<3136xi32, #tpu.memory_space<vmem>>
        %dma_wait3A_181 = tpu.memref_slice %arg2[%mul3A_171] : memref<100000xi32, #tpu.memory_space<hbm>> -> memref<3136xi32, #tpu.memory_space<hbm>>
        tpu.wait_dma2 semaphore(%run_scoped3A : memref<!tpu.dma_semaphore, #tpu.memory_space<semaphore_mem>>) src(%dma_wait3A_181 : memref<3136xi32, #tpu.memory_space<hbm>>) dst(%dma_wait3A_180 : memref<3136xi32, #tpu.memory_space<vmem>>)
        tpu.yield
      }) : () -> ()
    } else {
    }
    %eq3A = arith.constant 31 : i32
    %eq3A_4 = arith.cmpi eq, %add3A, %eq3A : i32
    %convert_element_type3A_5 = arith.extui %eq3A_4 : i1 to i32
    %cond3A_6 = arith.constant 0 : i32
    %cond3A_7 = arith.cmpi ne, %convert_element_type3A_5, %cond3A_6 : i32
    scf.if %cond3A_7 {
      "tpu.region"() ({
        %run_scoped3A = tpu.sem_alloc : memref<!tpu.dma_semaphore, #tpu.memory_space<semaphore_mem>>
        %dma_start3A = arith.constant 16 : i32
        %dma_start3A_170 = tpu.memref_slice %arg4[%dma_start3A] : memref<3152xi32, #tpu.memory_space<vmem>> -> memref<2784xi32, #tpu.memory_space<vmem>>
        %dma_start3A_171 = arith.constant 97216 : i32
        %dma_start3A_172 = tpu.memref_slice %arg2[%dma_start3A_171] : memref<100000xi32, #tpu.memory_space<hbm>> -> memref<2784xi32, #tpu.memory_space<hbm>>
        %dma_start3A_173 = arith.constant 16 : i32
        %dma_start3A_174 = tpu.memref_slice %arg4[%dma_start3A_173] : memref<3152xi32, #tpu.memory_space<vmem>> -> memref<2784xi32, #tpu.memory_space<vmem>>
        %dma_start3A_175 = arith.constant 97216 : i32
        %dma_start3A_176 = tpu.memref_slice %arg2[%dma_start3A_175] : memref<100000xi32, #tpu.memory_space<hbm>> -> memref<2784xi32, #tpu.memory_space<hbm>>
        tpu.enqueue_dma source(%dma_start3A_176 : memref<2784xi32, #tpu.memory_space<hbm>>) target(%dma_start3A_174 : memref<2784xi32, #tpu.memory_space<vmem>>) target_semaphore(%run_scoped3A : memref<!tpu.dma_semaphore, #tpu.memory_space<semaphore_mem>>)
        %dma_wait3A = arith.constant 16 : i32
        %dma_wait3A_177 = tpu.memref_slice %arg4[%dma_wait3A] : memref<3152xi32, #tpu.memory_space<vmem>> -> memref<2784xi32, #tpu.memory_space<vmem>>
        %dma_wait3A_178 = arith.constant 97216 : i32
        %dma_wait3A_179 = tpu.memref_slice %arg2[%dma_wait3A_178] : memref<100000xi32, #tpu.memory_space<hbm>> -> memref<2784xi32, #tpu.memory_space<hbm>>
        %dma_wait3A_180 = arith.constant 16 : i32
        %dma_wait3A_181 = tpu.memref_slice %arg4[%dma_wait3A_180] : memref<3152xi32, #tpu.memory_space<vmem>> -> memref<2784xi32, #tpu.memory_space<vmem>>
        %dma_wait3A_182 = arith.constant 97216 : i32
        %dma_wait3A_183 = tpu.memref_slice %arg2[%dma_wait3A_182] : memref<100000xi32, #tpu.memory_space<hbm>> -> memref<2784xi32, #tpu.memory_space<hbm>>
        tpu.wait_dma2 semaphore(%run_scoped3A : memref<!tpu.dma_semaphore, #tpu.memory_space<semaphore_mem>>) src(%dma_wait3A_183 : memref<2784xi32, #tpu.memory_space<hbm>>) dst(%dma_wait3A_181 : memref<2784xi32, #tpu.memory_space<vmem>>)
        tpu.yield
      }) : () -> ()
    } else {
    }
    %gt3A = arith.constant 0 : i32
    %gt3A_8 = arith.cmpi sgt, %add3A, %gt3A : i32
    %convert_element_type3A_9 = arith.extui %gt3A_8 : i1 to i32
    %cond3A_10 = arith.constant 0 : i32
    %cond3A_11 = arith.cmpi ne, %convert_element_type3A_9, %cond3A_10 : i32
    scf.if %cond3A_11 {
      %mul3A_170 = arith.constant 3136 : i32
      %mul3A_171 = arith.muli %add3A, %mul3A_170 : i32
      %sub3A = arith.constant 16 : i32
      %sub3A_172 = arith.subi %mul3A_171, %sub3A : i32
      "tpu.region"() ({
        %run_scoped3A = tpu.sem_alloc : memref<!tpu.dma_semaphore, #tpu.memory_space<semaphore_mem>>
        %dma_start3A = arith.constant 0 : i32
        %dma_start3A_173 = tpu.memref_slice %arg4[%dma_start3A] : memref<3152xi32, #tpu.memory_space<vmem>> -> memref<16xi32, #tpu.memory_space<vmem>>
        %dma_start3A_174 = tpu.memref_slice %arg2[%sub3A_172] : memref<100000xi32, #tpu.memory_space<hbm>> -> memref<16xi32, #tpu.memory_space<hbm>>
        %dma_start3A_175 = arith.constant 0 : i32
        %dma_start3A_176 = tpu.memref_slice %arg4[%dma_start3A_175] : memref<3152xi32, #tpu.memory_space<vmem>> -> memref<16xi32, #tpu.memory_space<vmem>>
        %dma_start3A_177 = tpu.memref_slice %arg2[%sub3A_172] : memref<100000xi32, #tpu.memory_space<hbm>> -> memref<16xi32, #tpu.memory_space<hbm>>
        tpu.enqueue_dma source(%dma_start3A_177 : memref<16xi32, #tpu.memory_space<hbm>>) target(%dma_start3A_176 : memref<16xi32, #tpu.memory_space<vmem>>) target_semaphore(%run_scoped3A : memref<!tpu.dma_semaphore, #tpu.memory_space<semaphore_mem>>)
        %dma_wait3A = arith.constant 0 : i32
        %dma_wait3A_178 = tpu.memref_slice %arg4[%dma_wait3A] : memref<3152xi32, #tpu.memory_space<vmem>> -> memref<16xi32, #tpu.memory_space<vmem>>
        %dma_wait3A_179 = tpu.memref_slice %arg2[%sub3A_172] : memref<100000xi32, #tpu.memory_space<hbm>> -> memref<16xi32, #tpu.memory_space<hbm>>
        %dma_wait3A_180 = arith.constant 0 : i32
        %dma_wait3A_181 = tpu.memref_slice %arg4[%dma_wait3A_180] : memref<3152xi32, #tpu.memory_space<vmem>> -> memref<16xi32, #tpu.memory_space<vmem>>
        %dma_wait3A_182 = tpu.memref_slice %arg2[%sub3A_172] : memref<100000xi32, #tpu.memory_space<hbm>> -> memref<16xi32, #tpu.memory_space<hbm>>
        tpu.wait_dma2 semaphore(%run_scoped3A : memref<!tpu.dma_semaphore, #tpu.memory_space<semaphore_mem>>) src(%dma_wait3A_182 : memref<16xi32, #tpu.memory_space<hbm>>) dst(%dma_wait3A_181 : memref<16xi32, #tpu.memory_space<vmem>>)
        tpu.yield
      }) : () -> ()
    } else {
    }
    %eq3A_12 = arith.constant 0 : i32
    %eq3A_13 = arith.cmpi eq, %add3A, %eq3A_12 : i32
    %convert_element_type3A_14 = arith.extui %eq3A_13 : i1 to i32
    %cond3A_15 = arith.constant 0 : i32
    %cond3A_16 = arith.cmpi ne, %convert_element_type3A_14, %cond3A_15 : i32
    scf.if %cond3A_16 {
      %swap3A_170 = arith.constant 0 : index
      %swap3A_171 = tpu.vector_load %arg4[%swap3A_170] {strides = array<i32>} : memref<3152xi32, #tpu.memory_space<vmem>>, vector<16xi32>,
      tpu.vector_store %arg4[%swap3A_170], %broadcast_in_dim3A_1 {strides = array<i32>} : memref<3152xi32, #tpu.memory_space<vmem>>, vector<16xi32>,
    } else {
    }
    %swap3A = arith.constant 0 : index
    %swap3A_17 = tpu.vector_load %arg5[%swap3A] {strides = array<i32>} : memref<1040xi32, #tpu.memory_space<vmem>>, vector<16xi32>,
    tpu.vector_store %arg5[%swap3A], %broadcast_in_dim3A_1 {strides = array<i32>} : memref<1040xi32, #tpu.memory_space<vmem>>, vector<16xi32>,
    %swap3A_18 = arith.constant 16 : index
    %swap3A_19 = tpu.vector_load %arg5[%swap3A_18] {strides = array<i32>} : memref<1040xi32, #tpu.memory_space<vmem>>, vector<16xi32>,
    tpu.vector_store %arg5[%swap3A_18], %broadcast_in_dim3A_1 {strides = array<i32>} : memref<1040xi32, #tpu.memory_space<vmem>>, vector<16xi32>,
    %swap3A_20 = arith.constant 32 : index
    %swap3A_21 = tpu.vector_load %arg5[%swap3A_20] {strides = array<i32>} : memref<1040xi32, #tpu.memory_space<vmem>>, vector<16xi32>,
    tpu.vector_store %arg5[%swap3A_20], %broadcast_in_dim3A_1 {strides = array<i32>} : memref<1040xi32, #tpu.memory_space<vmem>>, vector<16xi32>,
    %swap3A_22 = arith.constant 48 : index
    %swap3A_23 = tpu.vector_load %arg5[%swap3A_22] {strides = array<i32>} : memref<1040xi32, #tpu.memory_space<vmem>>, vector<16xi32>,
    tpu.vector_store %arg5[%swap3A_22], %broadcast_in_dim3A_1 {strides = array<i32>} : memref<1040xi32, #tpu.memory_space<vmem>>, vector<16xi32>,
    %swap3A_24 = arith.constant 64 : index
    %swap3A_25 = tpu.vector_load %arg5[%swap3A_24] {strides = array<i32>} : memref<1040xi32, #tpu.memory_space<vmem>>, vector<16xi32>,
    tpu.vector_store %arg5[%swap3A_24], %broadcast_in_dim3A_1 {strides = array<i32>} : memref<1040xi32, #tpu.memory_space<vmem>>, vector<16xi32>,
    %swap3A_26 = arith.constant 80 : index
    %swap3A_27 = tpu.vector_load %arg5[%swap3A_26] {strides = array<i32>} : memref<1040xi32, #tpu.memory_space<vmem>>, vector<16xi32>,
    tpu.vector_store %arg5[%swap3A_26], %broadcast_in_dim3A_1 {strides = array<i32>} : memref<1040xi32, #tpu.memory_space<vmem>>, vector<16xi32>,
    %swap3A_28 = arith.constant 96 : index
    %swap3A_29 = tpu.vector_load %arg5[%swap3A_28] {strides = array<i32>} : memref<1040xi32, #tpu.memory_space<vmem>>, vector<16xi32>,
    tpu.vector_store %arg5[%swap3A_28], %broadcast_in_dim3A_1 {strides = array<i32>} : memref<1040xi32, #tpu.memory_space<vmem>>, vector<16xi32>,
    %swap3A_30 = arith.constant 112 : index
    %swap3A_31 = tpu.vector_load %arg5[%swap3A_30] {strides = array<i32>} : memref<1040xi32, #tpu.memory_space<vmem>>, vector<16xi32>,
    tpu.vector_store %arg5[%swap3A_30], %broadcast_in_dim3A_1 {strides = array<i32>} : memref<1040xi32, #tpu.memory_space<vmem>>, vector<16xi32>,
    %swap3A_32 = arith.constant 128 : index
    %swap3A_33 = tpu.vector_load %arg5[%swap3A_32] {strides = array<i32>} : memref<1040xi32, #tpu.memory_space<vmem>>, vector<16xi32>,
    tpu.vector_store %arg5[%swap3A_32], %broadcast_in_dim3A_1 {strides = array<i32>} : memref<1040xi32, #tpu.memory_space<vmem>>, vector<16xi32>,
    %swap3A_34 = arith.constant 144 : index
    %swap3A_35 = tpu.vector_load %arg5[%swap3A_34] {strides = array<i32>} : memref<1040xi32, #tpu.memory_space<vmem>>, vector<16xi32>,
    tpu.vector_store %arg5[%swap3A_34], %broadcast_in_dim3A_1 {strides = array<i32>} : memref<1040xi32, #tpu.memory_space<vmem>>, vector<16xi32>,
    %swap3A_36 = arith.constant 160 : index
    %swap3A_37 = tpu.vector_load %arg5[%swap3A_36] {strides = array<i32>} : memref<1040xi32, #tpu.memory_space<vmem>>, vector<16xi32>,
    tpu.vector_store %arg5[%swap3A_36], %broadcast_in_dim3A_1 {strides = array<i32>} : memref<1040xi32, #tpu.memory_space<vmem>>, vector<16xi32>,
    %swap3A_38 = arith.constant 176 : index
    %swap3A_39 = tpu.vector_load %arg5[%swap3A_38] {strides = array<i32>} : memref<1040xi32, #tpu.memory_space<vmem>>, vector<16xi32>,
    tpu.vector_store %arg5[%swap3A_38], %broadcast_in_dim3A_1 {strides = array<i32>} : memref<1040xi32, #tpu.memory_space<vmem>>, vector<16xi32>,
    %swap3A_40 = arith.constant 192 : index
    %swap3A_41 = tpu.vector_load %arg5[%swap3A_40] {strides = array<i32>} : memref<1040xi32, #tpu.memory_space<vmem>>, vector<16xi32>,
    tpu.vector_store %arg5[%swap3A_40], %broadcast_in_dim3A_1 {strides = array<i32>} : memref<1040xi32, #tpu.memory_space<vmem>>, vector<16xi32>,
    %swap3A_42 = arith.constant 208 : index
    %swap3A_43 = tpu.vector_load %arg5[%swap3A_42] {strides = array<i32>} : memref<1040xi32, #tpu.memory_space<vmem>>, vector<16xi32>,
    tpu.vector_store %arg5[%swap3A_42], %broadcast_in_dim3A_1 {strides = array<i32>} : memref<1040xi32, #tpu.memory_space<vmem>>, vector<16xi32>,
    %swap3A_44 = arith.constant 224 : index
    %swap3A_45 = tpu.vector_load %arg5[%swap3A_44] {strides = array<i32>} : memref<1040xi32, #tpu.memory_space<vmem>>, vector<16xi32>,
    tpu.vector_store %arg5[%swap3A_44], %broadcast_in_dim3A_1 {strides = array<i32>} : memref<1040xi32, #tpu.memory_space<vmem>>, vector<16xi32>,
    %swap3A_46 = arith.constant 240 : index
    %swap3A_47 = tpu.vector_load %arg5[%swap3A_46] {strides = array<i32>} : memref<1040xi32, #tpu.memory_space<vmem>>, vector<16xi32>,
    tpu.vector_store %arg5[%swap3A_46], %broadcast_in_dim3A_1 {strides = array<i32>} : memref<1040xi32, #tpu.memory_space<vmem>>, vector<16xi32>,
    %swap3A_48 = arith.constant 256 : index
    %swap3A_49 = tpu.vector_load %arg5[%swap3A_48] {strides = array<i32>} : memref<1040xi32, #tpu.memory_space<vmem>>, vector<16xi32>,
    tpu.vector_store %arg5[%swap3A_48], %broadcast_in_dim3A_1 {strides = array<i32>} : memref<1040xi32, #tpu.memory_space<vmem>>, vector<16xi32>,
    %swap3A_50 = arith.constant 272 : index
    %swap3A_51 = tpu.vector_load %arg5[%swap3A_50] {strides = array<i32>} : memref<1040xi32, #tpu.memory_space<vmem>>, vector<16xi32>,
    tpu.vector_store %arg5[%swap3A_50], %broadcast_in_dim3A_1 {strides = array<i32>} : memref<1040xi32, #tpu.memory_space<vmem>>, vector<16xi32>,
    %swap3A_52 = arith.constant 288 : index
    %swap3A_53 = tpu.vector_load %arg5[%swap3A_52] {strides = array<i32>} : memref<1040xi32, #tpu.memory_space<vmem>>, vector<16xi32>,
    tpu.vector_store %arg5[%swap3A_52], %broadcast_in_dim3A_1 {strides = array<i32>} : memref<1040xi32, #tpu.memory_space<vmem>>, vector<16xi32>,
    %swap3A_54 = arith.constant 304 : index
    %swap3A_55 = tpu.vector_load %arg5[%swap3A_54] {strides = array<i32>} : memref<1040xi32, #tpu.memory_space<vmem>>, vector<16xi32>,
    tpu.vector_store %arg5[%swap3A_54], %broadcast_in_dim3A_1 {strides = array<i32>} : memref<1040xi32, #tpu.memory_space<vmem>>, vector<16xi32>,
    %swap3A_56 = arith.constant 320 : index
    %swap3A_57 = tpu.vector_load %arg5[%swap3A_56] {strides = array<i32>} : memref<1040xi32, #tpu.memory_space<vmem>>, vector<16xi32>,
    tpu.vector_store %arg5[%swap3A_56], %broadcast_in_dim3A_1 {strides = array<i32>} : memref<1040xi32, #tpu.memory_space<vmem>>, vector<16xi32>,
    %swap3A_58 = arith.constant 336 : index
    %swap3A_59 = tpu.vector_load %arg5[%swap3A_58] {strides = array<i32>} : memref<1040xi32, #tpu.memory_space<vmem>>, vector<16xi32>,
    tpu.vector_store %arg5[%swap3A_58], %broadcast_in_dim3A_1 {strides = array<i32>} : memref<1040xi32, #tpu.memory_space<vmem>>, vector<16xi32>,
    %swap3A_60 = arith.constant 352 : index
    %swap3A_61 = tpu.vector_load %arg5[%swap3A_60] {strides = array<i32>} : memref<1040xi32, #tpu.memory_space<vmem>>, vector<16xi32>,
    tpu.vector_store %arg5[%swap3A_60], %broadcast_in_dim3A_1 {strides = array<i32>} : memref<1040xi32, #tpu.memory_space<vmem>>, vector<16xi32>,
    %swap3A_62 = arith.constant 368 : index
    %swap3A_63 = tpu.vector_load %arg5[%swap3A_62] {strides = array<i32>} : memref<1040xi32, #tpu.memory_space<vmem>>, vector<16xi32>,
    tpu.vector_store %arg5[%swap3A_62], %broadcast_in_dim3A_1 {strides = array<i32>} : memref<1040xi32, #tpu.memory_space<vmem>>, vector<16xi32>,
    %swap3A_64 = arith.constant 384 : index
    %swap3A_65 = tpu.vector_load %arg5[%swap3A_64] {strides = array<i32>} : memref<1040xi32, #tpu.memory_space<vmem>>, vector<16xi32>,
    tpu.vector_store %arg5[%swap3A_64], %broadcast_in_dim3A_1 {strides = array<i32>} : memref<1040xi32, #tpu.memory_space<vmem>>, vector<16xi32>,
    %swap3A_66 = arith.constant 400 : index
    %swap3A_67 = tpu.vector_load %arg5[%swap3A_66] {strides = array<i32>} : memref<1040xi32, #tpu.memory_space<vmem>>, vector<16xi32>,
    tpu.vector_store %arg5[%swap3A_66], %broadcast_in_dim3A_1 {strides = array<i32>} : memref<1040xi32, #tpu.memory_space<vmem>>, vector<16xi32>,
    %swap3A_68 = arith.constant 416 : index
    %swap3A_69 = tpu.vector_load %arg5[%swap3A_68] {strides = array<i32>} : memref<1040xi32, #tpu.memory_space<vmem>>, vector<16xi32>,
    tpu.vector_store %arg5[%swap3A_68], %broadcast_in_dim3A_1 {strides = array<i32>} : memref<1040xi32, #tpu.memory_space<vmem>>, vector<16xi32>,
    %swap3A_70 = arith.constant 432 : index
    %swap3A_71 = tpu.vector_load %arg5[%swap3A_70] {strides = array<i32>} : memref<1040xi32, #tpu.memory_space<vmem>>, vector<16xi32>,
    tpu.vector_store %arg5[%swap3A_70], %broadcast_in_dim3A_1 {strides = array<i32>} : memref<1040xi32, #tpu.memory_space<vmem>>, vector<16xi32>,
    %swap3A_72 = arith.constant 448 : index
    %swap3A_73 = tpu.vector_load %arg5[%swap3A_72] {strides = array<i32>} : memref<1040xi32, #tpu.memory_space<vmem>>, vector<16xi32>,
    tpu.vector_store %arg5[%swap3A_72], %broadcast_in_dim3A_1 {strides = array<i32>} : memref<1040xi32, #tpu.memory_space<vmem>>, vector<16xi32>,
    %swap3A_74 = arith.constant 464 : index
    %swap3A_75 = tpu.vector_load %arg5[%swap3A_74] {strides = array<i32>} : memref<1040xi32, #tpu.memory_space<vmem>>, vector<16xi32>,
    tpu.vector_store %arg5[%swap3A_74], %broadcast_in_dim3A_1 {strides = array<i32>} : memref<1040xi32, #tpu.memory_space<vmem>>, vector<16xi32>,
    %swap3A_76 = arith.constant 480 : index
    %swap3A_77 = tpu.vector_load %arg5[%swap3A_76] {strides = array<i32>} : memref<1040xi32, #tpu.memory_space<vmem>>, vector<16xi32>,
    tpu.vector_store %arg5[%swap3A_76], %broadcast_in_dim3A_1 {strides = array<i32>} : memref<1040xi32, #tpu.memory_space<vmem>>, vector<16xi32>,
    %swap3A_78 = arith.constant 496 : index
    %swap3A_79 = tpu.vector_load %arg5[%swap3A_78] {strides = array<i32>} : memref<1040xi32, #tpu.memory_space<vmem>>, vector<16xi32>,
    tpu.vector_store %arg5[%swap3A_78], %broadcast_in_dim3A_1 {strides = array<i32>} : memref<1040xi32, #tpu.memory_space<vmem>>, vector<16xi32>,
    %swap3A_80 = arith.constant 512 : index
    %swap3A_81 = tpu.vector_load %arg5[%swap3A_80] {strides = array<i32>} : memref<1040xi32, #tpu.memory_space<vmem>>, vector<16xi32>,
    tpu.vector_store %arg5[%swap3A_80], %broadcast_in_dim3A_1 {strides = array<i32>} : memref<1040xi32, #tpu.memory_space<vmem>>, vector<16xi32>,
    %swap3A_82 = arith.constant 528 : index
    %swap3A_83 = tpu.vector_load %arg5[%swap3A_82] {strides = array<i32>} : memref<1040xi32, #tpu.memory_space<vmem>>, vector<16xi32>,
    tpu.vector_store %arg5[%swap3A_82], %broadcast_in_dim3A_1 {strides = array<i32>} : memref<1040xi32, #tpu.memory_space<vmem>>, vector<16xi32>,
    %swap3A_84 = arith.constant 544 : index
    %swap3A_85 = tpu.vector_load %arg5[%swap3A_84] {strides = array<i32>} : memref<1040xi32, #tpu.memory_space<vmem>>, vector<16xi32>,
    tpu.vector_store %arg5[%swap3A_84], %broadcast_in_dim3A_1 {strides = array<i32>} : memref<1040xi32, #tpu.memory_space<vmem>>, vector<16xi32>,
    %swap3A_86 = arith.constant 560 : index
    %swap3A_87 = tpu.vector_load %arg5[%swap3A_86] {strides = array<i32>} : memref<1040xi32, #tpu.memory_space<vmem>>, vector<16xi32>,
    tpu.vector_store %arg5[%swap3A_86], %broadcast_in_dim3A_1 {strides = array<i32>} : memref<1040xi32, #tpu.memory_space<vmem>>, vector<16xi32>,
    %swap3A_88 = arith.constant 576 : index
    %swap3A_89 = tpu.vector_load %arg5[%swap3A_88] {strides = array<i32>} : memref<1040xi32, #tpu.memory_space<vmem>>, vector<16xi32>,
    tpu.vector_store %arg5[%swap3A_88], %broadcast_in_dim3A_1 {strides = array<i32>} : memref<1040xi32, #tpu.memory_space<vmem>>, vector<16xi32>,
    %swap3A_90 = arith.constant 592 : index
    %swap3A_91 = tpu.vector_load %arg5[%swap3A_90] {strides = array<i32>} : memref<1040xi32, #tpu.memory_space<vmem>>, vector<16xi32>,
    tpu.vector_store %arg5[%swap3A_90], %broadcast_in_dim3A_1 {strides = array<i32>} : memref<1040xi32, #tpu.memory_space<vmem>>, vector<16xi32>,
    %swap3A_92 = arith.constant 608 : index
    %swap3A_93 = tpu.vector_load %arg5[%swap3A_92] {strides = array<i32>} : memref<1040xi32, #tpu.memory_space<vmem>>, vector<16xi32>,
    tpu.vector_store %arg5[%swap3A_92], %broadcast_in_dim3A_1 {strides = array<i32>} : memref<1040xi32, #tpu.memory_space<vmem>>, vector<16xi32>,
    %swap3A_94 = arith.constant 624 : index
    %swap3A_95 = tpu.vector_load %arg5[%swap3A_94] {strides = array<i32>} : memref<1040xi32, #tpu.memory_space<vmem>>, vector<16xi32>,
    tpu.vector_store %arg5[%swap3A_94], %broadcast_in_dim3A_1 {strides = array<i32>} : memref<1040xi32, #tpu.memory_space<vmem>>, vector<16xi32>,
    %swap3A_96 = arith.constant 640 : index
    %swap3A_97 = tpu.vector_load %arg5[%swap3A_96] {strides = array<i32>} : memref<1040xi32, #tpu.memory_space<vmem>>, vector<16xi32>,
    tpu.vector_store %arg5[%swap3A_96], %broadcast_in_dim3A_1 {strides = array<i32>} : memref<1040xi32, #tpu.memory_space<vmem>>, vector<16xi32>,
    %swap3A_98 = arith.constant 656 : index
    %swap3A_99 = tpu.vector_load %arg5[%swap3A_98] {strides = array<i32>} : memref<1040xi32, #tpu.memory_space<vmem>>, vector<16xi32>,
    tpu.vector_store %arg5[%swap3A_98], %broadcast_in_dim3A_1 {strides = array<i32>} : memref<1040xi32, #tpu.memory_space<vmem>>, vector<16xi32>,
    %swap3A_100 = arith.constant 672 : index
    %swap3A_101 = tpu.vector_load %arg5[%swap3A_100] {strides = array<i32>} : memref<1040xi32, #tpu.memory_space<vmem>>, vector<16xi32>,
    tpu.vector_store %arg5[%swap3A_100], %broadcast_in_dim3A_1 {strides = array<i32>} : memref<1040xi32, #tpu.memory_space<vmem>>, vector<16xi32>,
    %swap3A_102 = arith.constant 688 : index
    %swap3A_103 = tpu.vector_load %arg5[%swap3A_102] {strides = array<i32>} : memref<1040xi32, #tpu.memory_space<vmem>>, vector<16xi32>,
    tpu.vector_store %arg5[%swap3A_102], %broadcast_in_dim3A_1 {strides = array<i32>} : memref<1040xi32, #tpu.memory_space<vmem>>, vector<16xi32>,
    %swap3A_104 = arith.constant 704 : index
    %swap3A_105 = tpu.vector_load %arg5[%swap3A_104] {strides = array<i32>} : memref<1040xi32, #tpu.memory_space<vmem>>, vector<16xi32>,
    tpu.vector_store %arg5[%swap3A_104], %broadcast_in_dim3A_1 {strides = array<i32>} : memref<1040xi32, #tpu.memory_space<vmem>>, vector<16xi32>,
    %swap3A_106 = arith.constant 720 : index
    %swap3A_107 = tpu.vector_load %arg5[%swap3A_106] {strides = array<i32>} : memref<1040xi32, #tpu.memory_space<vmem>>, vector<16xi32>,
    tpu.vector_store %arg5[%swap3A_106], %broadcast_in_dim3A_1 {strides = array<i32>} : memref<1040xi32, #tpu.memory_space<vmem>>, vector<16xi32>,
    %swap3A_108 = arith.constant 736 : index
    %swap3A_109 = tpu.vector_load %arg5[%swap3A_108] {strides = array<i32>} : memref<1040xi32, #tpu.memory_space<vmem>>, vector<16xi32>,
    tpu.vector_store %arg5[%swap3A_108], %broadcast_in_dim3A_1 {strides = array<i32>} : memref<1040xi32, #tpu.memory_space<vmem>>, vector<16xi32>,
    %swap3A_110 = arith.constant 752 : index
    %swap3A_111 = tpu.vector_load %arg5[%swap3A_110] {strides = array<i32>} : memref<1040xi32, #tpu.memory_space<vmem>>, vector<16xi32>,
    tpu.vector_store %arg5[%swap3A_110], %broadcast_in_dim3A_1 {strides = array<i32>} : memref<1040xi32, #tpu.memory_space<vmem>>, vector<16xi32>,
    %swap3A_112 = arith.constant 768 : index
    %swap3A_113 = tpu.vector_load %arg5[%swap3A_112] {strides = array<i32>} : memref<1040xi32, #tpu.memory_space<vmem>>, vector<16xi32>,
    tpu.vector_store %arg5[%swap3A_112], %broadcast_in_dim3A_1 {strides = array<i32>} : memref<1040xi32, #tpu.memory_space<vmem>>, vector<16xi32>,
    %swap3A_114 = arith.constant 784 : index
    %swap3A_115 = tpu.vector_load %arg5[%swap3A_114] {strides = array<i32>} : memref<1040xi32, #tpu.memory_space<vmem>>, vector<16xi32>,
    tpu.vector_store %arg5[%swap3A_114], %broadcast_in_dim3A_1 {strides = array<i32>} : memref<1040xi32, #tpu.memory_space<vmem>>, vector<16xi32>,
    %swap3A_116 = arith.constant 800 : index
    %swap3A_117 = tpu.vector_load %arg5[%swap3A_116] {strides = array<i32>} : memref<1040xi32, #tpu.memory_space<vmem>>, vector<16xi32>,
    tpu.vector_store %arg5[%swap3A_116], %broadcast_in_dim3A_1 {strides = array<i32>} : memref<1040xi32, #tpu.memory_space<vmem>>, vector<16xi32>,
    %swap3A_118 = arith.constant 816 : index
    %swap3A_119 = tpu.vector_load %arg5[%swap3A_118] {strides = array<i32>} : memref<1040xi32, #tpu.memory_space<vmem>>, vector<16xi32>,
    tpu.vector_store %arg5[%swap3A_118], %broadcast_in_dim3A_1 {strides = array<i32>} : memref<1040xi32, #tpu.memory_space<vmem>>, vector<16xi32>,
    %swap3A_120 = arith.constant 832 : index
    %swap3A_121 = tpu.vector_load %arg5[%swap3A_120] {strides = array<i32>} : memref<1040xi32, #tpu.memory_space<vmem>>, vector<16xi32>,
    tpu.vector_store %arg5[%swap3A_120], %broadcast_in_dim3A_1 {strides = array<i32>} : memref<1040xi32, #tpu.memory_space<vmem>>, vector<16xi32>,
    %swap3A_122 = arith.constant 848 : index
    %swap3A_123 = tpu.vector_load %arg5[%swap3A_122] {strides = array<i32>} : memref<1040xi32, #tpu.memory_space<vmem>>, vector<16xi32>,
    tpu.vector_store %arg5[%swap3A_122], %broadcast_in_dim3A_1 {strides = array<i32>} : memref<1040xi32, #tpu.memory_space<vmem>>, vector<16xi32>,
    %swap3A_124 = arith.constant 864 : index
    %swap3A_125 = tpu.vector_load %arg5[%swap3A_124] {strides = array<i32>} : memref<1040xi32, #tpu.memory_space<vmem>>, vector<16xi32>,
    tpu.vector_store %arg5[%swap3A_124], %broadcast_in_dim3A_1 {strides = array<i32>} : memref<1040xi32, #tpu.memory_space<vmem>>, vector<16xi32>,
    %swap3A_126 = arith.constant 880 : index
    %swap3A_127 = tpu.vector_load %arg5[%swap3A_126] {strides = array<i32>} : memref<1040xi32, #tpu.memory_space<vmem>>, vector<16xi32>,
    tpu.vector_store %arg5[%swap3A_126], %broadcast_in_dim3A_1 {strides = array<i32>} : memref<1040xi32, #tpu.memory_space<vmem>>, vector<16xi32>,
    %swap3A_128 = arith.constant 896 : index
    %swap3A_129 = tpu.vector_load %arg5[%swap3A_128] {strides = array<i32>} : memref<1040xi32, #tpu.memory_space<vmem>>, vector<16xi32>,
    tpu.vector_store %arg5[%swap3A_128], %broadcast_in_dim3A_1 {strides = array<i32>} : memref<1040xi32, #tpu.memory_space<vmem>>, vector<16xi32>,
    %swap3A_130 = arith.constant 912 : index
    %swap3A_131 = tpu.vector_load %arg5[%swap3A_130] {strides = array<i32>} : memref<1040xi32, #tpu.memory_space<vmem>>, vector<16xi32>,
    tpu.vector_store %arg5[%swap3A_130], %broadcast_in_dim3A_1 {strides = array<i32>} : memref<1040xi32, #tpu.memory_space<vmem>>, vector<16xi32>,
    %swap3A_132 = arith.constant 928 : index
    %swap3A_133 = tpu.vector_load %arg5[%swap3A_132] {strides = array<i32>} : memref<1040xi32, #tpu.memory_space<vmem>>, vector<16xi32>,
    tpu.vector_store %arg5[%swap3A_132], %broadcast_in_dim3A_1 {strides = array<i32>} : memref<1040xi32, #tpu.memory_space<vmem>>, vector<16xi32>,
    %swap3A_134 = arith.constant 944 : index
    %swap3A_135 = tpu.vector_load %arg5[%swap3A_134] {strides = array<i32>} : memref<1040xi32, #tpu.memory_space<vmem>>, vector<16xi32>,
    tpu.vector_store %arg5[%swap3A_134], %broadcast_in_dim3A_1 {strides = array<i32>} : memref<1040xi32, #tpu.memory_space<vmem>>, vector<16xi32>,
    %swap3A_136 = arith.constant 960 : index
    %swap3A_137 = tpu.vector_load %arg5[%swap3A_136] {strides = array<i32>} : memref<1040xi32, #tpu.memory_space<vmem>>, vector<16xi32>,
    tpu.vector_store %arg5[%swap3A_136], %broadcast_in_dim3A_1 {strides = array<i32>} : memref<1040xi32, #tpu.memory_space<vmem>>, vector<16xi32>,
    %swap3A_138 = arith.constant 976 : index
    %swap3A_139 = tpu.vector_load %arg5[%swap3A_138] {strides = array<i32>} : memref<1040xi32, #tpu.memory_space<vmem>>, vector<16xi32>,
    tpu.vector_store %arg5[%swap3A_138], %broadcast_in_dim3A_1 {strides = array<i32>} : memref<1040xi32, #tpu.memory_space<vmem>>, vector<16xi32>,
    %swap3A_140 = arith.constant 992 : index
    %swap3A_141 = tpu.vector_load %arg5[%swap3A_140] {strides = array<i32>} : memref<1040xi32, #tpu.memory_space<vmem>>, vector<16xi32>,
    tpu.vector_store %arg5[%swap3A_140], %broadcast_in_dim3A_1 {strides = array<i32>} : memref<1040xi32, #tpu.memory_space<vmem>>, vector<16xi32>,
    %swap3A_142 = arith.constant 1008 : index
    %swap3A_143 = tpu.vector_load %arg5[%swap3A_142] {strides = array<i32>} : memref<1040xi32, #tpu.memory_space<vmem>>, vector<16xi32>,
    tpu.vector_store %arg5[%swap3A_142], %broadcast_in_dim3A_1 {strides = array<i32>} : memref<1040xi32, #tpu.memory_space<vmem>>, vector<16xi32>,
    %swap3A_144 = arith.constant 1024 : index
    %swap3A_145 = tpu.vector_load %arg5[%swap3A_144] {strides = array<i32>} : memref<1040xi32, #tpu.memory_space<vmem>>, vector<16xi32>,
    tpu.vector_store %arg5[%swap3A_144], %broadcast_in_dim3A_1 {strides = array<i32>} : memref<1040xi32, #tpu.memory_space<vmem>>, vector<16xi32>,
    %eq3A_146 = arith.constant 0 : i32
    %eq3A_147 = vector.broadcast %eq3A_146 : i32 to vector<16xi32>
    %eq3A_148 = arith.cmpi eq, %iota3A, %eq3A_147 : vector<16xi32>
    %jit3A = arith.constant 100000 : i32
    %jit3A_149 = arith.constant -1 : i32
    %broadcast_in_dim3A_150 = vector.broadcast %jit3A : i32 to vector<16xi32>
    %broadcast_in_dim3A_151 = vector.broadcast %jit3A_149 : i32 to vector<16xi32>
    %select_n3A = arith.select %eq3A_148, %broadcast_in_dim3A_150, %broadcast_in_dim3A_151 : vector<16xi1>, vector<16xi32>
    %swap3A_152 = arith.constant 1024 : index
    %swap3A_153 = tpu.vector_load %arg5[%swap3A_152] {strides = array<i32>} : memref<1040xi32, #tpu.memory_space<vmem>>, vector<16xi32>,
    tpu.vector_store %arg5[%swap3A_152], %select_n3A {strides = array<i32>} : memref<1040xi32, #tpu.memory_space<vmem>>, vector<16xi32>,
    %eq3A_154 = arith.constant 31 : i32
    %eq3A_155 = arith.cmpi eq, %add3A, %eq3A_154 : i32
    %jit3A_156 = arith.constant 174 : i32
    %jit3A_157 = arith.constant 196 : i32
    %select_n3A_158 = arith.select %eq3A_155, %jit3A_156, %jit3A_157 : i32
    %while3A = arith.constant 0 : i32
    %while3A_159 = arith.constant 0 : i32
    %while3A_160 = arith.subi %select_n3A_158, %while3A_159 : i32
    %while3A_161 = arith.addi %while3A_159, %while3A_160 : i32
    %while3A_162 = arith.constant 1 : i32
    %while3A_163 = arith.divsi %while3A_160, %while3A_162 : i32
    %while3A_164 = arith.muli %while3A_163, %while3A_162 : i32
    %while3A_165 = arith.addi %while3A_159, %while3A_164 : i32
    %while3A_166 = arith.constant 1 : i32
    scf.for %while3A_170 = %while3A_159 to %while3A_165 step %while3A_166  : i32 {
      %mul3A_171 = arith.constant 16 : i32
      %mul3A_172 = arith.muli %while3A_170, %mul3A_171 : i32
      %add3A_173 = arith.constant 16 : i32
      %add3A_174 = arith.addi %add3A_173, %mul3A_172 : i32
      %get3A = arith.index_cast %add3A_174 : i32 to index
      %get3A_175 = tpu.vector_load %arg4[%get3A] {strides = array<i32>} : memref<3152xi32, #tpu.memory_space<vmem>>, vector<16xi32>,
      %mul3A_176 = arith.constant 16 : i32
      %mul3A_177 = arith.muli %while3A_170, %mul3A_176 : i32
      %add3A_178 = arith.constant 15 : i32
      %add3A_179 = arith.addi %add3A_178, %mul3A_177 : i32
      %get3A_180 = arith.index_cast %add3A_179 : i32 to index
      %get3A_181 = tpu.vector_load %arg4[%get3A_180] {strides = array<i32>} : memref<3152xi32, #tpu.memory_space<vmem>>, vector<16xi32>,
      %ne3A = arith.cmpi ne, %get3A_175, %get3A_181 : vector<16xi32>
      %mul3A_182 = arith.constant 3136 : i32
      %mul3A_183 = arith.muli %add3A, %mul3A_182 : i32
      %mul3A_184 = arith.constant 16 : i32
      %mul3A_185 = arith.muli %while3A_170, %mul3A_184 : i32
      %add3A_186 = arith.addi %mul3A_183, %mul3A_185 : i32
      %add3A_187 = vector.broadcast %add3A_186 : i32 to vector<16xi32>
      %add3A_188 = arith.addi %add3A_187, %iota3A : vector<16xi32>
      tpu.vector_store_idx %arg5[%get3A_175], %add3A_188 masked %ne3A : memref<1040xi32, #tpu.memory_space<vmem>>[vector<16xi32>], vector<16xi32>, vector<16xi1>
    }
    %while3A_167 = arith.constant 1 : i32
    scf.for %while3A_170 = %while3A_165 to %while3A_161 step %while3A_167  : i32 {
      %mul3A_171 = arith.constant 16 : i32
      %mul3A_172 = arith.muli %while3A_170, %mul3A_171 : i32
      %add3A_173 = arith.constant 16 : i32
      %add3A_174 = arith.addi %add3A_173, %mul3A_172 : i32
      %get3A = arith.index_cast %add3A_174 : i32 to index
      %get3A_175 = tpu.vector_load %arg4[%get3A] {strides = array<i32>} : memref<3152xi32, #tpu.memory_space<vmem>>, vector<16xi32>,
      %mul3A_176 = arith.constant 16 : i32
      %mul3A_177 = arith.muli %while3A_170, %mul3A_176 : i32
      %add3A_178 = arith.constant 15 : i32
      %add3A_179 = arith.addi %add3A_178, %mul3A_177 : i32
      %get3A_180 = arith.index_cast %add3A_179 : i32 to index
      %get3A_181 = tpu.vector_load %arg4[%get3A_180] {strides = array<i32>} : memref<3152xi32, #tpu.memory_space<vmem>>, vector<16xi32>,
      %ne3A = arith.cmpi ne, %get3A_175, %get3A_181 : vector<16xi32>
      %mul3A_182 = arith.constant 3136 : i32
      %mul3A_183 = arith.muli %add3A, %mul3A_182 : i32
      %mul3A_184 = arith.constant 16 : i32
      %mul3A_185 = arith.muli %while3A_170, %mul3A_184 : i32
      %add3A_186 = arith.addi %mul3A_183, %mul3A_185 : i32
      %add3A_187 = vector.broadcast %add3A_186 : i32 to vector<16xi32>
      %add3A_188 = arith.addi %add3A_187, %iota3A : vector<16xi32>
      tpu.vector_store_idx %arg5[%get3A_175], %add3A_188 masked %ne3A : memref<1040xi32, #tpu.memory_space<vmem>>[vector<16xi32>], vector<16xi32>, vector<16xi1>
    }
    %mul3A_168 = arith.constant 1040 : i32
    %mul3A_169 = arith.muli %add3A, %mul3A_168 : i32
    "tpu.region"() ({
      %run_scoped3A = tpu.sem_alloc : memref<!tpu.dma_semaphore, #tpu.memory_space<semaphore_mem>>
      %dma_start3A = tpu.memref_slice %arg3[%mul3A_169] : memref<33280xi32, #tpu.memory_space<hbm>> -> memref<1040xi32, #tpu.memory_space<hbm>>
      %dma_start3A_170 = tpu.memref_slice %arg3[%mul3A_169] : memref<33280xi32, #tpu.memory_space<hbm>> -> memref<1040xi32, #tpu.memory_space<hbm>>
      tpu.enqueue_dma source(%arg5 : memref<1040xi32, #tpu.memory_space<vmem>>) target(%dma_start3A_170 : memref<1040xi32, #tpu.memory_space<hbm>>) target_semaphore(%run_scoped3A : memref<!tpu.dma_semaphore, #tpu.memory_space<semaphore_mem>>)
      %dma_wait3A = tpu.memref_slice %arg3[%mul3A_169] : memref<33280xi32, #tpu.memory_space<hbm>> -> memref<1040xi32, #tpu.memory_space<hbm>>
      %dma_wait3A_171 = tpu.memref_slice %arg3[%mul3A_169] : memref<33280xi32, #tpu.memory_space<hbm>> -> memref<1040xi32, #tpu.memory_space<hbm>>
      tpu.wait_dma2 semaphore(%run_scoped3A : memref<!tpu.dma_semaphore, #tpu.memory_space<semaphore_mem>>) src(%arg5 : memref<1040xi32, #tpu.memory_space<vmem>>) dst(%dma_wait3A_171 : memref<1040xi32, #tpu.memory_space<hbm>>)
      tpu.yield
    }) : () -> ()
    return
  }
}

#map = affine_map<(d0, d1) -> (0)>
#map1 = affine_map<(d0, d1) -> (0, 0)>
module attributes {stable_mosaic.version = 14 : i64} {
  func.func @_scb_body(%arg0: i32, %arg1: i32, %arg2: memref<108544xf32, #tpu.memory_space<hbm>>, %arg3: memref<108544xf32, #tpu.memory_space<hbm>>, %arg4: memref<12500x128xf32, #tpu.memory_space<hbm>>, %arg5: memref<33280xi32, #tpu.memory_space<hbm>>, %arg6: memref<1024xf32, #tpu.memory_space<hbm>>, %arg7: memref<1024xf32, #tpu.memory_space<hbm>>, %arg8: memref<1024xf32, #tpu.memory_space<hbm>>, %arg9: memref<1024xi32, #tpu.memory_space<hbm>>, %arg10: memref<1024xf32, #tpu.memory_space<hbm>>, %arg11: memref<16384xf32, #tpu.memory_space<hbm>>, %arg12: memref<8192xf32, #tpu.memory_space<vmem>>, %arg13: memref<8192xf32, #tpu.memory_space<vmem>>, %arg14: memref<33280xi32, #tpu.memory_space<vmem>>, %arg15: memref<48xi32, #tpu.memory_space<vmem>>, %arg16: memref<32xf32, #tpu.memory_space<vmem>>, %arg17: memref<32xf32, #tpu.memory_space<vmem>>, %arg18: memref<32xf32, #tpu.memory_space<vmem>>, %arg19: memref<32xf32, #tpu.memory_space<vmem>>, %arg20: memref<32xi32, #tpu.memory_space<vmem>>, %arg21: memref<32xi32, #tpu.memory_space<vmem>>, %arg22: memref<32x128xf32, #tpu.memory_space<vmem>>, %arg23: memref<4x128xf32, #tpu.memory_space<vmem>>, %arg24: memref<!tpu.dma_semaphore, #tpu.memory_space<semaphore_mem>>) attributes {dimension_semantics = [#tpu.dimension_semantics<core_parallel>, #tpu.dimension_semantics<subcore_parallel>], iteration_bounds = array<i64: 2, 16>, scalar_prefetch = 0 : i64, scratch_operands = 13 : i64, tpu.core_type = #tpu.core_type<sc_vector_subcore>, window_params = [{transform_indices = #map}, {transform_indices = #map}, {transform_indices = #map1}, {transform_indices = #map}, {transform_indices = #map}, {transform_indices = #map}, {transform_indices = #map}, {transform_indices = #map}, {transform_indices = #map}, {transform_indices = #map}]} {
    %mul3A = arith.constant 2 : i32
    %mul3A_0 = arith.muli %arg1, %mul3A : i32
    %add3A = arith.addi %mul3A_0, %arg0 : i32
    %iota3A = tpu.iota {dimensions = array<i32: 0>} : vector<16xi32>
    %mul3A_1 = arith.constant 32 : i32
    %mul3A_2 = arith.muli %add3A, %mul3A_1 : i32
    "tpu.region"() ({
      %run_scoped3A_1170 = tpu.sem_alloc : memref<!tpu.dma_semaphore, #tpu.memory_space<semaphore_mem>>
      tpu.enqueue_dma source(%arg5 : memref<33280xi32, #tpu.memory_space<hbm>>) target(%arg14 : memref<33280xi32, #tpu.memory_space<vmem>>) target_semaphore(%run_scoped3A_1170 : memref<!tpu.dma_semaphore, #tpu.memory_space<semaphore_mem>>)
      tpu.wait_dma2 semaphore(%run_scoped3A_1170 : memref<!tpu.dma_semaphore, #tpu.memory_space<semaphore_mem>>) src(%arg5 : memref<33280xi32, #tpu.memory_space<hbm>>) dst(%arg14 : memref<33280xi32, #tpu.memory_space<vmem>>)
      tpu.yield
    }) : () -> ()
    %broadcast_in_dim3A = arith.constant -1 : i32
    %broadcast_in_dim3A_3 = vector.broadcast %broadcast_in_dim3A : i32 to vector<16xi32>
    %add3A_4 = arith.constant 0 : i32
    %add3A_5 = arith.addi %add3A_4, %mul3A_2 : i32
    %add3A_6 = arith.constant 0 : i32
    %add3A_7 = arith.addi %add3A_5, %add3A_6 : i32
    %get3A = arith.index_cast %add3A_7 : i32 to index
    %get3A_8 = tpu.vector_load %arg14[%get3A] {strides = array<i32>} : memref<33280xi32, #tpu.memory_space<vmem>>, vector<16xi32>,
    %max3A = arith.maxsi %broadcast_in_dim3A_3, %get3A_8 : vector<16xi32>
    %add3A_9 = arith.constant 1040 : i32
    %add3A_10 = arith.addi %add3A_9, %mul3A_2 : i32
    %add3A_11 = arith.constant 0 : i32
    %add3A_12 = arith.addi %add3A_10, %add3A_11 : i32
    %get3A_13 = arith.index_cast %add3A_12 : i32 to index
    %get3A_14 = tpu.vector_load %arg14[%get3A_13] {strides = array<i32>} : memref<33280xi32, #tpu.memory_space<vmem>>, vector<16xi32>,
    %max3A_15 = arith.maxsi %max3A, %get3A_14 : vector<16xi32>
    %add3A_16 = arith.constant 2080 : i32
    %add3A_17 = arith.addi %add3A_16, %mul3A_2 : i32
    %add3A_18 = arith.constant 0 : i32
    %add3A_19 = arith.addi %add3A_17, %add3A_18 : i32
    %get3A_20 = arith.index_cast %add3A_19 : i32 to index
    %get3A_21 = tpu.vector_load %arg14[%get3A_20] {strides = array<i32>} : memref<33280xi32, #tpu.memory_space<vmem>>, vector<16xi32>,
    %max3A_22 = arith.maxsi %max3A_15, %get3A_21 : vector<16xi32>
    %add3A_23 = arith.constant 3120 : i32
    %add3A_24 = arith.addi %add3A_23, %mul3A_2 : i32
    %add3A_25 = arith.constant 0 : i32
    %add3A_26 = arith.addi %add3A_24, %add3A_25 : i32
    %get3A_27 = arith.index_cast %add3A_26 : i32 to index
    %get3A_28 = tpu.vector_load %arg14[%get3A_27] {strides = array<i32>} : memref<33280xi32, #tpu.memory_space<vmem>>, vector<16xi32>,
    %max3A_29 = arith.maxsi %max3A_22, %get3A_28 : vector<16xi32>
    %add3A_30 = arith.constant 4160 : i32
    %add3A_31 = arith.addi %add3A_30, %mul3A_2 : i32
    %add3A_32 = arith.constant 0 : i32
    %add3A_33 = arith.addi %add3A_31, %add3A_32 : i32
    %get3A_34 = arith.index_cast %add3A_33 : i32 to index
    %get3A_35 = tpu.vector_load %arg14[%get3A_34] {strides = array<i32>} : memref<33280xi32, #tpu.memory_space<vmem>>, vector<16xi32>,
    %max3A_36 = arith.maxsi %max3A_29, %get3A_35 : vector<16xi32>
    %add3A_37 = arith.constant 5200 : i32
    %add3A_38 = arith.addi %add3A_37, %mul3A_2 : i32
    %add3A_39 = arith.constant 0 : i32
    %add3A_40 = arith.addi %add3A_38, %add3A_39 : i32
    %get3A_41 = arith.index_cast %add3A_40 : i32 to index
    %get3A_42 = tpu.vector_load %arg14[%get3A_41] {strides = array<i32>} : memref<33280xi32, #tpu.memory_space<vmem>>, vector<16xi32>,
    %max3A_43 = arith.maxsi %max3A_36, %get3A_42 : vector<16xi32>
    %add3A_44 = arith.constant 6240 : i32
    %add3A_45 = arith.addi %add3A_44, %mul3A_2 : i32
    %add3A_46 = arith.constant 0 : i32
    %add3A_47 = arith.addi %add3A_45, %add3A_46 : i32
    %get3A_48 = arith.index_cast %add3A_47 : i32 to index
    %get3A_49 = tpu.vector_load %arg14[%get3A_48] {strides = array<i32>} : memref<33280xi32, #tpu.memory_space<vmem>>, vector<16xi32>,
    %max3A_50 = arith.maxsi %max3A_43, %get3A_49 : vector<16xi32>
    %add3A_51 = arith.constant 7280 : i32
    %add3A_52 = arith.addi %add3A_51, %mul3A_2 : i32
    %add3A_53 = arith.constant 0 : i32
    %add3A_54 = arith.addi %add3A_52, %add3A_53 : i32
    %get3A_55 = arith.index_cast %add3A_54 : i32 to index
    %get3A_56 = tpu.vector_load %arg14[%get3A_55] {strides = array<i32>} : memref<33280xi32, #tpu.memory_space<vmem>>, vector<16xi32>,
    %max3A_57 = arith.maxsi %max3A_50, %get3A_56 : vector<16xi32>
    %add3A_58 = arith.constant 8320 : i32
    %add3A_59 = arith.addi %add3A_58, %mul3A_2 : i32
    %add3A_60 = arith.constant 0 : i32
    %add3A_61 = arith.addi %add3A_59, %add3A_60 : i32
    %get3A_62 = arith.index_cast %add3A_61 : i32 to index
    %get3A_63 = tpu.vector_load %arg14[%get3A_62] {strides = array<i32>} : memref<33280xi32, #tpu.memory_space<vmem>>, vector<16xi32>,
    %max3A_64 = arith.maxsi %max3A_57, %get3A_63 : vector<16xi32>
    %add3A_65 = arith.constant 9360 : i32
    %add3A_66 = arith.addi %add3A_65, %mul3A_2 : i32
    %add3A_67 = arith.constant 0 : i32
    %add3A_68 = arith.addi %add3A_66, %add3A_67 : i32
    %get3A_69 = arith.index_cast %add3A_68 : i32 to index
    %get3A_70 = tpu.vector_load %arg14[%get3A_69] {strides = array<i32>} : memref<33280xi32, #tpu.memory_space<vmem>>, vector<16xi32>,
    %max3A_71 = arith.maxsi %max3A_64, %get3A_70 : vector<16xi32>
    %add3A_72 = arith.constant 10400 : i32
    %add3A_73 = arith.addi %add3A_72, %mul3A_2 : i32
    %add3A_74 = arith.constant 0 : i32
    %add3A_75 = arith.addi %add3A_73, %add3A_74 : i32
    %get3A_76 = arith.index_cast %add3A_75 : i32 to index
    %get3A_77 = tpu.vector_load %arg14[%get3A_76] {strides = array<i32>} : memref<33280xi32, #tpu.memory_space<vmem>>, vector<16xi32>,
    %max3A_78 = arith.maxsi %max3A_71, %get3A_77 : vector<16xi32>
    %add3A_79 = arith.constant 11440 : i32
    %add3A_80 = arith.addi %add3A_79, %mul3A_2 : i32
    %add3A_81 = arith.constant 0 : i32
    %add3A_82 = arith.addi %add3A_80, %add3A_81 : i32
    %get3A_83 = arith.index_cast %add3A_82 : i32 to index
    %get3A_84 = tpu.vector_load %arg14[%get3A_83] {strides = array<i32>} : memref<33280xi32, #tpu.memory_space<vmem>>, vector<16xi32>,
    %max3A_85 = arith.maxsi %max3A_78, %get3A_84 : vector<16xi32>
    %add3A_86 = arith.constant 12480 : i32
    %add3A_87 = arith.addi %add3A_86, %mul3A_2 : i32
    %add3A_88 = arith.constant 0 : i32
    %add3A_89 = arith.addi %add3A_87, %add3A_88 : i32
    %get3A_90 = arith.index_cast %add3A_89 : i32 to index
    %get3A_91 = tpu.vector_load %arg14[%get3A_90] {strides = array<i32>} : memref<33280xi32, #tpu.memory_space<vmem>>, vector<16xi32>,
    %max3A_92 = arith.maxsi %max3A_85, %get3A_91 : vector<16xi32>
    %add3A_93 = arith.constant 13520 : i32
    %add3A_94 = arith.addi %add3A_93, %mul3A_2 : i32
    %add3A_95 = arith.constant 0 : i32
    %add3A_96 = arith.addi %add3A_94, %add3A_95 : i32
    %get3A_97 = arith.index_cast %add3A_96 : i32 to index
    %get3A_98 = tpu.vector_load %arg14[%get3A_97] {strides = array<i32>} : memref<33280xi32, #tpu.memory_space<vmem>>, vector<16xi32>,
    %max3A_99 = arith.maxsi %max3A_92, %get3A_98 : vector<16xi32>
    %add3A_100 = arith.constant 14560 : i32
    %add3A_101 = arith.addi %add3A_100, %mul3A_2 : i32
    %add3A_102 = arith.constant 0 : i32
    %add3A_103 = arith.addi %add3A_101, %add3A_102 : i32
    %get3A_104 = arith.index_cast %add3A_103 : i32 to index
    %get3A_105 = tpu.vector_load %arg14[%get3A_104] {strides = array<i32>} : memref<33280xi32, #tpu.memory_space<vmem>>, vector<16xi32>,
    %max3A_106 = arith.maxsi %max3A_99, %get3A_105 : vector<16xi32>
    %add3A_107 = arith.constant 15600 : i32
    %add3A_108 = arith.addi %add3A_107, %mul3A_2 : i32
    %add3A_109 = arith.constant 0 : i32
    %add3A_110 = arith.addi %add3A_108, %add3A_109 : i32
    %get3A_111 = arith.index_cast %add3A_110 : i32 to index
    %get3A_112 = tpu.vector_load %arg14[%get3A_111] {strides = array<i32>} : memref<33280xi32, #tpu.memory_space<vmem>>, vector<16xi32>,
    %max3A_113 = arith.maxsi %max3A_106, %get3A_112 : vector<16xi32>
    %add3A_114 = arith.constant 16640 : i32
    %add3A_115 = arith.addi %add3A_114, %mul3A_2 : i32
    %add3A_116 = arith.constant 0 : i32
    %add3A_117 = arith.addi %add3A_115, %add3A_116 : i32
    %get3A_118 = arith.index_cast %add3A_117 : i32 to index
    %get3A_119 = tpu.vector_load %arg14[%get3A_118] {strides = array<i32>} : memref<33280xi32, #tpu.memory_space<vmem>>, vector<16xi32>,
    %max3A_120 = arith.maxsi %max3A_113, %get3A_119 : vector<16xi32>
    %add3A_121 = arith.constant 17680 : i32
    %add3A_122 = arith.addi %add3A_121, %mul3A_2 : i32
    %add3A_123 = arith.constant 0 : i32
    %add3A_124 = arith.addi %add3A_122, %add3A_123 : i32
    %get3A_125 = arith.index_cast %add3A_124 : i32 to index
    %get3A_126 = tpu.vector_load %arg14[%get3A_125] {strides = array<i32>} : memref<33280xi32, #tpu.memory_space<vmem>>, vector<16xi32>,
    %max3A_127 = arith.maxsi %max3A_120, %get3A_126 : vector<16xi32>
    %add3A_128 = arith.constant 18720 : i32
    %add3A_129 = arith.addi %add3A_128, %mul3A_2 : i32
    %add3A_130 = arith.constant 0 : i32
    %add3A_131 = arith.addi %add3A_129, %add3A_130 : i32
    %get3A_132 = arith.index_cast %add3A_131 : i32 to index
    %get3A_133 = tpu.vector_load %arg14[%get3A_132] {strides = array<i32>} : memref<33280xi32, #tpu.memory_space<vmem>>, vector<16xi32>,
    %max3A_134 = arith.maxsi %max3A_127, %get3A_133 : vector<16xi32>
    %add3A_135 = arith.constant 19760 : i32
    %add3A_136 = arith.addi %add3A_135, %mul3A_2 : i32
    %add3A_137 = arith.constant 0 : i32
    %add3A_138 = arith.addi %add3A_136, %add3A_137 : i32
    %get3A_139 = arith.index_cast %add3A_138 : i32 to index
    %get3A_140 = tpu.vector_load %arg14[%get3A_139] {strides = array<i32>} : memref<33280xi32, #tpu.memory_space<vmem>>, vector<16xi32>,
    %max3A_141 = arith.maxsi %max3A_134, %get3A_140 : vector<16xi32>
    %add3A_142 = arith.constant 20800 : i32
    %add3A_143 = arith.addi %add3A_142, %mul3A_2 : i32
    %add3A_144 = arith.constant 0 : i32
    %add3A_145 = arith.addi %add3A_143, %add3A_144 : i32
    %get3A_146 = arith.index_cast %add3A_145 : i32 to index
    %get3A_147 = tpu.vector_load %arg14[%get3A_146] {strides = array<i32>} : memref<33280xi32, #tpu.memory_space<vmem>>, vector<16xi32>,
    %max3A_148 = arith.maxsi %max3A_141, %get3A_147 : vector<16xi32>
    %add3A_149 = arith.constant 21840 : i32
    %add3A_150 = arith.addi %add3A_149, %mul3A_2 : i32
    %add3A_151 = arith.constant 0 : i32
    %add3A_152 = arith.addi %add3A_150, %add3A_151 : i32
    %get3A_153 = arith.index_cast %add3A_152 : i32 to index
    %get3A_154 = tpu.vector_load %arg14[%get3A_153] {strides = array<i32>} : memref<33280xi32, #tpu.memory_space<vmem>>, vector<16xi32>,
    %max3A_155 = arith.maxsi %max3A_148, %get3A_154 : vector<16xi32>
    %add3A_156 = arith.constant 22880 : i32
    %add3A_157 = arith.addi %add3A_156, %mul3A_2 : i32
    %add3A_158 = arith.constant 0 : i32
    %add3A_159 = arith.addi %add3A_157, %add3A_158 : i32
    %get3A_160 = arith.index_cast %add3A_159 : i32 to index
    %get3A_161 = tpu.vector_load %arg14[%get3A_160] {strides = array<i32>} : memref<33280xi32, #tpu.memory_space<vmem>>, vector<16xi32>,
    %max3A_162 = arith.maxsi %max3A_155, %get3A_161 : vector<16xi32>
    %add3A_163 = arith.constant 23920 : i32
    %add3A_164 = arith.addi %add3A_163, %mul3A_2 : i32
    %add3A_165 = arith.constant 0 : i32
    %add3A_166 = arith.addi %add3A_164, %add3A_165 : i32
    %get3A_167 = arith.index_cast %add3A_166 : i32 to index
    %get3A_168 = tpu.vector_load %arg14[%get3A_167] {strides = array<i32>} : memref<33280xi32, #tpu.memory_space<vmem>>, vector<16xi32>,
    %max3A_169 = arith.maxsi %max3A_162, %get3A_168 : vector<16xi32>
    %add3A_170 = arith.constant 24960 : i32
    %add3A_171 = arith.addi %add3A_170, %mul3A_2 : i32
    %add3A_172 = arith.constant 0 : i32
    %add3A_173 = arith.addi %add3A_171, %add3A_172 : i32
    %get3A_174 = arith.index_cast %add3A_173 : i32 to index
    %get3A_175 = tpu.vector_load %arg14[%get3A_174] {strides = array<i32>} : memref<33280xi32, #tpu.memory_space<vmem>>, vector<16xi32>,
    %max3A_176 = arith.maxsi %max3A_169, %get3A_175 : vector<16xi32>
    %add3A_177 = arith.constant 26000 : i32
    %add3A_178 = arith.addi %add3A_177, %mul3A_2 : i32
    %add3A_179 = arith.constant 0 : i32
    %add3A_180 = arith.addi %add3A_178, %add3A_179 : i32
    %get3A_181 = arith.index_cast %add3A_180 : i32 to index
    %get3A_182 = tpu.vector_load %arg14[%get3A_181] {strides = array<i32>} : memref<33280xi32, #tpu.memory_space<vmem>>, vector<16xi32>,
    %max3A_183 = arith.maxsi %max3A_176, %get3A_182 : vector<16xi32>
    %add3A_184 = arith.constant 27040 : i32
    %add3A_185 = arith.addi %add3A_184, %mul3A_2 : i32
    %add3A_186 = arith.constant 0 : i32
    %add3A_187 = arith.addi %add3A_185, %add3A_186 : i32
    %get3A_188 = arith.index_cast %add3A_187 : i32 to index
    %get3A_189 = tpu.vector_load %arg14[%get3A_188] {strides = array<i32>} : memref<33280xi32, #tpu.memory_space<vmem>>, vector<16xi32>,
    %max3A_190 = arith.maxsi %max3A_183, %get3A_189 : vector<16xi32>
    %add3A_191 = arith.constant 28080 : i32
    %add3A_192 = arith.addi %add3A_191, %mul3A_2 : i32
    %add3A_193 = arith.constant 0 : i32
    %add3A_194 = arith.addi %add3A_192, %add3A_193 : i32
    %get3A_195 = arith.index_cast %add3A_194 : i32 to index
    %get3A_196 = tpu.vector_load %arg14[%get3A_195] {strides = array<i32>} : memref<33280xi32, #tpu.memory_space<vmem>>, vector<16xi32>,
    %max3A_197 = arith.maxsi %max3A_190, %get3A_196 : vector<16xi32>
    %add3A_198 = arith.constant 29120 : i32
    %add3A_199 = arith.addi %add3A_198, %mul3A_2 : i32
    %add3A_200 = arith.constant 0 : i32
    %add3A_201 = arith.addi %add3A_199, %add3A_200 : i32
    %get3A_202 = arith.index_cast %add3A_201 : i32 to index
    %get3A_203 = tpu.vector_load %arg14[%get3A_202] {strides = array<i32>} : memref<33280xi32, #tpu.memory_space<vmem>>, vector<16xi32>,
    %max3A_204 = arith.maxsi %max3A_197, %get3A_203 : vector<16xi32>
    %add3A_205 = arith.constant 30160 : i32
    %add3A_206 = arith.addi %add3A_205, %mul3A_2 : i32
    %add3A_207 = arith.constant 0 : i32
    %add3A_208 = arith.addi %add3A_206, %add3A_207 : i32
    %get3A_209 = arith.index_cast %add3A_208 : i32 to index
    %get3A_210 = tpu.vector_load %arg14[%get3A_209] {strides = array<i32>} : memref<33280xi32, #tpu.memory_space<vmem>>, vector<16xi32>,
    %max3A_211 = arith.maxsi %max3A_204, %get3A_210 : vector<16xi32>
    %add3A_212 = arith.constant 31200 : i32
    %add3A_213 = arith.addi %add3A_212, %mul3A_2 : i32
    %add3A_214 = arith.constant 0 : i32
    %add3A_215 = arith.addi %add3A_213, %add3A_214 : i32
    %get3A_216 = arith.index_cast %add3A_215 : i32 to index
    %get3A_217 = tpu.vector_load %arg14[%get3A_216] {strides = array<i32>} : memref<33280xi32, #tpu.memory_space<vmem>>, vector<16xi32>,
    %max3A_218 = arith.maxsi %max3A_211, %get3A_217 : vector<16xi32>
    %add3A_219 = arith.constant 32240 : i32
    %add3A_220 = arith.addi %add3A_219, %mul3A_2 : i32
    %add3A_221 = arith.constant 0 : i32
    %add3A_222 = arith.addi %add3A_220, %add3A_221 : i32
    %get3A_223 = arith.index_cast %add3A_222 : i32 to index
    %get3A_224 = tpu.vector_load %arg14[%get3A_223] {strides = array<i32>} : memref<33280xi32, #tpu.memory_space<vmem>>, vector<16xi32>,
    %max3A_225 = arith.maxsi %max3A_218, %get3A_224 : vector<16xi32>
    %swap3A = arith.constant 0 : index
    %swap3A_226 = tpu.vector_load %arg15[%swap3A] {strides = array<i32>} : memref<48xi32, #tpu.memory_space<vmem>>, vector<16xi32>,
    tpu.vector_store %arg15[%swap3A], %max3A_225 {strides = array<i32>} : memref<48xi32, #tpu.memory_space<vmem>>, vector<16xi32>,
    %broadcast_in_dim3A_227 = arith.constant -1 : i32
    %broadcast_in_dim3A_228 = vector.broadcast %broadcast_in_dim3A_227 : i32 to vector<16xi32>
    %add3A_229 = arith.constant 0 : i32
    %add3A_230 = arith.addi %add3A_229, %mul3A_2 : i32
    %add3A_231 = arith.constant 16 : i32
    %add3A_232 = arith.addi %add3A_230, %add3A_231 : i32
    %get3A_233 = arith.index_cast %add3A_232 : i32 to index
    %get3A_234 = tpu.vector_load %arg14[%get3A_233] {strides = array<i32>} : memref<33280xi32, #tpu.memory_space<vmem>>, vector<16xi32>,
    %max3A_235 = arith.maxsi %broadcast_in_dim3A_228, %get3A_234 : vector<16xi32>
    %add3A_236 = arith.constant 1040 : i32
    %add3A_237 = arith.addi %add3A_236, %mul3A_2 : i32
    %add3A_238 = arith.constant 16 : i32
    %add3A_239 = arith.addi %add3A_237, %add3A_238 : i32
    %get3A_240 = arith.index_cast %add3A_239 : i32 to index
    %get3A_241 = tpu.vector_load %arg14[%get3A_240] {strides = array<i32>} : memref<33280xi32, #tpu.memory_space<vmem>>, vector<16xi32>,
    %max3A_242 = arith.maxsi %max3A_235, %get3A_241 : vector<16xi32>
    %add3A_243 = arith.constant 2080 : i32
    %add3A_244 = arith.addi %add3A_243, %mul3A_2 : i32
    %add3A_245 = arith.constant 16 : i32
    %add3A_246 = arith.addi %add3A_244, %add3A_245 : i32
    %get3A_247 = arith.index_cast %add3A_246 : i32 to index
    %get3A_248 = tpu.vector_load %arg14[%get3A_247] {strides = array<i32>} : memref<33280xi32, #tpu.memory_space<vmem>>, vector<16xi32>,
    %max3A_249 = arith.maxsi %max3A_242, %get3A_248 : vector<16xi32>
    %add3A_250 = arith.constant 3120 : i32
    %add3A_251 = arith.addi %add3A_250, %mul3A_2 : i32
    %add3A_252 = arith.constant 16 : i32
    %add3A_253 = arith.addi %add3A_251, %add3A_252 : i32
    %get3A_254 = arith.index_cast %add3A_253 : i32 to index
    %get3A_255 = tpu.vector_load %arg14[%get3A_254] {strides = array<i32>} : memref<33280xi32, #tpu.memory_space<vmem>>, vector<16xi32>,
    %max3A_256 = arith.maxsi %max3A_249, %get3A_255 : vector<16xi32>
    %add3A_257 = arith.constant 4160 : i32
    %add3A_258 = arith.addi %add3A_257, %mul3A_2 : i32
    %add3A_259 = arith.constant 16 : i32
    %add3A_260 = arith.addi %add3A_258, %add3A_259 : i32
    %get3A_261 = arith.index_cast %add3A_260 : i32 to index
    %get3A_262 = tpu.vector_load %arg14[%get3A_261] {strides = array<i32>} : memref<33280xi32, #tpu.memory_space<vmem>>, vector<16xi32>,
    %max3A_263 = arith.maxsi %max3A_256, %get3A_262 : vector<16xi32>
    %add3A_264 = arith.constant 5200 : i32
    %add3A_265 = arith.addi %add3A_264, %mul3A_2 : i32
    %add3A_266 = arith.constant 16 : i32
    %add3A_267 = arith.addi %add3A_265, %add3A_266 : i32
    %get3A_268 = arith.index_cast %add3A_267 : i32 to index
    %get3A_269 = tpu.vector_load %arg14[%get3A_268] {strides = array<i32>} : memref<33280xi32, #tpu.memory_space<vmem>>, vector<16xi32>,
    %max3A_270 = arith.maxsi %max3A_263, %get3A_269 : vector<16xi32>
    %add3A_271 = arith.constant 6240 : i32
    %add3A_272 = arith.addi %add3A_271, %mul3A_2 : i32
    %add3A_273 = arith.constant 16 : i32
    %add3A_274 = arith.addi %add3A_272, %add3A_273 : i32
    %get3A_275 = arith.index_cast %add3A_274 : i32 to index
    %get3A_276 = tpu.vector_load %arg14[%get3A_275] {strides = array<i32>} : memref<33280xi32, #tpu.memory_space<vmem>>, vector<16xi32>,
    %max3A_277 = arith.maxsi %max3A_270, %get3A_276 : vector<16xi32>
    %add3A_278 = arith.constant 7280 : i32
    %add3A_279 = arith.addi %add3A_278, %mul3A_2 : i32
    %add3A_280 = arith.constant 16 : i32
    %add3A_281 = arith.addi %add3A_279, %add3A_280 : i32
    %get3A_282 = arith.index_cast %add3A_281 : i32 to index
    %get3A_283 = tpu.vector_load %arg14[%get3A_282] {strides = array<i32>} : memref<33280xi32, #tpu.memory_space<vmem>>, vector<16xi32>,
    %max3A_284 = arith.maxsi %max3A_277, %get3A_283 : vector<16xi32>
    %add3A_285 = arith.constant 8320 : i32
    %add3A_286 = arith.addi %add3A_285, %mul3A_2 : i32
    %add3A_287 = arith.constant 16 : i32
    %add3A_288 = arith.addi %add3A_286, %add3A_287 : i32
    %get3A_289 = arith.index_cast %add3A_288 : i32 to index
    %get3A_290 = tpu.vector_load %arg14[%get3A_289] {strides = array<i32>} : memref<33280xi32, #tpu.memory_space<vmem>>, vector<16xi32>,
    %max3A_291 = arith.maxsi %max3A_284, %get3A_290 : vector<16xi32>
    %add3A_292 = arith.constant 9360 : i32
    %add3A_293 = arith.addi %add3A_292, %mul3A_2 : i32
    %add3A_294 = arith.constant 16 : i32
    %add3A_295 = arith.addi %add3A_293, %add3A_294 : i32
    %get3A_296 = arith.index_cast %add3A_295 : i32 to index
    %get3A_297 = tpu.vector_load %arg14[%get3A_296] {strides = array<i32>} : memref<33280xi32, #tpu.memory_space<vmem>>, vector<16xi32>,
    %max3A_298 = arith.maxsi %max3A_291, %get3A_297 : vector<16xi32>
    %add3A_299 = arith.constant 10400 : i32
    %add3A_300 = arith.addi %add3A_299, %mul3A_2 : i32
    %add3A_301 = arith.constant 16 : i32
    %add3A_302 = arith.addi %add3A_300, %add3A_301 : i32
    %get3A_303 = arith.index_cast %add3A_302 : i32 to index
    %get3A_304 = tpu.vector_load %arg14[%get3A_303] {strides = array<i32>} : memref<33280xi32, #tpu.memory_space<vmem>>, vector<16xi32>,
    %max3A_305 = arith.maxsi %max3A_298, %get3A_304 : vector<16xi32>
    %add3A_306 = arith.constant 11440 : i32
    %add3A_307 = arith.addi %add3A_306, %mul3A_2 : i32
    %add3A_308 = arith.constant 16 : i32
    %add3A_309 = arith.addi %add3A_307, %add3A_308 : i32
    %get3A_310 = arith.index_cast %add3A_309 : i32 to index
    %get3A_311 = tpu.vector_load %arg14[%get3A_310] {strides = array<i32>} : memref<33280xi32, #tpu.memory_space<vmem>>, vector<16xi32>,
    %max3A_312 = arith.maxsi %max3A_305, %get3A_311 : vector<16xi32>
    %add3A_313 = arith.constant 12480 : i32
    %add3A_314 = arith.addi %add3A_313, %mul3A_2 : i32
    %add3A_315 = arith.constant 16 : i32
    %add3A_316 = arith.addi %add3A_314, %add3A_315 : i32
    %get3A_317 = arith.index_cast %add3A_316 : i32 to index
    %get3A_318 = tpu.vector_load %arg14[%get3A_317] {strides = array<i32>} : memref<33280xi32, #tpu.memory_space<vmem>>, vector<16xi32>,
    %max3A_319 = arith.maxsi %max3A_312, %get3A_318 : vector<16xi32>
    %add3A_320 = arith.constant 13520 : i32
    %add3A_321 = arith.addi %add3A_320, %mul3A_2 : i32
    %add3A_322 = arith.constant 16 : i32
    %add3A_323 = arith.addi %add3A_321, %add3A_322 : i32
    %get3A_324 = arith.index_cast %add3A_323 : i32 to index
    %get3A_325 = tpu.vector_load %arg14[%get3A_324] {strides = array<i32>} : memref<33280xi32, #tpu.memory_space<vmem>>, vector<16xi32>,
    %max3A_326 = arith.maxsi %max3A_319, %get3A_325 : vector<16xi32>
    %add3A_327 = arith.constant 14560 : i32
    %add3A_328 = arith.addi %add3A_327, %mul3A_2 : i32
    %add3A_329 = arith.constant 16 : i32
    %add3A_330 = arith.addi %add3A_328, %add3A_329 : i32
    %get3A_331 = arith.index_cast %add3A_330 : i32 to index
    %get3A_332 = tpu.vector_load %arg14[%get3A_331] {strides = array<i32>} : memref<33280xi32, #tpu.memory_space<vmem>>, vector<16xi32>,
    %max3A_333 = arith.maxsi %max3A_326, %get3A_332 : vector<16xi32>
    %add3A_334 = arith.constant 15600 : i32
    %add3A_335 = arith.addi %add3A_334, %mul3A_2 : i32
    %add3A_336 = arith.constant 16 : i32
    %add3A_337 = arith.addi %add3A_335, %add3A_336 : i32
    %get3A_338 = arith.index_cast %add3A_337 : i32 to index
    %get3A_339 = tpu.vector_load %arg14[%get3A_338] {strides = array<i32>} : memref<33280xi32, #tpu.memory_space<vmem>>, vector<16xi32>,
    %max3A_340 = arith.maxsi %max3A_333, %get3A_339 : vector<16xi32>
    %add3A_341 = arith.constant 16640 : i32
    %add3A_342 = arith.addi %add3A_341, %mul3A_2 : i32
    %add3A_343 = arith.constant 16 : i32
    %add3A_344 = arith.addi %add3A_342, %add3A_343 : i32
    %get3A_345 = arith.index_cast %add3A_344 : i32 to index
    %get3A_346 = tpu.vector_load %arg14[%get3A_345] {strides = array<i32>} : memref<33280xi32, #tpu.memory_space<vmem>>, vector<16xi32>,
    %max3A_347 = arith.maxsi %max3A_340, %get3A_346 : vector<16xi32>
    %add3A_348 = arith.constant 17680 : i32
    %add3A_349 = arith.addi %add3A_348, %mul3A_2 : i32
    %add3A_350 = arith.constant 16 : i32
    %add3A_351 = arith.addi %add3A_349, %add3A_350 : i32
    %get3A_352 = arith.index_cast %add3A_351 : i32 to index
    %get3A_353 = tpu.vector_load %arg14[%get3A_352] {strides = array<i32>} : memref<33280xi32, #tpu.memory_space<vmem>>, vector<16xi32>,
    %max3A_354 = arith.maxsi %max3A_347, %get3A_353 : vector<16xi32>
    %add3A_355 = arith.constant 18720 : i32
    %add3A_356 = arith.addi %add3A_355, %mul3A_2 : i32
    %add3A_357 = arith.constant 16 : i32
    %add3A_358 = arith.addi %add3A_356, %add3A_357 : i32
    %get3A_359 = arith.index_cast %add3A_358 : i32 to index
    %get3A_360 = tpu.vector_load %arg14[%get3A_359] {strides = array<i32>} : memref<33280xi32, #tpu.memory_space<vmem>>, vector<16xi32>,
    %max3A_361 = arith.maxsi %max3A_354, %get3A_360 : vector<16xi32>
    %add3A_362 = arith.constant 19760 : i32
    %add3A_363 = arith.addi %add3A_362, %mul3A_2 : i32
    %add3A_364 = arith.constant 16 : i32
    %add3A_365 = arith.addi %add3A_363, %add3A_364 : i32
    %get3A_366 = arith.index_cast %add3A_365 : i32 to index
    %get3A_367 = tpu.vector_load %arg14[%get3A_366] {strides = array<i32>} : memref<33280xi32, #tpu.memory_space<vmem>>, vector<16xi32>,
    %max3A_368 = arith.maxsi %max3A_361, %get3A_367 : vector<16xi32>
    %add3A_369 = arith.constant 20800 : i32
    %add3A_370 = arith.addi %add3A_369, %mul3A_2 : i32
    %add3A_371 = arith.constant 16 : i32
    %add3A_372 = arith.addi %add3A_370, %add3A_371 : i32
    %get3A_373 = arith.index_cast %add3A_372 : i32 to index
    %get3A_374 = tpu.vector_load %arg14[%get3A_373] {strides = array<i32>} : memref<33280xi32, #tpu.memory_space<vmem>>, vector<16xi32>,
    %max3A_375 = arith.maxsi %max3A_368, %get3A_374 : vector<16xi32>
    %add3A_376 = arith.constant 21840 : i32
    %add3A_377 = arith.addi %add3A_376, %mul3A_2 : i32
    %add3A_378 = arith.constant 16 : i32
    %add3A_379 = arith.addi %add3A_377, %add3A_378 : i32
    %get3A_380 = arith.index_cast %add3A_379 : i32 to index
    %get3A_381 = tpu.vector_load %arg14[%get3A_380] {strides = array<i32>} : memref<33280xi32, #tpu.memory_space<vmem>>, vector<16xi32>,
    %max3A_382 = arith.maxsi %max3A_375, %get3A_381 : vector<16xi32>
    %add3A_383 = arith.constant 22880 : i32
    %add3A_384 = arith.addi %add3A_383, %mul3A_2 : i32
    %add3A_385 = arith.constant 16 : i32
    %add3A_386 = arith.addi %add3A_384, %add3A_385 : i32
    %get3A_387 = arith.index_cast %add3A_386 : i32 to index
    %get3A_388 = tpu.vector_load %arg14[%get3A_387] {strides = array<i32>} : memref<33280xi32, #tpu.memory_space<vmem>>, vector<16xi32>,
    %max3A_389 = arith.maxsi %max3A_382, %get3A_388 : vector<16xi32>
    %add3A_390 = arith.constant 23920 : i32
    %add3A_391 = arith.addi %add3A_390, %mul3A_2 : i32
    %add3A_392 = arith.constant 16 : i32
    %add3A_393 = arith.addi %add3A_391, %add3A_392 : i32
    %get3A_394 = arith.index_cast %add3A_393 : i32 to index
    %get3A_395 = tpu.vector_load %arg14[%get3A_394] {strides = array<i32>} : memref<33280xi32, #tpu.memory_space<vmem>>, vector<16xi32>,
    %max3A_396 = arith.maxsi %max3A_389, %get3A_395 : vector<16xi32>
    %add3A_397 = arith.constant 24960 : i32
    %add3A_398 = arith.addi %add3A_397, %mul3A_2 : i32
    %add3A_399 = arith.constant 16 : i32
    %add3A_400 = arith.addi %add3A_398, %add3A_399 : i32
    %get3A_401 = arith.index_cast %add3A_400 : i32 to index
    %get3A_402 = tpu.vector_load %arg14[%get3A_401] {strides = array<i32>} : memref<33280xi32, #tpu.memory_space<vmem>>, vector<16xi32>,
    %max3A_403 = arith.maxsi %max3A_396, %get3A_402 : vector<16xi32>
    %add3A_404 = arith.constant 26000 : i32
    %add3A_405 = arith.addi %add3A_404, %mul3A_2 : i32
    %add3A_406 = arith.constant 16 : i32
    %add3A_407 = arith.addi %add3A_405, %add3A_406 : i32
    %get3A_408 = arith.index_cast %add3A_407 : i32 to index
    %get3A_409 = tpu.vector_load %arg14[%get3A_408] {strides = array<i32>} : memref<33280xi32, #tpu.memory_space<vmem>>, vector<16xi32>,
    %max3A_410 = arith.maxsi %max3A_403, %get3A_409 : vector<16xi32>
    %add3A_411 = arith.constant 27040 : i32
    %add3A_412 = arith.addi %add3A_411, %mul3A_2 : i32
    %add3A_413 = arith.constant 16 : i32
    %add3A_414 = arith.addi %add3A_412, %add3A_413 : i32
    %get3A_415 = arith.index_cast %add3A_414 : i32 to index
    %get3A_416 = tpu.vector_load %arg14[%get3A_415] {strides = array<i32>} : memref<33280xi32, #tpu.memory_space<vmem>>, vector<16xi32>,
    %max3A_417 = arith.maxsi %max3A_410, %get3A_416 : vector<16xi32>
    %add3A_418 = arith.constant 28080 : i32
    %add3A_419 = arith.addi %add3A_418, %mul3A_2 : i32
    %add3A_420 = arith.constant 16 : i32
    %add3A_421 = arith.addi %add3A_419, %add3A_420 : i32
    %get3A_422 = arith.index_cast %add3A_421 : i32 to index
    %get3A_423 = tpu.vector_load %arg14[%get3A_422] {strides = array<i32>} : memref<33280xi32, #tpu.memory_space<vmem>>, vector<16xi32>,
    %max3A_424 = arith.maxsi %max3A_417, %get3A_423 : vector<16xi32>
    %add3A_425 = arith.constant 29120 : i32
    %add3A_426 = arith.addi %add3A_425, %mul3A_2 : i32
    %add3A_427 = arith.constant 16 : i32
    %add3A_428 = arith.addi %add3A_426, %add3A_427 : i32
    %get3A_429 = arith.index_cast %add3A_428 : i32 to index
    %get3A_430 = tpu.vector_load %arg14[%get3A_429] {strides = array<i32>} : memref<33280xi32, #tpu.memory_space<vmem>>, vector<16xi32>,
    %max3A_431 = arith.maxsi %max3A_424, %get3A_430 : vector<16xi32>
    %add3A_432 = arith.constant 30160 : i32
    %add3A_433 = arith.addi %add3A_432, %mul3A_2 : i32
    %add3A_434 = arith.constant 16 : i32
    %add3A_435 = arith.addi %add3A_433, %add3A_434 : i32
    %get3A_436 = arith.index_cast %add3A_435 : i32 to index
    %get3A_437 = tpu.vector_load %arg14[%get3A_436] {strides = array<i32>} : memref<33280xi32, #tpu.memory_space<vmem>>, vector<16xi32>,
    %max3A_438 = arith.maxsi %max3A_431, %get3A_437 : vector<16xi32>
    %add3A_439 = arith.constant 31200 : i32
    %add3A_440 = arith.addi %add3A_439, %mul3A_2 : i32
    %add3A_441 = arith.constant 16 : i32
    %add3A_442 = arith.addi %add3A_440, %add3A_441 : i32
    %get3A_443 = arith.index_cast %add3A_442 : i32 to index
    %get3A_444 = tpu.vector_load %arg14[%get3A_443] {strides = array<i32>} : memref<33280xi32, #tpu.memory_space<vmem>>, vector<16xi32>,
    %max3A_445 = arith.maxsi %max3A_438, %get3A_444 : vector<16xi32>
    %add3A_446 = arith.constant 32240 : i32
    %add3A_447 = arith.addi %add3A_446, %mul3A_2 : i32
    %add3A_448 = arith.constant 16 : i32
    %add3A_449 = arith.addi %add3A_447, %add3A_448 : i32
    %get3A_450 = arith.index_cast %add3A_449 : i32 to index
    %get3A_451 = tpu.vector_load %arg14[%get3A_450] {strides = array<i32>} : memref<33280xi32, #tpu.memory_space<vmem>>, vector<16xi32>,
    %max3A_452 = arith.maxsi %max3A_445, %get3A_451 : vector<16xi32>
    %swap3A_453 = arith.constant 16 : index
    %swap3A_454 = tpu.vector_load %arg15[%swap3A_453] {strides = array<i32>} : memref<48xi32, #tpu.memory_space<vmem>>, vector<16xi32>,
    tpu.vector_store %arg15[%swap3A_453], %max3A_452 {strides = array<i32>} : memref<48xi32, #tpu.memory_space<vmem>>, vector<16xi32>,
    %broadcast_in_dim3A_455 = arith.constant -1 : i32
    %broadcast_in_dim3A_456 = vector.broadcast %broadcast_in_dim3A_455 : i32 to vector<16xi32>
    %add3A_457 = arith.constant 0 : i32
    %add3A_458 = arith.addi %add3A_457, %mul3A_2 : i32
    %add3A_459 = arith.constant 32 : i32
    %add3A_460 = arith.addi %add3A_458, %add3A_459 : i32
    %get3A_461 = arith.index_cast %add3A_460 : i32 to index
    %get3A_462 = tpu.vector_load %arg14[%get3A_461] {strides = array<i32>} : memref<33280xi32, #tpu.memory_space<vmem>>, vector<16xi32>,
    %max3A_463 = arith.maxsi %broadcast_in_dim3A_456, %get3A_462 : vector<16xi32>
    %add3A_464 = arith.constant 1040 : i32
    %add3A_465 = arith.addi %add3A_464, %mul3A_2 : i32
    %add3A_466 = arith.constant 32 : i32
    %add3A_467 = arith.addi %add3A_465, %add3A_466 : i32
    %get3A_468 = arith.index_cast %add3A_467 : i32 to index
    %get3A_469 = tpu.vector_load %arg14[%get3A_468] {strides = array<i32>} : memref<33280xi32, #tpu.memory_space<vmem>>, vector<16xi32>,
    %max3A_470 = arith.maxsi %max3A_463, %get3A_469 : vector<16xi32>
    %add3A_471 = arith.constant 2080 : i32
    %add3A_472 = arith.addi %add3A_471, %mul3A_2 : i32
    %add3A_473 = arith.constant 32 : i32
    %add3A_474 = arith.addi %add3A_472, %add3A_473 : i32
    %get3A_475 = arith.index_cast %add3A_474 : i32 to index
    %get3A_476 = tpu.vector_load %arg14[%get3A_475] {strides = array<i32>} : memref<33280xi32, #tpu.memory_space<vmem>>, vector<16xi32>,
    %max3A_477 = arith.maxsi %max3A_470, %get3A_476 : vector<16xi32>
    %add3A_478 = arith.constant 3120 : i32
    %add3A_479 = arith.addi %add3A_478, %mul3A_2 : i32
    %add3A_480 = arith.constant 32 : i32
    %add3A_481 = arith.addi %add3A_479, %add3A_480 : i32
    %get3A_482 = arith.index_cast %add3A_481 : i32 to index
    %get3A_483 = tpu.vector_load %arg14[%get3A_482] {strides = array<i32>} : memref<33280xi32, #tpu.memory_space<vmem>>, vector<16xi32>,
    %max3A_484 = arith.maxsi %max3A_477, %get3A_483 : vector<16xi32>
    %add3A_485 = arith.constant 4160 : i32
    %add3A_486 = arith.addi %add3A_485, %mul3A_2 : i32
    %add3A_487 = arith.constant 32 : i32
    %add3A_488 = arith.addi %add3A_486, %add3A_487 : i32
    %get3A_489 = arith.index_cast %add3A_488 : i32 to index
    %get3A_490 = tpu.vector_load %arg14[%get3A_489] {strides = array<i32>} : memref<33280xi32, #tpu.memory_space<vmem>>, vector<16xi32>,
    %max3A_491 = arith.maxsi %max3A_484, %get3A_490 : vector<16xi32>
    %add3A_492 = arith.constant 5200 : i32
    %add3A_493 = arith.addi %add3A_492, %mul3A_2 : i32
    %add3A_494 = arith.constant 32 : i32
    %add3A_495 = arith.addi %add3A_493, %add3A_494 : i32
    %get3A_496 = arith.index_cast %add3A_495 : i32 to index
    %get3A_497 = tpu.vector_load %arg14[%get3A_496] {strides = array<i32>} : memref<33280xi32, #tpu.memory_space<vmem>>, vector<16xi32>,
    %max3A_498 = arith.maxsi %max3A_491, %get3A_497 : vector<16xi32>
    %add3A_499 = arith.constant 6240 : i32
    %add3A_500 = arith.addi %add3A_499, %mul3A_2 : i32
    %add3A_501 = arith.constant 32 : i32
    %add3A_502 = arith.addi %add3A_500, %add3A_501 : i32
    %get3A_503 = arith.index_cast %add3A_502 : i32 to index
    %get3A_504 = tpu.vector_load %arg14[%get3A_503] {strides = array<i32>} : memref<33280xi32, #tpu.memory_space<vmem>>, vector<16xi32>,
    %max3A_505 = arith.maxsi %max3A_498, %get3A_504 : vector<16xi32>
    %add3A_506 = arith.constant 7280 : i32
    %add3A_507 = arith.addi %add3A_506, %mul3A_2 : i32
    %add3A_508 = arith.constant 32 : i32
    %add3A_509 = arith.addi %add3A_507, %add3A_508 : i32
    %get3A_510 = arith.index_cast %add3A_509 : i32 to index
    %get3A_511 = tpu.vector_load %arg14[%get3A_510] {strides = array<i32>} : memref<33280xi32, #tpu.memory_space<vmem>>, vector<16xi32>,
    %max3A_512 = arith.maxsi %max3A_505, %get3A_511 : vector<16xi32>
    %add3A_513 = arith.constant 8320 : i32
    %add3A_514 = arith.addi %add3A_513, %mul3A_2 : i32
    %add3A_515 = arith.constant 32 : i32
    %add3A_516 = arith.addi %add3A_514, %add3A_515 : i32
    %get3A_517 = arith.index_cast %add3A_516 : i32 to index
    %get3A_518 = tpu.vector_load %arg14[%get3A_517] {strides = array<i32>} : memref<33280xi32, #tpu.memory_space<vmem>>, vector<16xi32>,
    %max3A_519 = arith.maxsi %max3A_512, %get3A_518 : vector<16xi32>
    %add3A_520 = arith.constant 9360 : i32
    %add3A_521 = arith.addi %add3A_520, %mul3A_2 : i32
    %add3A_522 = arith.constant 32 : i32
    %add3A_523 = arith.addi %add3A_521, %add3A_522 : i32
    %get3A_524 = arith.index_cast %add3A_523 : i32 to index
    %get3A_525 = tpu.vector_load %arg14[%get3A_524] {strides = array<i32>} : memref<33280xi32, #tpu.memory_space<vmem>>, vector<16xi32>,
    %max3A_526 = arith.maxsi %max3A_519, %get3A_525 : vector<16xi32>
    %add3A_527 = arith.constant 10400 : i32
    %add3A_528 = arith.addi %add3A_527, %mul3A_2 : i32
    %add3A_529 = arith.constant 32 : i32
    %add3A_530 = arith.addi %add3A_528, %add3A_529 : i32
    %get3A_531 = arith.index_cast %add3A_530 : i32 to index
    %get3A_532 = tpu.vector_load %arg14[%get3A_531] {strides = array<i32>} : memref<33280xi32, #tpu.memory_space<vmem>>, vector<16xi32>,
    %max3A_533 = arith.maxsi %max3A_526, %get3A_532 : vector<16xi32>
    %add3A_534 = arith.constant 11440 : i32
    %add3A_535 = arith.addi %add3A_534, %mul3A_2 : i32
    %add3A_536 = arith.constant 32 : i32
    %add3A_537 = arith.addi %add3A_535, %add3A_536 : i32
    %get3A_538 = arith.index_cast %add3A_537 : i32 to index
    %get3A_539 = tpu.vector_load %arg14[%get3A_538] {strides = array<i32>} : memref<33280xi32, #tpu.memory_space<vmem>>, vector<16xi32>,
    %max3A_540 = arith.maxsi %max3A_533, %get3A_539 : vector<16xi32>
    %add3A_541 = arith.constant 12480 : i32
    %add3A_542 = arith.addi %add3A_541, %mul3A_2 : i32
    %add3A_543 = arith.constant 32 : i32
    %add3A_544 = arith.addi %add3A_542, %add3A_543 : i32
    %get3A_545 = arith.index_cast %add3A_544 : i32 to index
    %get3A_546 = tpu.vector_load %arg14[%get3A_545] {strides = array<i32>} : memref<33280xi32, #tpu.memory_space<vmem>>, vector<16xi32>,
    %max3A_547 = arith.maxsi %max3A_540, %get3A_546 : vector<16xi32>
    %add3A_548 = arith.constant 13520 : i32
    %add3A_549 = arith.addi %add3A_548, %mul3A_2 : i32
    %add3A_550 = arith.constant 32 : i32
    %add3A_551 = arith.addi %add3A_549, %add3A_550 : i32
    %get3A_552 = arith.index_cast %add3A_551 : i32 to index
    %get3A_553 = tpu.vector_load %arg14[%get3A_552] {strides = array<i32>} : memref<33280xi32, #tpu.memory_space<vmem>>, vector<16xi32>,
    %max3A_554 = arith.maxsi %max3A_547, %get3A_553 : vector<16xi32>
    %add3A_555 = arith.constant 14560 : i32
    %add3A_556 = arith.addi %add3A_555, %mul3A_2 : i32
    %add3A_557 = arith.constant 32 : i32
    %add3A_558 = arith.addi %add3A_556, %add3A_557 : i32
    %get3A_559 = arith.index_cast %add3A_558 : i32 to index
    %get3A_560 = tpu.vector_load %arg14[%get3A_559] {strides = array<i32>} : memref<33280xi32, #tpu.memory_space<vmem>>, vector<16xi32>,
    %max3A_561 = arith.maxsi %max3A_554, %get3A_560 : vector<16xi32>
    %add3A_562 = arith.constant 15600 : i32
    %add3A_563 = arith.addi %add3A_562, %mul3A_2 : i32
    %add3A_564 = arith.constant 32 : i32
    %add3A_565 = arith.addi %add3A_563, %add3A_564 : i32
    %get3A_566 = arith.index_cast %add3A_565 : i32 to index
    %get3A_567 = tpu.vector_load %arg14[%get3A_566] {strides = array<i32>} : memref<33280xi32, #tpu.memory_space<vmem>>, vector<16xi32>,
    %max3A_568 = arith.maxsi %max3A_561, %get3A_567 : vector<16xi32>
    %add3A_569 = arith.constant 16640 : i32
    %add3A_570 = arith.addi %add3A_569, %mul3A_2 : i32
    %add3A_571 = arith.constant 32 : i32
    %add3A_572 = arith.addi %add3A_570, %add3A_571 : i32
    %get3A_573 = arith.index_cast %add3A_572 : i32 to index
    %get3A_574 = tpu.vector_load %arg14[%get3A_573] {strides = array<i32>} : memref<33280xi32, #tpu.memory_space<vmem>>, vector<16xi32>,
    %max3A_575 = arith.maxsi %max3A_568, %get3A_574 : vector<16xi32>
    %add3A_576 = arith.constant 17680 : i32
    %add3A_577 = arith.addi %add3A_576, %mul3A_2 : i32
    %add3A_578 = arith.constant 32 : i32
    %add3A_579 = arith.addi %add3A_577, %add3A_578 : i32
    %get3A_580 = arith.index_cast %add3A_579 : i32 to index
    %get3A_581 = tpu.vector_load %arg14[%get3A_580] {strides = array<i32>} : memref<33280xi32, #tpu.memory_space<vmem>>, vector<16xi32>,
    %max3A_582 = arith.maxsi %max3A_575, %get3A_581 : vector<16xi32>
    %add3A_583 = arith.constant 18720 : i32
    %add3A_584 = arith.addi %add3A_583, %mul3A_2 : i32
    %add3A_585 = arith.constant 32 : i32
    %add3A_586 = arith.addi %add3A_584, %add3A_585 : i32
    %get3A_587 = arith.index_cast %add3A_586 : i32 to index
    %get3A_588 = tpu.vector_load %arg14[%get3A_587] {strides = array<i32>} : memref<33280xi32, #tpu.memory_space<vmem>>, vector<16xi32>,
    %max3A_589 = arith.maxsi %max3A_582, %get3A_588 : vector<16xi32>
    %add3A_590 = arith.constant 19760 : i32
    %add3A_591 = arith.addi %add3A_590, %mul3A_2 : i32
    %add3A_592 = arith.constant 32 : i32
    %add3A_593 = arith.addi %add3A_591, %add3A_592 : i32
    %get3A_594 = arith.index_cast %add3A_593 : i32 to index
    %get3A_595 = tpu.vector_load %arg14[%get3A_594] {strides = array<i32>} : memref<33280xi32, #tpu.memory_space<vmem>>, vector<16xi32>,
    %max3A_596 = arith.maxsi %max3A_589, %get3A_595 : vector<16xi32>
    %add3A_597 = arith.constant 20800 : i32
    %add3A_598 = arith.addi %add3A_597, %mul3A_2 : i32
    %add3A_599 = arith.constant 32 : i32
    %add3A_600 = arith.addi %add3A_598, %add3A_599 : i32
    %get3A_601 = arith.index_cast %add3A_600 : i32 to index
    %get3A_602 = tpu.vector_load %arg14[%get3A_601] {strides = array<i32>} : memref<33280xi32, #tpu.memory_space<vmem>>, vector<16xi32>,
    %max3A_603 = arith.maxsi %max3A_596, %get3A_602 : vector<16xi32>
    %add3A_604 = arith.constant 21840 : i32
    %add3A_605 = arith.addi %add3A_604, %mul3A_2 : i32
    %add3A_606 = arith.constant 32 : i32
    %add3A_607 = arith.addi %add3A_605, %add3A_606 : i32
    %get3A_608 = arith.index_cast %add3A_607 : i32 to index
    %get3A_609 = tpu.vector_load %arg14[%get3A_608] {strides = array<i32>} : memref<33280xi32, #tpu.memory_space<vmem>>, vector<16xi32>,
    %max3A_610 = arith.maxsi %max3A_603, %get3A_609 : vector<16xi32>
    %add3A_611 = arith.constant 22880 : i32
    %add3A_612 = arith.addi %add3A_611, %mul3A_2 : i32
    %add3A_613 = arith.constant 32 : i32
    %add3A_614 = arith.addi %add3A_612, %add3A_613 : i32
    %get3A_615 = arith.index_cast %add3A_614 : i32 to index
    %get3A_616 = tpu.vector_load %arg14[%get3A_615] {strides = array<i32>} : memref<33280xi32, #tpu.memory_space<vmem>>, vector<16xi32>,
    %max3A_617 = arith.maxsi %max3A_610, %get3A_616 : vector<16xi32>
    %add3A_618 = arith.constant 23920 : i32
    %add3A_619 = arith.addi %add3A_618, %mul3A_2 : i32
    %add3A_620 = arith.constant 32 : i32
    %add3A_621 = arith.addi %add3A_619, %add3A_620 : i32
    %get3A_622 = arith.index_cast %add3A_621 : i32 to index
    %get3A_623 = tpu.vector_load %arg14[%get3A_622] {strides = array<i32>} : memref<33280xi32, #tpu.memory_space<vmem>>, vector<16xi32>,
    %max3A_624 = arith.maxsi %max3A_617, %get3A_623 : vector<16xi32>
    %add3A_625 = arith.constant 24960 : i32
    %add3A_626 = arith.addi %add3A_625, %mul3A_2 : i32
    %add3A_627 = arith.constant 32 : i32
    %add3A_628 = arith.addi %add3A_626, %add3A_627 : i32
    %get3A_629 = arith.index_cast %add3A_628 : i32 to index
    %get3A_630 = tpu.vector_load %arg14[%get3A_629] {strides = array<i32>} : memref<33280xi32, #tpu.memory_space<vmem>>, vector<16xi32>,
    %max3A_631 = arith.maxsi %max3A_624, %get3A_630 : vector<16xi32>
    %add3A_632 = arith.constant 26000 : i32
    %add3A_633 = arith.addi %add3A_632, %mul3A_2 : i32
    %add3A_634 = arith.constant 32 : i32
    %add3A_635 = arith.addi %add3A_633, %add3A_634 : i32
    %get3A_636 = arith.index_cast %add3A_635 : i32 to index
    %get3A_637 = tpu.vector_load %arg14[%get3A_636] {strides = array<i32>} : memref<33280xi32, #tpu.memory_space<vmem>>, vector<16xi32>,
    %max3A_638 = arith.maxsi %max3A_631, %get3A_637 : vector<16xi32>
    %add3A_639 = arith.constant 27040 : i32
    %add3A_640 = arith.addi %add3A_639, %mul3A_2 : i32
    %add3A_641 = arith.constant 32 : i32
    %add3A_642 = arith.addi %add3A_640, %add3A_641 : i32
    %get3A_643 = arith.index_cast %add3A_642 : i32 to index
    %get3A_644 = tpu.vector_load %arg14[%get3A_643] {strides = array<i32>} : memref<33280xi32, #tpu.memory_space<vmem>>, vector<16xi32>,
    %max3A_645 = arith.maxsi %max3A_638, %get3A_644 : vector<16xi32>
    %add3A_646 = arith.constant 28080 : i32
    %add3A_647 = arith.addi %add3A_646, %mul3A_2 : i32
    %add3A_648 = arith.constant 32 : i32
    %add3A_649 = arith.addi %add3A_647, %add3A_648 : i32
    %get3A_650 = arith.index_cast %add3A_649 : i32 to index
    %get3A_651 = tpu.vector_load %arg14[%get3A_650] {strides = array<i32>} : memref<33280xi32, #tpu.memory_space<vmem>>, vector<16xi32>,
    %max3A_652 = arith.maxsi %max3A_645, %get3A_651 : vector<16xi32>
    %add3A_653 = arith.constant 29120 : i32
    %add3A_654 = arith.addi %add3A_653, %mul3A_2 : i32
    %add3A_655 = arith.constant 32 : i32
    %add3A_656 = arith.addi %add3A_654, %add3A_655 : i32
    %get3A_657 = arith.index_cast %add3A_656 : i32 to index
    %get3A_658 = tpu.vector_load %arg14[%get3A_657] {strides = array<i32>} : memref<33280xi32, #tpu.memory_space<vmem>>, vector<16xi32>,
    %max3A_659 = arith.maxsi %max3A_652, %get3A_658 : vector<16xi32>
    %add3A_660 = arith.constant 30160 : i32
    %add3A_661 = arith.addi %add3A_660, %mul3A_2 : i32
    %add3A_662 = arith.constant 32 : i32
    %add3A_663 = arith.addi %add3A_661, %add3A_662 : i32
    %get3A_664 = arith.index_cast %add3A_663 : i32 to index
    %get3A_665 = tpu.vector_load %arg14[%get3A_664] {strides = array<i32>} : memref<33280xi32, #tpu.memory_space<vmem>>, vector<16xi32>,
    %max3A_666 = arith.maxsi %max3A_659, %get3A_665 : vector<16xi32>
    %add3A_667 = arith.constant 31200 : i32
    %add3A_668 = arith.addi %add3A_667, %mul3A_2 : i32
    %add3A_669 = arith.constant 32 : i32
    %add3A_670 = arith.addi %add3A_668, %add3A_669 : i32
    %get3A_671 = arith.index_cast %add3A_670 : i32 to index
    %get3A_672 = tpu.vector_load %arg14[%get3A_671] {strides = array<i32>} : memref<33280xi32, #tpu.memory_space<vmem>>, vector<16xi32>,
    %max3A_673 = arith.maxsi %max3A_666, %get3A_672 : vector<16xi32>
    %add3A_674 = arith.constant 32240 : i32
    %add3A_675 = arith.addi %add3A_674, %mul3A_2 : i32
    %add3A_676 = arith.constant 32 : i32
    %add3A_677 = arith.addi %add3A_675, %add3A_676 : i32
    %get3A_678 = arith.index_cast %add3A_677 : i32 to index
    %get3A_679 = tpu.vector_load %arg14[%get3A_678] {strides = array<i32>} : memref<33280xi32, #tpu.memory_space<vmem>>, vector<16xi32>,
    %max3A_680 = arith.maxsi %max3A_673, %get3A_679 : vector<16xi32>
    %swap3A_681 = arith.constant 32 : index
    %swap3A_682 = tpu.vector_load %arg15[%swap3A_681] {strides = array<i32>} : memref<48xi32, #tpu.memory_space<vmem>>, vector<16xi32>,
    tpu.vector_store %arg15[%swap3A_681], %max3A_680 {strides = array<i32>} : memref<48xi32, #tpu.memory_space<vmem>>, vector<16xi32>,
    %scan3A = arith.constant -1073741824 : i32
    %scan3A_683 = arith.constant 0 : i32
    %scan3A_684 = arith.constant 32 : i32
    %scan3A_685 = arith.addi %scan3A_683, %scan3A_684 : i32
    %scan3A_686 = arith.constant 1 : i32
    %scan3A_687 = scf.for %scan3A_1170 = %scan3A_683 to %scan3A_685 step %scan3A_686 iter_args(%scan3A_1171 = %scan3A) -> (i32)  : i32 {
      %get3A_1172 = arith.index_cast %scan3A_1170 : i32 to index
      %get3A_1173 = tpu.vector_load %arg15[%get3A_1172] {strides = array<i32>} : memref<48xi32, #tpu.memory_space<vmem>>, vector<16xi32>,
      %slice3A_1174 = vector.extract_strided_slice %get3A_1173 {offsets = [0], sizes = [1], strides = [1]} : vector<16xi32> to vector<1xi32>
      %squeeze3A_1175 = vector.extract %slice3A_1174[0] : i32 from vector<1xi32>
      %max3A_1176 = arith.constant 0 : i32
      %max3A_1177 = arith.maxsi %squeeze3A_1175, %max3A_1176 : i32
      %slice3A_1178 = vector.extract_strided_slice %get3A_1173 {offsets = [1], sizes = [1], strides = [1]} : vector<16xi32> to vector<1xi32>
      %squeeze3A_1179 = vector.extract %slice3A_1178[0] : i32 from vector<1xi32>
      %max3A_1180 = arith.maxsi %squeeze3A_1179, %max3A_1177 : i32
      %broadcast_in_dim3A_1181 = arith.constant -1.000000e+09 : f32
      %broadcast_in_dim3A_1182 = vector.broadcast %broadcast_in_dim3A_1181 : f32 to vector<16xf32>
      %broadcast_in_dim3A_1183 = arith.constant -1.000000e+09 : f32
      %broadcast_in_dim3A_1184 = vector.broadcast %broadcast_in_dim3A_1183 : f32 to vector<16xf32>
      %broadcast_in_dim3A_1185 = arith.constant -1 : i32
      %broadcast_in_dim3A_1186 = vector.broadcast %broadcast_in_dim3A_1185 : i32 to vector<16xi32>
      %broadcast_in_dim3A_1187 = arith.constant -1.000000e+09 : f32
      %broadcast_in_dim3A_1188 = vector.broadcast %broadcast_in_dim3A_1187 : f32 to vector<16xf32>
      %while3A:6 = scf.while (%while3A_1254 = %max3A_1177, %while3A_1255 = %scan3A_1171, %while3A_1256 = %broadcast_in_dim3A_1182, %while3A_1257 = %broadcast_in_dim3A_1184, %while3A_1258 = %broadcast_in_dim3A_1186, %while3A_1259 = %broadcast_in_dim3A_1188) : (i32, i32, vector<16xf32>, vector<16xf32>, vector<16xi32>, vector<16xf32>) -> (i32, i32, vector<16xf32>, vector<16xf32>, vector<16xi32>, vector<16xf32>) {
        %lt3A = arith.cmpi slt, %while3A_1254, %max3A_1180 : i32
        scf.condition(%lt3A) %while3A_1254, %while3A_1255, %while3A_1256, %while3A_1257, %while3A_1258, %while3A_1259 : i32, i32, vector<16xf32>, vector<16xf32>, vector<16xi32>, vector<16xf32>
      } do {
      ^bb0(%while3A_1254: i32, %while3A_1255: i32, %while3A_1256: vector<16xf32>, %while3A_1257: vector<16xf32>, %while3A_1258: vector<16xi32>, %while3A_1259: vector<16xf32>):
        %lt3A = arith.cmpi slt, %while3A_1254, %while3A_1255 : i32
        %add3A_1260 = arith.constant 16 : i32
        %add3A_1261 = arith.addi %while3A_1254, %add3A_1260 : i32
        %add3A_1262 = arith.constant 8192 : i32
        %add3A_1263 = arith.addi %while3A_1255, %add3A_1262 : i32
        %gt3A = arith.cmpi sgt, %add3A_1261, %add3A_1263 : i32
        %or3A = arith.ori %lt3A, %gt3A : i1
        %rem3A = arith.constant 8 : i32
        %rem3A_1264 = arith.remsi %while3A_1254, %rem3A : i32
        %sub3A = arith.subi %while3A_1254, %rem3A_1264 : i32
        %select_n3A_1265 = arith.select %or3A, %sub3A, %while3A_1255 : i32
        %multiple_of3A = tpu.assume_multiple %select_n3A_1265, 8 : i32
        %convert_element_type3A = arith.extui %or3A : i1 to i32
        %cond3A = arith.constant 0 : i32
        %cond3A_1266 = arith.cmpi ne, %convert_element_type3A, %cond3A : i32
        scf.if %cond3A_1266 {
          "tpu.region"() ({
            %run_scoped3A_1290 = tpu.sem_alloc : memref<!tpu.dma_semaphore, #tpu.memory_space<semaphore_mem>>
            %dma_start3A_1291 = tpu.memref_slice %arg2[%multiple_of3A] : memref<108544xf32, #tpu.memory_space<hbm>> -> memref<8192xf32, #tpu.memory_space<hbm>>
            %dma_start3A_1292 = tpu.memref_slice %arg2[%multiple_of3A] : memref<108544xf32, #tpu.memory_space<hbm>> -> memref<8192xf32, #tpu.memory_space<hbm>>
            tpu.enqueue_dma source(%dma_start3A_1292 : memref<8192xf32, #tpu.memory_space<hbm>>) target(%arg12 : memref<8192xf32, #tpu.memory_space<vmem>>) target_semaphore(%run_scoped3A_1290 : memref<!tpu.dma_semaphore, #tpu.memory_space<semaphore_mem>>)
            %dma_wait3A_1293 = tpu.memref_slice %arg2[%multiple_of3A] : memref<108544xf32, #tpu.memory_space<hbm>> -> memref<8192xf32, #tpu.memory_space<hbm>>
            %dma_wait3A_1294 = tpu.memref_slice %arg2[%multiple_of3A] : memref<108544xf32, #tpu.memory_space<hbm>> -> memref<8192xf32, #tpu.memory_space<hbm>>
            tpu.wait_dma2 semaphore(%run_scoped3A_1290 : memref<!tpu.dma_semaphore, #tpu.memory_space<semaphore_mem>>) src(%dma_wait3A_1294 : memref<8192xf32, #tpu.memory_space<hbm>>) dst(%arg12 : memref<8192xf32, #tpu.memory_space<vmem>>)
            tpu.yield
          }) : () -> ()
          "tpu.region"() ({
            %run_scoped3A_1290 = tpu.sem_alloc : memref<!tpu.dma_semaphore, #tpu.memory_space<semaphore_mem>>
            %dma_start3A_1291 = tpu.memref_slice %arg3[%multiple_of3A] : memref<108544xf32, #tpu.memory_space<hbm>> -> memref<8192xf32, #tpu.memory_space<hbm>>
            %dma_start3A_1292 = tpu.memref_slice %arg3[%multiple_of3A] : memref<108544xf32, #tpu.memory_space<hbm>> -> memref<8192xf32, #tpu.memory_space<hbm>>
            tpu.enqueue_dma source(%dma_start3A_1292 : memref<8192xf32, #tpu.memory_space<hbm>>) target(%arg13 : memref<8192xf32, #tpu.memory_space<vmem>>) target_semaphore(%run_scoped3A_1290 : memref<!tpu.dma_semaphore, #tpu.memory_space<semaphore_mem>>)
            %dma_wait3A_1293 = tpu.memref_slice %arg3[%multiple_of3A] : memref<108544xf32, #tpu.memory_space<hbm>> -> memref<8192xf32, #tpu.memory_space<hbm>>
            %dma_wait3A_1294 = tpu.memref_slice %arg3[%multiple_of3A] : memref<108544xf32, #tpu.memory_space<hbm>> -> memref<8192xf32, #tpu.memory_space<hbm>>
            tpu.wait_dma2 semaphore(%run_scoped3A_1290 : memref<!tpu.dma_semaphore, #tpu.memory_space<semaphore_mem>>) src(%dma_wait3A_1294 : memref<8192xf32, #tpu.memory_space<hbm>>) dst(%arg13 : memref<8192xf32, #tpu.memory_space<vmem>>)
            tpu.yield
          }) : () -> ()
        } else {
        }
        %sub3A_1267 = arith.subi %while3A_1254, %multiple_of3A : i32
        %get3A_1268 = arith.index_cast %sub3A_1267 : i32 to index
        %get3A_1269 = tpu.vector_load %arg12[%get3A_1268] {strides = array<i32>} : memref<8192xf32, #tpu.memory_space<vmem>>, vector<16xf32>,
        %get3A_1270 = arith.index_cast %sub3A_1267 : i32 to index
        %get3A_1271 = tpu.vector_load %arg13[%get3A_1270] {strides = array<i32>} : memref<8192xf32, #tpu.memory_space<vmem>>, vector<16xf32>,
        %add3A_1272 = arith.addf %get3A_1269, %get3A_1271 : vector<16xf32>
        %sub3A_1273 = arith.subi %max3A_1180, %while3A_1254 : i32
        %lt3A_1274 = vector.broadcast %sub3A_1273 : i32 to vector<16xi32>
        %lt3A_1275 = arith.cmpi slt, %iota3A, %lt3A_1274 : vector<16xi32>
        %jit3A_1276 = arith.constant -1.000000e+09 : f32
        %broadcast_in_dim3A_1277 = vector.broadcast %jit3A_1276 : f32 to vector<16xf32>
        %select_n3A_1278 = arith.select %lt3A_1275, %get3A_1269, %broadcast_in_dim3A_1277 : vector<16xi1>, vector<16xf32>
        %jit3A_1279 = arith.constant -1.000000e+09 : f32
        %broadcast_in_dim3A_1280 = vector.broadcast %jit3A_1279 : f32 to vector<16xf32>
        %select_n3A_1281 = arith.select %lt3A_1275, %add3A_1272, %broadcast_in_dim3A_1280 : vector<16xi1>, vector<16xf32>
        %max3A_1282 = arith.maximumf %while3A_1256, %select_n3A_1278 : vector<16xf32>
        %ge3A = arith.cmpf oge, %select_n3A_1281, %while3A_1257 : vector<16xf32>
        %select_n3A_1283 = arith.select %ge3A, %select_n3A_1281, %while3A_1257 : vector<16xi1>, vector<16xf32>
        %add3A_1284 = vector.broadcast %while3A_1254 : i32 to vector<16xi32>
        %add3A_1285 = arith.addi %add3A_1284, %iota3A : vector<16xi32>
        %select_n3A_1286 = arith.select %ge3A, %add3A_1285, %while3A_1258 : vector<16xi1>, vector<16xi32>
        %select_n3A_1287 = arith.select %ge3A, %select_n3A_1278, %while3A_1259 : vector<16xi1>, vector<16xf32>
        %add3A_1288 = arith.constant 16 : i32
        %add3A_1289 = arith.addi %while3A_1254, %add3A_1288 : i32
        scf.yield %add3A_1289, %multiple_of3A, %max3A_1282, %select_n3A_1283, %select_n3A_1286, %select_n3A_1287 : i32, i32, vector<16xf32>, vector<16xf32>, vector<16xi32>, vector<16xf32>
      }
      %reduce_max3A = arith.constant true
      %reduce_max3A_1189 = vector.broadcast %reduce_max3A : i1 to vector<16xi1>
      %reduce_max3A_1190 = tpu.scan <max>, %while3A#2 masked %reduce_max3A_1189 : vector<16xf32>, vector<16xi1> -> vector<16xf32>
      %reduce_max3A_1191 = vector.extract %reduce_max3A_1190[15] : f32 from vector<16xf32>
      %reduce_max3A_1192 = arith.constant true
      %reduce_max3A_1193 = vector.broadcast %reduce_max3A_1192 : i1 to vector<16xi1>
      %reduce_max3A_1194 = tpu.scan <max>, %while3A#3 masked %reduce_max3A_1193 : vector<16xf32>, vector<16xi1> -> vector<16xf32>
      %reduce_max3A_1195 = vector.extract %reduce_max3A_1194[15] : f32 from vector<16xf32>
      %eq3A = vector.broadcast %reduce_max3A_1195 : f32 to vector<16xf32>
      %eq3A_1196 = arith.cmpf oeq, %while3A#3, %eq3A : vector<16xf32>
      %jit3A = arith.constant -1 : i32
      %broadcast_in_dim3A_1197 = vector.broadcast %jit3A : i32 to vector<16xi32>
      %select_n3A = arith.select %eq3A_1196, %while3A#4, %broadcast_in_dim3A_1197 : vector<16xi1>, vector<16xi32>
      %reduce_max3A_1198 = arith.constant true
      %reduce_max3A_1199 = vector.broadcast %reduce_max3A_1198 : i1 to vector<16xi1>
      %reduce_max3A_1200 = arith.constant -2147483648 : i32
      %reduce_max3A_1201 = vector.broadcast %reduce_max3A_1200 : i32 to vector<16xi32>
      %reduce_max3A_1202 = arith.xori %select_n3A, %reduce_max3A_1201 : vector<16xi32>
      %reduce_max3A_1203 = tpu.scan <max>, %reduce_max3A_1202 masked %reduce_max3A_1199 : vector<16xi32>, vector<16xi1> -> vector<16xi32>
      %reduce_max3A_1204 = arith.xori %reduce_max3A_1203, %reduce_max3A_1201 : vector<16xi32>
      %reduce_max3A_1205 = vector.extract %reduce_max3A_1204[15] : i32 from vector<16xi32>
      %eq3A_1206 = vector.broadcast %reduce_max3A_1205 : i32 to vector<16xi32>
      %eq3A_1207 = arith.cmpi eq, %while3A#4, %eq3A_1206 : vector<16xi32>
      %jit3A_1208 = arith.constant -1.000000e+09 : f32
      %broadcast_in_dim3A_1209 = vector.broadcast %jit3A_1208 : f32 to vector<16xf32>
      %select_n3A_1210 = arith.select %eq3A_1207, %while3A#5, %broadcast_in_dim3A_1209 : vector<16xi1>, vector<16xf32>
      %reduce_max3A_1211 = arith.constant true
      %reduce_max3A_1212 = vector.broadcast %reduce_max3A_1211 : i1 to vector<16xi1>
      %reduce_max3A_1213 = tpu.scan <max>, %select_n3A_1210 masked %reduce_max3A_1212 : vector<16xf32>, vector<16xi1> -> vector<16xf32>
      %reduce_max3A_1214 = vector.extract %reduce_max3A_1213[15] : f32 from vector<16xf32>
      %max3A_1215 = arith.constant 0 : i32
      %max3A_1216 = arith.maxsi %reduce_max3A_1205, %max3A_1215 : i32
      %broadcast_in_dim3A_1217 = arith.constant 0.000000e+00 : f32
      %broadcast_in_dim3A_1218 = vector.broadcast %broadcast_in_dim3A_1217 : f32 to vector<16xf32>
      %broadcast_in_dim3A_1219 = arith.constant 0.000000e+00 : f32
      %broadcast_in_dim3A_1220 = vector.broadcast %broadcast_in_dim3A_1219 : f32 to vector<16xf32>
      %while3A_1221:4 = scf.while (%while3A_1254 = %max3A_1177, %while3A_1255 = %while3A#1, %while3A_1256 = %broadcast_in_dim3A_1218, %while3A_1257 = %broadcast_in_dim3A_1220) : (i32, i32, vector<16xf32>, vector<16xf32>) -> (i32, i32, vector<16xf32>, vector<16xf32>) {
        %lt3A = arith.cmpi slt, %while3A_1254, %max3A_1180 : i32
        scf.condition(%lt3A) %while3A_1254, %while3A_1255, %while3A_1256, %while3A_1257 : i32, i32, vector<16xf32>, vector<16xf32>
      } do {
      ^bb0(%while3A_1254: i32, %while3A_1255: i32, %while3A_1256: vector<16xf32>, %while3A_1257: vector<16xf32>):
        %lt3A = arith.cmpi slt, %while3A_1254, %while3A_1255 : i32
        %add3A_1258 = arith.constant 16 : i32
        %add3A_1259 = arith.addi %while3A_1254, %add3A_1258 : i32
        %add3A_1260 = arith.constant 8192 : i32
        %add3A_1261 = arith.addi %while3A_1255, %add3A_1260 : i32
        %gt3A = arith.cmpi sgt, %add3A_1259, %add3A_1261 : i32
        %or3A = arith.ori %lt3A, %gt3A : i1
        %rem3A = arith.constant 8 : i32
        %rem3A_1262 = arith.remsi %while3A_1254, %rem3A : i32
        %sub3A = arith.subi %while3A_1254, %rem3A_1262 : i32
        %select_n3A_1263 = arith.select %or3A, %sub3A, %while3A_1255 : i32
        %multiple_of3A = tpu.assume_multiple %select_n3A_1263, 8 : i32
        %convert_element_type3A = arith.extui %or3A : i1 to i32
        %cond3A = arith.constant 0 : i32
        %cond3A_1264 = arith.cmpi ne, %convert_element_type3A, %cond3A : i32
        scf.if %cond3A_1264 {
          "tpu.region"() ({
            %run_scoped3A_1281 = tpu.sem_alloc : memref<!tpu.dma_semaphore, #tpu.memory_space<semaphore_mem>>
            %dma_start3A_1282 = tpu.memref_slice %arg2[%multiple_of3A] : memref<108544xf32, #tpu.memory_space<hbm>> -> memref<8192xf32, #tpu.memory_space<hbm>>
            %dma_start3A_1283 = tpu.memref_slice %arg2[%multiple_of3A] : memref<108544xf32, #tpu.memory_space<hbm>> -> memref<8192xf32, #tpu.memory_space<hbm>>
            tpu.enqueue_dma source(%dma_start3A_1283 : memref<8192xf32, #tpu.memory_space<hbm>>) target(%arg12 : memref<8192xf32, #tpu.memory_space<vmem>>) target_semaphore(%run_scoped3A_1281 : memref<!tpu.dma_semaphore, #tpu.memory_space<semaphore_mem>>)
            %dma_wait3A_1284 = tpu.memref_slice %arg2[%multiple_of3A] : memref<108544xf32, #tpu.memory_space<hbm>> -> memref<8192xf32, #tpu.memory_space<hbm>>
            %dma_wait3A_1285 = tpu.memref_slice %arg2[%multiple_of3A] : memref<108544xf32, #tpu.memory_space<hbm>> -> memref<8192xf32, #tpu.memory_space<hbm>>
            tpu.wait_dma2 semaphore(%run_scoped3A_1281 : memref<!tpu.dma_semaphore, #tpu.memory_space<semaphore_mem>>) src(%dma_wait3A_1285 : memref<8192xf32, #tpu.memory_space<hbm>>) dst(%arg12 : memref<8192xf32, #tpu.memory_space<vmem>>)
            tpu.yield
          }) : () -> ()
          "tpu.region"() ({
            %run_scoped3A_1281 = tpu.sem_alloc : memref<!tpu.dma_semaphore, #tpu.memory_space<semaphore_mem>>
            %dma_start3A_1282 = tpu.memref_slice %arg3[%multiple_of3A] : memref<108544xf32, #tpu.memory_space<hbm>> -> memref<8192xf32, #tpu.memory_space<hbm>>
            %dma_start3A_1283 = tpu.memref_slice %arg3[%multiple_of3A] : memref<108544xf32, #tpu.memory_space<hbm>> -> memref<8192xf32, #tpu.memory_space<hbm>>
            tpu.enqueue_dma source(%dma_start3A_1283 : memref<8192xf32, #tpu.memory_space<hbm>>) target(%arg13 : memref<8192xf32, #tpu.memory_space<vmem>>) target_semaphore(%run_scoped3A_1281 : memref<!tpu.dma_semaphore, #tpu.memory_space<semaphore_mem>>)
            %dma_wait3A_1284 = tpu.memref_slice %arg3[%multiple_of3A] : memref<108544xf32, #tpu.memory_space<hbm>> -> memref<8192xf32, #tpu.memory_space<hbm>>
            %dma_wait3A_1285 = tpu.memref_slice %arg3[%multiple_of3A] : memref<108544xf32, #tpu.memory_space<hbm>> -> memref<8192xf32, #tpu.memory_space<hbm>>
            tpu.wait_dma2 semaphore(%run_scoped3A_1281 : memref<!tpu.dma_semaphore, #tpu.memory_space<semaphore_mem>>) src(%dma_wait3A_1285 : memref<8192xf32, #tpu.memory_space<hbm>>) dst(%arg13 : memref<8192xf32, #tpu.memory_space<vmem>>)
            tpu.yield
          }) : () -> ()
        } else {
        }
        %sub3A_1265 = arith.subi %while3A_1254, %multiple_of3A : i32
        %get3A_1266 = arith.index_cast %sub3A_1265 : i32 to index
        %get3A_1267 = tpu.vector_load %arg12[%get3A_1266] {strides = array<i32>} : memref<8192xf32, #tpu.memory_space<vmem>>, vector<16xf32>,
        %sub3A_1268 = arith.subi %max3A_1180, %while3A_1254 : i32
        %lt3A_1269 = vector.broadcast %sub3A_1268 : i32 to vector<16xi32>
        %lt3A_1270 = arith.cmpi slt, %iota3A, %lt3A_1269 : vector<16xi32>
        %sub3A_1271 = vector.broadcast %reduce_max3A_1191 : f32 to vector<16xf32>
        %sub3A_1272 = arith.subf %get3A_1267, %sub3A_1271 : vector<16xf32>
        %exp3A = math.exp %sub3A_1272 : vector<16xf32>
        %jit3A_1273 = arith.constant 0.000000e+00 : f32
        %broadcast_in_dim3A_1274 = vector.broadcast %jit3A_1273 : f32 to vector<16xf32>
        %select_n3A_1275 = arith.select %lt3A_1270, %exp3A, %broadcast_in_dim3A_1274 : vector<16xi1>, vector<16xf32>
        %add3A_1276 = arith.constant 16 : i32
        %add3A_1277 = arith.addi %while3A_1254, %add3A_1276 : i32
        %add3A_1278 = arith.addf %while3A_1256, %select_n3A_1275 : vector<16xf32>
        %mul3A_1279 = arith.mulf %select_n3A_1275, %sub3A_1272 : vector<16xf32>
        %add3A_1280 = arith.addf %while3A_1257, %mul3A_1279 : vector<16xf32>
        scf.yield %add3A_1277, %multiple_of3A, %add3A_1278, %add3A_1280 : i32, i32, vector<16xf32>, vector<16xf32>
      }
      %broadcast_in_dim3A_1222 = vector.broadcast %scan3A_1170 : i32 to vector<16xi32>
      %broadcast_in_dim3A_1223 = vector.broadcast %reduce_max3A_1191 : f32 to vector<16xf32>
      %eq3A_1224 = arith.constant 0 : i32
      %eq3A_1225 = vector.broadcast %eq3A_1224 : i32 to vector<16xi32>
      %eq3A_1226 = arith.cmpi eq, %iota3A, %eq3A_1225 : vector<16xi32>
      tpu.vector_store_idx %arg16[%broadcast_in_dim3A_1222], %broadcast_in_dim3A_1223 masked %eq3A_1226 : memref<32xf32, #tpu.memory_space<vmem>>[vector<16xi32>], vector<16xf32>, vector<16xi1>
      %reduce_sum3A = arith.constant true
      %reduce_sum3A_1227 = vector.broadcast %reduce_sum3A : i1 to vector<16xi1>
      %reduce_sum3A_1228 = tpu.scan <sum>, %while3A_1221#2 masked %reduce_sum3A_1227 : vector<16xf32>, vector<16xi1> -> vector<16xf32>
      %reduce_sum3A_1229 = vector.extract %reduce_sum3A_1228[15] : f32 from vector<16xf32>
      %broadcast_in_dim3A_1230 = vector.broadcast %scan3A_1170 : i32 to vector<16xi32>
      %broadcast_in_dim3A_1231 = vector.broadcast %reduce_sum3A_1229 : f32 to vector<16xf32>
      %eq3A_1232 = arith.constant 0 : i32
      %eq3A_1233 = vector.broadcast %eq3A_1232 : i32 to vector<16xi32>
      %eq3A_1234 = arith.cmpi eq, %iota3A, %eq3A_1233 : vector<16xi32>
      tpu.vector_store_idx %arg17[%broadcast_in_dim3A_1230], %broadcast_in_dim3A_1231 masked %eq3A_1234 : memref<32xf32, #tpu.memory_space<vmem>>[vector<16xi32>], vector<16xf32>, vector<16xi1>
      %reduce_sum3A_1235 = arith.constant true
      %reduce_sum3A_1236 = vector.broadcast %reduce_sum3A_1235 : i1 to vector<16xi1>
      %reduce_sum3A_1237 = tpu.scan <sum>, %while3A_1221#3 masked %reduce_sum3A_1236 : vector<16xf32>, vector<16xi1> -> vector<16xf32>
      %reduce_sum3A_1238 = vector.extract %reduce_sum3A_1237[15] : f32 from vector<16xf32>
      %broadcast_in_dim3A_1239 = vector.broadcast %scan3A_1170 : i32 to vector<16xi32>
      %broadcast_in_dim3A_1240 = vector.broadcast %reduce_sum3A_1238 : f32 to vector<16xf32>
      %eq3A_1241 = arith.constant 0 : i32
      %eq3A_1242 = vector.broadcast %eq3A_1241 : i32 to vector<16xi32>
      %eq3A_1243 = arith.cmpi eq, %iota3A, %eq3A_1242 : vector<16xi32>
      tpu.vector_store_idx %arg18[%broadcast_in_dim3A_1239], %broadcast_in_dim3A_1240 masked %eq3A_1243 : memref<32xf32, #tpu.memory_space<vmem>>[vector<16xi32>], vector<16xf32>, vector<16xi1>
      %broadcast_in_dim3A_1244 = vector.broadcast %scan3A_1170 : i32 to vector<16xi32>
      %broadcast_in_dim3A_1245 = vector.broadcast %reduce_max3A_1214 : f32 to vector<16xf32>
      %eq3A_1246 = arith.constant 0 : i32
      %eq3A_1247 = vector.broadcast %eq3A_1246 : i32 to vector<16xi32>
      %eq3A_1248 = arith.cmpi eq, %iota3A, %eq3A_1247 : vector<16xi32>
      tpu.vector_store_idx %arg19[%broadcast_in_dim3A_1244], %broadcast_in_dim3A_1245 masked %eq3A_1248 : memref<32xf32, #tpu.memory_space<vmem>>[vector<16xi32>], vector<16xf32>, vector<16xi1>
      %broadcast_in_dim3A_1249 = vector.broadcast %scan3A_1170 : i32 to vector<16xi32>
      %broadcast_in_dim3A_1250 = vector.broadcast %max3A_1216 : i32 to vector<16xi32>
      %eq3A_1251 = arith.constant 0 : i32
      %eq3A_1252 = vector.broadcast %eq3A_1251 : i32 to vector<16xi32>
      %eq3A_1253 = arith.cmpi eq, %iota3A, %eq3A_1252 : vector<16xi32>
      tpu.vector_store_idx %arg20[%broadcast_in_dim3A_1249], %broadcast_in_dim3A_1250 masked %eq3A_1253 : memref<32xi32, #tpu.memory_space<vmem>>[vector<16xi32>], vector<16xi32>, vector<16xi1>
      scf.yield %while3A_1221#1 : i32
    }
    %scan3A_688 = arith.constant 32 : i32
    "tpu.region"() ({
      %run_scoped3A_1170 = tpu.sem_alloc : memref<!tpu.dma_semaphore, #tpu.memory_space<semaphore_mem>>
      %dma_start3A_1171 = tpu.memref_slice %arg6[%mul3A_2] : memref<1024xf32, #tpu.memory_space<hbm>> -> memref<32xf32, #tpu.memory_space<hbm>>
      %dma_start3A_1172 = tpu.memref_slice %arg6[%mul3A_2] : memref<1024xf32, #tpu.memory_space<hbm>> -> memref<32xf32, #tpu.memory_space<hbm>>
      tpu.enqueue_dma source(%arg16 : memref<32xf32, #tpu.memory_space<vmem>>) target(%dma_start3A_1172 : memref<32xf32, #tpu.memory_space<hbm>>) target_semaphore(%run_scoped3A_1170 : memref<!tpu.dma_semaphore, #tpu.memory_space<semaphore_mem>>)
      %dma_wait3A_1173 = tpu.memref_slice %arg6[%mul3A_2] : memref<1024xf32, #tpu.memory_space<hbm>> -> memref<32xf32, #tpu.memory_space<hbm>>
      %dma_wait3A_1174 = tpu.memref_slice %arg6[%mul3A_2] : memref<1024xf32, #tpu.memory_space<hbm>> -> memref<32xf32, #tpu.memory_space<hbm>>
      tpu.wait_dma2 semaphore(%run_scoped3A_1170 : memref<!tpu.dma_semaphore, #tpu.memory_space<semaphore_mem>>) src(%arg16 : memref<32xf32, #tpu.memory_space<vmem>>) dst(%dma_wait3A_1174 : memref<32xf32, #tpu.memory_space<hbm>>)
      tpu.yield
    }) : () -> ()
    "tpu.region"() ({
      %run_scoped3A_1170 = tpu.sem_alloc : memref<!tpu.dma_semaphore, #tpu.memory_space<semaphore_mem>>
      %dma_start3A_1171 = tpu.memref_slice %arg7[%mul3A_2] : memref<1024xf32, #tpu.memory_space<hbm>> -> memref<32xf32, #tpu.memory_space<hbm>>
      %dma_start3A_1172 = tpu.memref_slice %arg7[%mul3A_2] : memref<1024xf32, #tpu.memory_space<hbm>> -> memref<32xf32, #tpu.memory_space<hbm>>
      tpu.enqueue_dma source(%arg17 : memref<32xf32, #tpu.memory_space<vmem>>) target(%dma_start3A_1172 : memref<32xf32, #tpu.memory_space<hbm>>) target_semaphore(%run_scoped3A_1170 : memref<!tpu.dma_semaphore, #tpu.memory_space<semaphore_mem>>)
      %dma_wait3A_1173 = tpu.memref_slice %arg7[%mul3A_2] : memref<1024xf32, #tpu.memory_space<hbm>> -> memref<32xf32, #tpu.memory_space<hbm>>
      %dma_wait3A_1174 = tpu.memref_slice %arg7[%mul3A_2] : memref<1024xf32, #tpu.memory_space<hbm>> -> memref<32xf32, #tpu.memory_space<hbm>>
      tpu.wait_dma2 semaphore(%run_scoped3A_1170 : memref<!tpu.dma_semaphore, #tpu.memory_space<semaphore_mem>>) src(%arg17 : memref<32xf32, #tpu.memory_space<vmem>>) dst(%dma_wait3A_1174 : memref<32xf32, #tpu.memory_space<hbm>>)
      tpu.yield
    }) : () -> ()
    "tpu.region"() ({
      %run_scoped3A_1170 = tpu.sem_alloc : memref<!tpu.dma_semaphore, #tpu.memory_space<semaphore_mem>>
      %dma_start3A_1171 = tpu.memref_slice %arg8[%mul3A_2] : memref<1024xf32, #tpu.memory_space<hbm>> -> memref<32xf32, #tpu.memory_space<hbm>>
      %dma_start3A_1172 = tpu.memref_slice %arg8[%mul3A_2] : memref<1024xf32, #tpu.memory_space<hbm>> -> memref<32xf32, #tpu.memory_space<hbm>>
      tpu.enqueue_dma source(%arg18 : memref<32xf32, #tpu.memory_space<vmem>>) target(%dma_start3A_1172 : memref<32xf32, #tpu.memory_space<hbm>>) target_semaphore(%run_scoped3A_1170 : memref<!tpu.dma_semaphore, #tpu.memory_space<semaphore_mem>>)
      %dma_wait3A_1173 = tpu.memref_slice %arg8[%mul3A_2] : memref<1024xf32, #tpu.memory_space<hbm>> -> memref<32xf32, #tpu.memory_space<hbm>>
      %dma_wait3A_1174 = tpu.memref_slice %arg8[%mul3A_2] : memref<1024xf32, #tpu.memory_space<hbm>> -> memref<32xf32, #tpu.memory_space<hbm>>
      tpu.wait_dma2 semaphore(%run_scoped3A_1170 : memref<!tpu.dma_semaphore, #tpu.memory_space<semaphore_mem>>) src(%arg18 : memref<32xf32, #tpu.memory_space<vmem>>) dst(%dma_wait3A_1174 : memref<32xf32, #tpu.memory_space<hbm>>)
      tpu.yield
    }) : () -> ()
    "tpu.region"() ({
      %run_scoped3A_1170 = tpu.sem_alloc : memref<!tpu.dma_semaphore, #tpu.memory_space<semaphore_mem>>
      %dma_start3A_1171 = tpu.memref_slice %arg10[%mul3A_2] : memref<1024xf32, #tpu.memory_space<hbm>> -> memref<32xf32, #tpu.memory_space<hbm>>
      %dma_start3A_1172 = tpu.memref_slice %arg10[%mul3A_2] : memref<1024xf32, #tpu.memory_space<hbm>> -> memref<32xf32, #tpu.memory_space<hbm>>
      tpu.enqueue_dma source(%arg19 : memref<32xf32, #tpu.memory_space<vmem>>) target(%dma_start3A_1172 : memref<32xf32, #tpu.memory_space<hbm>>) target_semaphore(%run_scoped3A_1170 : memref<!tpu.dma_semaphore, #tpu.memory_space<semaphore_mem>>)
      %dma_wait3A_1173 = tpu.memref_slice %arg10[%mul3A_2] : memref<1024xf32, #tpu.memory_space<hbm>> -> memref<32xf32, #tpu.memory_space<hbm>>
      %dma_wait3A_1174 = tpu.memref_slice %arg10[%mul3A_2] : memref<1024xf32, #tpu.memory_space<hbm>> -> memref<32xf32, #tpu.memory_space<hbm>>
      tpu.wait_dma2 semaphore(%run_scoped3A_1170 : memref<!tpu.dma_semaphore, #tpu.memory_space<semaphore_mem>>) src(%arg19 : memref<32xf32, #tpu.memory_space<vmem>>) dst(%dma_wait3A_1174 : memref<32xf32, #tpu.memory_space<hbm>>)
      tpu.yield
    }) : () -> ()
    "tpu.region"() ({
      %run_scoped3A_1170 = tpu.sem_alloc : memref<!tpu.dma_semaphore, #tpu.memory_space<semaphore_mem>>
      %dma_start3A_1171 = tpu.memref_slice %arg9[%mul3A_2] : memref<1024xi32, #tpu.memory_space<hbm>> -> memref<32xi32, #tpu.memory_space<hbm>>
      %dma_start3A_1172 = tpu.memref_slice %arg9[%mul3A_2] : memref<1024xi32, #tpu.memory_space<hbm>> -> memref<32xi32, #tpu.memory_space<hbm>>
      tpu.enqueue_dma source(%arg20 : memref<32xi32, #tpu.memory_space<vmem>>) target(%dma_start3A_1172 : memref<32xi32, #tpu.memory_space<hbm>>) target_semaphore(%run_scoped3A_1170 : memref<!tpu.dma_semaphore, #tpu.memory_space<semaphore_mem>>)
      %dma_wait3A_1173 = tpu.memref_slice %arg9[%mul3A_2] : memref<1024xi32, #tpu.memory_space<hbm>> -> memref<32xi32, #tpu.memory_space<hbm>>
      %dma_wait3A_1174 = tpu.memref_slice %arg9[%mul3A_2] : memref<1024xi32, #tpu.memory_space<hbm>> -> memref<32xi32, #tpu.memory_space<hbm>>
      tpu.wait_dma2 semaphore(%run_scoped3A_1170 : memref<!tpu.dma_semaphore, #tpu.memory_space<semaphore_mem>>) src(%arg20 : memref<32xi32, #tpu.memory_space<vmem>>) dst(%dma_wait3A_1174 : memref<32xi32, #tpu.memory_space<hbm>>)
      tpu.yield
    }) : () -> ()
    %get3A_689 = arith.constant 0 : index
    %get3A_690 = tpu.vector_load %arg20[%get3A_689] {strides = array<i32>} : memref<32xi32, #tpu.memory_space<vmem>>, vector<16xi32>,
    %get3A_691 = arith.constant 16 : index
    %get3A_692 = tpu.vector_load %arg20[%get3A_691] {strides = array<i32>} : memref<32xi32, #tpu.memory_space<vmem>>, vector<16xi32>,
    %shift_right_logical3A = arith.constant 3 : i32
    %shift_right_logical3A_693 = vector.broadcast %shift_right_logical3A : i32 to vector<16xi32>
    %shift_right_logical3A_694 = arith.shrui %get3A_690, %shift_right_logical3A_693 : vector<16xi32>
    %swap3A_695 = arith.constant 0 : index
    %swap3A_696 = tpu.vector_load %arg21[%swap3A_695] {strides = array<i32>} : memref<32xi32, #tpu.memory_space<vmem>>, vector<16xi32>,
    tpu.vector_store %arg21[%swap3A_695], %shift_right_logical3A_694 {strides = array<i32>} : memref<32xi32, #tpu.memory_space<vmem>>, vector<16xi32>,
    %shift_right_logical3A_697 = arith.constant 3 : i32
    %shift_right_logical3A_698 = vector.broadcast %shift_right_logical3A_697 : i32 to vector<16xi32>
    %shift_right_logical3A_699 = arith.shrui %get3A_692, %shift_right_logical3A_698 : vector<16xi32>
    %swap3A_700 = arith.constant 16 : index
    %swap3A_701 = tpu.vector_load %arg21[%swap3A_700] {strides = array<i32>} : memref<32xi32, #tpu.memory_space<vmem>>, vector<16xi32>,
    tpu.vector_store %arg21[%swap3A_700], %shift_right_logical3A_699 {strides = array<i32>} : memref<32xi32, #tpu.memory_space<vmem>>, vector<16xi32>,
    %dma_start3A = arith.constant 0 : i32
    %dma_start3A_702 = arith.constant 0 : i32
    %dma_start3A_703 = tpu.memref_slice %arg4[%dma_start3A, %dma_start3A_702] : memref<12500x128xf32, #tpu.memory_space<hbm>> -> memref<12500x128xf32, #tpu.memory_space<hbm>>
    tpu.enqueue_indirect_dma source(%dma_start3A_703 : memref<12500x128xf32, #tpu.memory_space<hbm>>) target(%arg22 : memref<32x128xf32, #tpu.memory_space<vmem>>) offsets(%arg21 : memref<32xi32, #tpu.memory_space<vmem>>) semaphore(%arg24 : memref<!tpu.dma_semaphore, #tpu.memory_space<semaphore_mem>>)
    %dma_wait3A = arith.constant 0 : i32
    %dma_wait3A_704 = arith.constant 0 : i32
    %dma_wait3A_705 = tpu.memref_slice %arg4[%dma_wait3A, %dma_wait3A_704] : memref<12500x128xf32, #tpu.memory_space<hbm>> -> memref<12500x128xf32, #tpu.memory_space<hbm>>
    tpu.wait_indirect_dma semaphore(%arg24 : memref<!tpu.dma_semaphore, #tpu.memory_space<semaphore_mem>>) src(%dma_wait3A_705 : memref<12500x128xf32, #tpu.memory_space<hbm>>) dst(%arg22 : memref<32x128xf32, #tpu.memory_space<vmem>>)
    %slice3A = vector.extract_strided_slice %get3A_690 {offsets = [0], sizes = [1], strides = [1]} : vector<16xi32> to vector<1xi32>
    %squeeze3A = vector.extract %slice3A[0] : i32 from vector<1xi32>
    %and3A = arith.constant 7 : i32
    %and3A_706 = arith.andi %squeeze3A, %and3A : i32
    %mul3A_707 = arith.constant 16 : i32
    %mul3A_708 = arith.muli %and3A_706, %mul3A_707 : i32
    %get3A_709 = arith.constant 0 : i32
    %get3A_710 = arith.index_cast %get3A_709 : i32 to index
    %get3A_711 = arith.index_cast %mul3A_708 : i32 to index
    %get3A_712 = tpu.vector_load %arg22[%get3A_710, %get3A_711] {strides = array<i32>} : memref<32x128xf32, #tpu.memory_space<vmem>>, vector<16xf32>,
    %swap3A_713 = arith.constant 0 : i32
    %swap3A_714 = arith.index_cast %swap3A_713 : i32 to index
    %swap3A_715 = arith.constant 0 : index
    %swap3A_716 = tpu.vector_load %arg23[%swap3A_714, %swap3A_715] {strides = array<i32>} : memref<4x128xf32, #tpu.memory_space<vmem>>, vector<16xf32>,
    tpu.vector_store %arg23[%swap3A_714, %swap3A_715], %get3A_712 {strides = array<i32>} : memref<4x128xf32, #tpu.memory_space<vmem>>, vector<16xf32>,
    %slice3A_717 = vector.extract_strided_slice %get3A_690 {offsets = [1], sizes = [1], strides = [1]} : vector<16xi32> to vector<1xi32>
    %squeeze3A_718 = vector.extract %slice3A_717[0] : i32 from vector<1xi32>
    %and3A_719 = arith.constant 7 : i32
    %and3A_720 = arith.andi %squeeze3A_718, %and3A_719 : i32
    %mul3A_721 = arith.constant 16 : i32
    %mul3A_722 = arith.muli %and3A_720, %mul3A_721 : i32
    %get3A_723 = arith.constant 1 : i32
    %get3A_724 = arith.index_cast %get3A_723 : i32 to index
    %get3A_725 = arith.index_cast %mul3A_722 : i32 to index
    %get3A_726 = tpu.vector_load %arg22[%get3A_724, %get3A_725] {strides = array<i32>} : memref<32x128xf32, #tpu.memory_space<vmem>>, vector<16xf32>,
    %swap3A_727 = arith.constant 0 : i32
    %swap3A_728 = arith.index_cast %swap3A_727 : i32 to index
    %swap3A_729 = arith.constant 16 : index
    %swap3A_730 = tpu.vector_load %arg23[%swap3A_728, %swap3A_729] {strides = array<i32>} : memref<4x128xf32, #tpu.memory_space<vmem>>, vector<16xf32>,
    tpu.vector_store %arg23[%swap3A_728, %swap3A_729], %get3A_726 {strides = array<i32>} : memref<4x128xf32, #tpu.memory_space<vmem>>, vector<16xf32>,
    %slice3A_731 = vector.extract_strided_slice %get3A_690 {offsets = [2], sizes = [1], strides = [1]} : vector<16xi32> to vector<1xi32>
    %squeeze3A_732 = vector.extract %slice3A_731[0] : i32 from vector<1xi32>
    %and3A_733 = arith.constant 7 : i32
    %and3A_734 = arith.andi %squeeze3A_732, %and3A_733 : i32
    %mul3A_735 = arith.constant 16 : i32
    %mul3A_736 = arith.muli %and3A_734, %mul3A_735 : i32
    %get3A_737 = arith.constant 2 : i32
    %get3A_738 = arith.index_cast %get3A_737 : i32 to index
    %get3A_739 = arith.index_cast %mul3A_736 : i32 to index
    %get3A_740 = tpu.vector_load %arg22[%get3A_738, %get3A_739] {strides = array<i32>} : memref<32x128xf32, #tpu.memory_space<vmem>>, vector<16xf32>,
    %swap3A_741 = arith.constant 0 : i32
    %swap3A_742 = arith.index_cast %swap3A_741 : i32 to index
    %swap3A_743 = arith.constant 32 : index
    %swap3A_744 = tpu.vector_load %arg23[%swap3A_742, %swap3A_743] {strides = array<i32>} : memref<4x128xf32, #tpu.memory_space<vmem>>, vector<16xf32>,
    tpu.vector_store %arg23[%swap3A_742, %swap3A_743], %get3A_740 {strides = array<i32>} : memref<4x128xf32, #tpu.memory_space<vmem>>, vector<16xf32>,
    %slice3A_745 = vector.extract_strided_slice %get3A_690 {offsets = [3], sizes = [1], strides = [1]} : vector<16xi32> to vector<1xi32>
    %squeeze3A_746 = vector.extract %slice3A_745[0] : i32 from vector<1xi32>
    %and3A_747 = arith.constant 7 : i32
    %and3A_748 = arith.andi %squeeze3A_746, %and3A_747 : i32
    %mul3A_749 = arith.constant 16 : i32
    %mul3A_750 = arith.muli %and3A_748, %mul3A_749 : i32
    %get3A_751 = arith.constant 3 : i32
    %get3A_752 = arith.index_cast %get3A_751 : i32 to index
    %get3A_753 = arith.index_cast %mul3A_750 : i32 to index
    %get3A_754 = tpu.vector_load %arg22[%get3A_752, %get3A_753] {strides = array<i32>} : memref<32x128xf32, #tpu.memory_space<vmem>>, vector<16xf32>,
    %swap3A_755 = arith.constant 0 : i32
    %swap3A_756 = arith.index_cast %swap3A_755 : i32 to index
    %swap3A_757 = arith.constant 48 : index
    %swap3A_758 = tpu.vector_load %arg23[%swap3A_756, %swap3A_757] {strides = array<i32>} : memref<4x128xf32, #tpu.memory_space<vmem>>, vector<16xf32>,
    tpu.vector_store %arg23[%swap3A_756, %swap3A_757], %get3A_754 {strides = array<i32>} : memref<4x128xf32, #tpu.memory_space<vmem>>, vector<16xf32>,
    %slice3A_759 = vector.extract_strided_slice %get3A_690 {offsets = [4], sizes = [1], strides = [1]} : vector<16xi32> to vector<1xi32>
    %squeeze3A_760 = vector.extract %slice3A_759[0] : i32 from vector<1xi32>
    %and3A_761 = arith.constant 7 : i32
    %and3A_762 = arith.andi %squeeze3A_760, %and3A_761 : i32
    %mul3A_763 = arith.constant 16 : i32
    %mul3A_764 = arith.muli %and3A_762, %mul3A_763 : i32
    %get3A_765 = arith.constant 4 : i32
    %get3A_766 = arith.index_cast %get3A_765 : i32 to index
    %get3A_767 = arith.index_cast %mul3A_764 : i32 to index
    %get3A_768 = tpu.vector_load %arg22[%get3A_766, %get3A_767] {strides = array<i32>} : memref<32x128xf32, #tpu.memory_space<vmem>>, vector<16xf32>,
    %swap3A_769 = arith.constant 0 : i32
    %swap3A_770 = arith.index_cast %swap3A_769 : i32 to index
    %swap3A_771 = arith.constant 64 : index
    %swap3A_772 = tpu.vector_load %arg23[%swap3A_770, %swap3A_771] {strides = array<i32>} : memref<4x128xf32, #tpu.memory_space<vmem>>, vector<16xf32>,
    tpu.vector_store %arg23[%swap3A_770, %swap3A_771], %get3A_768 {strides = array<i32>} : memref<4x128xf32, #tpu.memory_space<vmem>>, vector<16xf32>,
    %slice3A_773 = vector.extract_strided_slice %get3A_690 {offsets = [5], sizes = [1], strides = [1]} : vector<16xi32> to vector<1xi32>
    %squeeze3A_774 = vector.extract %slice3A_773[0] : i32 from vector<1xi32>
    %and3A_775 = arith.constant 7 : i32
    %and3A_776 = arith.andi %squeeze3A_774, %and3A_775 : i32
    %mul3A_777 = arith.constant 16 : i32
    %mul3A_778 = arith.muli %and3A_776, %mul3A_777 : i32
    %get3A_779 = arith.constant 5 : i32
    %get3A_780 = arith.index_cast %get3A_779 : i32 to index
    %get3A_781 = arith.index_cast %mul3A_778 : i32 to index
    %get3A_782 = tpu.vector_load %arg22[%get3A_780, %get3A_781] {strides = array<i32>} : memref<32x128xf32, #tpu.memory_space<vmem>>, vector<16xf32>,
    %swap3A_783 = arith.constant 0 : i32
    %swap3A_784 = arith.index_cast %swap3A_783 : i32 to index
    %swap3A_785 = arith.constant 80 : index
    %swap3A_786 = tpu.vector_load %arg23[%swap3A_784, %swap3A_785] {strides = array<i32>} : memref<4x128xf32, #tpu.memory_space<vmem>>, vector<16xf32>,
    tpu.vector_store %arg23[%swap3A_784, %swap3A_785], %get3A_782 {strides = array<i32>} : memref<4x128xf32, #tpu.memory_space<vmem>>, vector<16xf32>,
    %slice3A_787 = vector.extract_strided_slice %get3A_690 {offsets = [6], sizes = [1], strides = [1]} : vector<16xi32> to vector<1xi32>
    %squeeze3A_788 = vector.extract %slice3A_787[0] : i32 from vector<1xi32>
    %and3A_789 = arith.constant 7 : i32
    %and3A_790 = arith.andi %squeeze3A_788, %and3A_789 : i32
    %mul3A_791 = arith.constant 16 : i32
    %mul3A_792 = arith.muli %and3A_790, %mul3A_791 : i32
    %get3A_793 = arith.constant 6 : i32
    %get3A_794 = arith.index_cast %get3A_793 : i32 to index
    %get3A_795 = arith.index_cast %mul3A_792 : i32 to index
    %get3A_796 = tpu.vector_load %arg22[%get3A_794, %get3A_795] {strides = array<i32>} : memref<32x128xf32, #tpu.memory_space<vmem>>, vector<16xf32>,
    %swap3A_797 = arith.constant 0 : i32
    %swap3A_798 = arith.index_cast %swap3A_797 : i32 to index
    %swap3A_799 = arith.constant 96 : index
    %swap3A_800 = tpu.vector_load %arg23[%swap3A_798, %swap3A_799] {strides = array<i32>} : memref<4x128xf32, #tpu.memory_space<vmem>>, vector<16xf32>,
    tpu.vector_store %arg23[%swap3A_798, %swap3A_799], %get3A_796 {strides = array<i32>} : memref<4x128xf32, #tpu.memory_space<vmem>>, vector<16xf32>,
    %slice3A_801 = vector.extract_strided_slice %get3A_690 {offsets = [7], sizes = [1], strides = [1]} : vector<16xi32> to vector<1xi32>
    %squeeze3A_802 = vector.extract %slice3A_801[0] : i32 from vector<1xi32>
    %and3A_803 = arith.constant 7 : i32
    %and3A_804 = arith.andi %squeeze3A_802, %and3A_803 : i32
    %mul3A_805 = arith.constant 16 : i32
    %mul3A_806 = arith.muli %and3A_804, %mul3A_805 : i32
    %get3A_807 = arith.constant 7 : i32
    %get3A_808 = arith.index_cast %get3A_807 : i32 to index
    %get3A_809 = arith.index_cast %mul3A_806 : i32 to index
    %get3A_810 = tpu.vector_load %arg22[%get3A_808, %get3A_809] {strides = array<i32>} : memref<32x128xf32, #tpu.memory_space<vmem>>, vector<16xf32>,
    %swap3A_811 = arith.constant 0 : i32
    %swap3A_812 = arith.index_cast %swap3A_811 : i32 to index
    %swap3A_813 = arith.constant 112 : index
    %swap3A_814 = tpu.vector_load %arg23[%swap3A_812, %swap3A_813] {strides = array<i32>} : memref<4x128xf32, #tpu.memory_space<vmem>>, vector<16xf32>,
    tpu.vector_store %arg23[%swap3A_812, %swap3A_813], %get3A_810 {strides = array<i32>} : memref<4x128xf32, #tpu.memory_space<vmem>>, vector<16xf32>,
    %slice3A_815 = vector.extract_strided_slice %get3A_690 {offsets = [8], sizes = [1], strides = [1]} : vector<16xi32> to vector<1xi32>
    %squeeze3A_816 = vector.extract %slice3A_815[0] : i32 from vector<1xi32>
    %and3A_817 = arith.constant 7 : i32
    %and3A_818 = arith.andi %squeeze3A_816, %and3A_817 : i32
    %mul3A_819 = arith.constant 16 : i32
    %mul3A_820 = arith.muli %and3A_818, %mul3A_819 : i32
    %get3A_821 = arith.constant 8 : i32
    %get3A_822 = arith.index_cast %get3A_821 : i32 to index
    %get3A_823 = arith.index_cast %mul3A_820 : i32 to index
    %get3A_824 = tpu.vector_load %arg22[%get3A_822, %get3A_823] {strides = array<i32>} : memref<32x128xf32, #tpu.memory_space<vmem>>, vector<16xf32>,
    %swap3A_825 = arith.constant 1 : i32
    %swap3A_826 = arith.index_cast %swap3A_825 : i32 to index
    %swap3A_827 = arith.constant 0 : index
    %swap3A_828 = tpu.vector_load %arg23[%swap3A_826, %swap3A_827] {strides = array<i32>} : memref<4x128xf32, #tpu.memory_space<vmem>>, vector<16xf32>,
    tpu.vector_store %arg23[%swap3A_826, %swap3A_827], %get3A_824 {strides = array<i32>} : memref<4x128xf32, #tpu.memory_space<vmem>>, vector<16xf32>,
    %slice3A_829 = vector.extract_strided_slice %get3A_690 {offsets = [9], sizes = [1], strides = [1]} : vector<16xi32> to vector<1xi32>
    %squeeze3A_830 = vector.extract %slice3A_829[0] : i32 from vector<1xi32>
    %and3A_831 = arith.constant 7 : i32
    %and3A_832 = arith.andi %squeeze3A_830, %and3A_831 : i32
    %mul3A_833 = arith.constant 16 : i32
    %mul3A_834 = arith.muli %and3A_832, %mul3A_833 : i32
    %get3A_835 = arith.constant 9 : i32
    %get3A_836 = arith.index_cast %get3A_835 : i32 to index
    %get3A_837 = arith.index_cast %mul3A_834 : i32 to index
    %get3A_838 = tpu.vector_load %arg22[%get3A_836, %get3A_837] {strides = array<i32>} : memref<32x128xf32, #tpu.memory_space<vmem>>, vector<16xf32>,
    %swap3A_839 = arith.constant 1 : i32
    %swap3A_840 = arith.index_cast %swap3A_839 : i32 to index
    %swap3A_841 = arith.constant 16 : index
    %swap3A_842 = tpu.vector_load %arg23[%swap3A_840, %swap3A_841] {strides = array<i32>} : memref<4x128xf32, #tpu.memory_space<vmem>>, vector<16xf32>,
    tpu.vector_store %arg23[%swap3A_840, %swap3A_841], %get3A_838 {strides = array<i32>} : memref<4x128xf32, #tpu.memory_space<vmem>>, vector<16xf32>,
    %slice3A_843 = vector.extract_strided_slice %get3A_690 {offsets = [10], sizes = [1], strides = [1]} : vector<16xi32> to vector<1xi32>
    %squeeze3A_844 = vector.extract %slice3A_843[0] : i32 from vector<1xi32>
    %and3A_845 = arith.constant 7 : i32
    %and3A_846 = arith.andi %squeeze3A_844, %and3A_845 : i32
    %mul3A_847 = arith.constant 16 : i32
    %mul3A_848 = arith.muli %and3A_846, %mul3A_847 : i32
    %get3A_849 = arith.constant 10 : i32
    %get3A_850 = arith.index_cast %get3A_849 : i32 to index
    %get3A_851 = arith.index_cast %mul3A_848 : i32 to index
    %get3A_852 = tpu.vector_load %arg22[%get3A_850, %get3A_851] {strides = array<i32>} : memref<32x128xf32, #tpu.memory_space<vmem>>, vector<16xf32>,
    %swap3A_853 = arith.constant 1 : i32
    %swap3A_854 = arith.index_cast %swap3A_853 : i32 to index
    %swap3A_855 = arith.constant 32 : index
    %swap3A_856 = tpu.vector_load %arg23[%swap3A_854, %swap3A_855] {strides = array<i32>} : memref<4x128xf32, #tpu.memory_space<vmem>>, vector<16xf32>,
    tpu.vector_store %arg23[%swap3A_854, %swap3A_855], %get3A_852 {strides = array<i32>} : memref<4x128xf32, #tpu.memory_space<vmem>>, vector<16xf32>,
    %slice3A_857 = vector.extract_strided_slice %get3A_690 {offsets = [11], sizes = [1], strides = [1]} : vector<16xi32> to vector<1xi32>
    %squeeze3A_858 = vector.extract %slice3A_857[0] : i32 from vector<1xi32>
    %and3A_859 = arith.constant 7 : i32
    %and3A_860 = arith.andi %squeeze3A_858, %and3A_859 : i32
    %mul3A_861 = arith.constant 16 : i32
    %mul3A_862 = arith.muli %and3A_860, %mul3A_861 : i32
    %get3A_863 = arith.constant 11 : i32
    %get3A_864 = arith.index_cast %get3A_863 : i32 to index
    %get3A_865 = arith.index_cast %mul3A_862 : i32 to index
    %get3A_866 = tpu.vector_load %arg22[%get3A_864, %get3A_865] {strides = array<i32>} : memref<32x128xf32, #tpu.memory_space<vmem>>, vector<16xf32>,
    %swap3A_867 = arith.constant 1 : i32
    %swap3A_868 = arith.index_cast %swap3A_867 : i32 to index
    %swap3A_869 = arith.constant 48 : index
    %swap3A_870 = tpu.vector_load %arg23[%swap3A_868, %swap3A_869] {strides = array<i32>} : memref<4x128xf32, #tpu.memory_space<vmem>>, vector<16xf32>,
    tpu.vector_store %arg23[%swap3A_868, %swap3A_869], %get3A_866 {strides = array<i32>} : memref<4x128xf32, #tpu.memory_space<vmem>>, vector<16xf32>,
    %slice3A_871 = vector.extract_strided_slice %get3A_690 {offsets = [12], sizes = [1], strides = [1]} : vector<16xi32> to vector<1xi32>
    %squeeze3A_872 = vector.extract %slice3A_871[0] : i32 from vector<1xi32>
    %and3A_873 = arith.constant 7 : i32
    %and3A_874 = arith.andi %squeeze3A_872, %and3A_873 : i32
    %mul3A_875 = arith.constant 16 : i32
    %mul3A_876 = arith.muli %and3A_874, %mul3A_875 : i32
    %get3A_877 = arith.constant 12 : i32
    %get3A_878 = arith.index_cast %get3A_877 : i32 to index
    %get3A_879 = arith.index_cast %mul3A_876 : i32 to index
    %get3A_880 = tpu.vector_load %arg22[%get3A_878, %get3A_879] {strides = array<i32>} : memref<32x128xf32, #tpu.memory_space<vmem>>, vector<16xf32>,
    %swap3A_881 = arith.constant 1 : i32
    %swap3A_882 = arith.index_cast %swap3A_881 : i32 to index
    %swap3A_883 = arith.constant 64 : index
    %swap3A_884 = tpu.vector_load %arg23[%swap3A_882, %swap3A_883] {strides = array<i32>} : memref<4x128xf32, #tpu.memory_space<vmem>>, vector<16xf32>,
    tpu.vector_store %arg23[%swap3A_882, %swap3A_883], %get3A_880 {strides = array<i32>} : memref<4x128xf32, #tpu.memory_space<vmem>>, vector<16xf32>,
    %slice3A_885 = vector.extract_strided_slice %get3A_690 {offsets = [13], sizes = [1], strides = [1]} : vector<16xi32> to vector<1xi32>
    %squeeze3A_886 = vector.extract %slice3A_885[0] : i32 from vector<1xi32>
    %and3A_887 = arith.constant 7 : i32
    %and3A_888 = arith.andi %squeeze3A_886, %and3A_887 : i32
    %mul3A_889 = arith.constant 16 : i32
    %mul3A_890 = arith.muli %and3A_888, %mul3A_889 : i32
    %get3A_891 = arith.constant 13 : i32
    %get3A_892 = arith.index_cast %get3A_891 : i32 to index
    %get3A_893 = arith.index_cast %mul3A_890 : i32 to index
    %get3A_894 = tpu.vector_load %arg22[%get3A_892, %get3A_893] {strides = array<i32>} : memref<32x128xf32, #tpu.memory_space<vmem>>, vector<16xf32>,
    %swap3A_895 = arith.constant 1 : i32
    %swap3A_896 = arith.index_cast %swap3A_895 : i32 to index
    %swap3A_897 = arith.constant 80 : index
    %swap3A_898 = tpu.vector_load %arg23[%swap3A_896, %swap3A_897] {strides = array<i32>} : memref<4x128xf32, #tpu.memory_space<vmem>>, vector<16xf32>,
    tpu.vector_store %arg23[%swap3A_896, %swap3A_897], %get3A_894 {strides = array<i32>} : memref<4x128xf32, #tpu.memory_space<vmem>>, vector<16xf32>,
    %slice3A_899 = vector.extract_strided_slice %get3A_690 {offsets = [14], sizes = [1], strides = [1]} : vector<16xi32> to vector<1xi32>
    %squeeze3A_900 = vector.extract %slice3A_899[0] : i32 from vector<1xi32>
    %and3A_901 = arith.constant 7 : i32
    %and3A_902 = arith.andi %squeeze3A_900, %and3A_901 : i32
    %mul3A_903 = arith.constant 16 : i32
    %mul3A_904 = arith.muli %and3A_902, %mul3A_903 : i32
    %get3A_905 = arith.constant 14 : i32
    %get3A_906 = arith.index_cast %get3A_905 : i32 to index
    %get3A_907 = arith.index_cast %mul3A_904 : i32 to index
    %get3A_908 = tpu.vector_load %arg22[%get3A_906, %get3A_907] {strides = array<i32>} : memref<32x128xf32, #tpu.memory_space<vmem>>, vector<16xf32>,
    %swap3A_909 = arith.constant 1 : i32
    %swap3A_910 = arith.index_cast %swap3A_909 : i32 to index
    %swap3A_911 = arith.constant 96 : index
    %swap3A_912 = tpu.vector_load %arg23[%swap3A_910, %swap3A_911] {strides = array<i32>} : memref<4x128xf32, #tpu.memory_space<vmem>>, vector<16xf32>,
    tpu.vector_store %arg23[%swap3A_910, %swap3A_911], %get3A_908 {strides = array<i32>} : memref<4x128xf32, #tpu.memory_space<vmem>>, vector<16xf32>,
    %slice3A_913 = vector.extract_strided_slice %get3A_690 {offsets = [15], sizes = [1], strides = [1]} : vector<16xi32> to vector<1xi32>
    %squeeze3A_914 = vector.extract %slice3A_913[0] : i32 from vector<1xi32>
    %and3A_915 = arith.constant 7 : i32
    %and3A_916 = arith.andi %squeeze3A_914, %and3A_915 : i32
    %mul3A_917 = arith.constant 16 : i32
    %mul3A_918 = arith.muli %and3A_916, %mul3A_917 : i32
    %get3A_919 = arith.constant 15 : i32
    %get3A_920 = arith.index_cast %get3A_919 : i32 to index
    %get3A_921 = arith.index_cast %mul3A_918 : i32 to index
    %get3A_922 = tpu.vector_load %arg22[%get3A_920, %get3A_921] {strides = array<i32>} : memref<32x128xf32, #tpu.memory_space<vmem>>, vector<16xf32>,
    %swap3A_923 = arith.constant 1 : i32
    %swap3A_924 = arith.index_cast %swap3A_923 : i32 to index
    %swap3A_925 = arith.constant 112 : index
    %swap3A_926 = tpu.vector_load %arg23[%swap3A_924, %swap3A_925] {strides = array<i32>} : memref<4x128xf32, #tpu.memory_space<vmem>>, vector<16xf32>,
    tpu.vector_store %arg23[%swap3A_924, %swap3A_925], %get3A_922 {strides = array<i32>} : memref<4x128xf32, #tpu.memory_space<vmem>>, vector<16xf32>,
    %slice3A_927 = vector.extract_strided_slice %get3A_692 {offsets = [0], sizes = [1], strides = [1]} : vector<16xi32> to vector<1xi32>
    %squeeze3A_928 = vector.extract %slice3A_927[0] : i32 from vector<1xi32>
    %and3A_929 = arith.constant 7 : i32
    %and3A_930 = arith.andi %squeeze3A_928, %and3A_929 : i32
    %mul3A_931 = arith.constant 16 : i32
    %mul3A_932 = arith.muli %and3A_930, %mul3A_931 : i32
    %get3A_933 = arith.constant 16 : i32
    %get3A_934 = arith.index_cast %get3A_933 : i32 to index
    %get3A_935 = arith.index_cast %mul3A_932 : i32 to index
    %get3A_936 = tpu.vector_load %arg22[%get3A_934, %get3A_935] {strides = array<i32>} : memref<32x128xf32, #tpu.memory_space<vmem>>, vector<16xf32>,
    %swap3A_937 = arith.constant 2 : i32
    %swap3A_938 = arith.index_cast %swap3A_937 : i32 to index
    %swap3A_939 = arith.constant 0 : index
    %swap3A_940 = tpu.vector_load %arg23[%swap3A_938, %swap3A_939] {strides = array<i32>} : memref<4x128xf32, #tpu.memory_space<vmem>>, vector<16xf32>,
    tpu.vector_store %arg23[%swap3A_938, %swap3A_939], %get3A_936 {strides = array<i32>} : memref<4x128xf32, #tpu.memory_space<vmem>>, vector<16xf32>,
    %slice3A_941 = vector.extract_strided_slice %get3A_692 {offsets = [1], sizes = [1], strides = [1]} : vector<16xi32> to vector<1xi32>
    %squeeze3A_942 = vector.extract %slice3A_941[0] : i32 from vector<1xi32>
    %and3A_943 = arith.constant 7 : i32
    %and3A_944 = arith.andi %squeeze3A_942, %and3A_943 : i32
    %mul3A_945 = arith.constant 16 : i32
    %mul3A_946 = arith.muli %and3A_944, %mul3A_945 : i32
    %get3A_947 = arith.constant 17 : i32
    %get3A_948 = arith.index_cast %get3A_947 : i32 to index
    %get3A_949 = arith.index_cast %mul3A_946 : i32 to index
    %get3A_950 = tpu.vector_load %arg22[%get3A_948, %get3A_949] {strides = array<i32>} : memref<32x128xf32, #tpu.memory_space<vmem>>, vector<16xf32>,
    %swap3A_951 = arith.constant 2 : i32
    %swap3A_952 = arith.index_cast %swap3A_951 : i32 to index
    %swap3A_953 = arith.constant 16 : index
    %swap3A_954 = tpu.vector_load %arg23[%swap3A_952, %swap3A_953] {strides = array<i32>} : memref<4x128xf32, #tpu.memory_space<vmem>>, vector<16xf32>,
    tpu.vector_store %arg23[%swap3A_952, %swap3A_953], %get3A_950 {strides = array<i32>} : memref<4x128xf32, #tpu.memory_space<vmem>>, vector<16xf32>,
    %slice3A_955 = vector.extract_strided_slice %get3A_692 {offsets = [2], sizes = [1], strides = [1]} : vector<16xi32> to vector<1xi32>
    %squeeze3A_956 = vector.extract %slice3A_955[0] : i32 from vector<1xi32>
    %and3A_957 = arith.constant 7 : i32
    %and3A_958 = arith.andi %squeeze3A_956, %and3A_957 : i32
    %mul3A_959 = arith.constant 16 : i32
    %mul3A_960 = arith.muli %and3A_958, %mul3A_959 : i32
    %get3A_961 = arith.constant 18 : i32
    %get3A_962 = arith.index_cast %get3A_961 : i32 to index
    %get3A_963 = arith.index_cast %mul3A_960 : i32 to index
    %get3A_964 = tpu.vector_load %arg22[%get3A_962, %get3A_963] {strides = array<i32>} : memref<32x128xf32, #tpu.memory_space<vmem>>, vector<16xf32>,
    %swap3A_965 = arith.constant 2 : i32
    %swap3A_966 = arith.index_cast %swap3A_965 : i32 to index
    %swap3A_967 = arith.constant 32 : index
    %swap3A_968 = tpu.vector_load %arg23[%swap3A_966, %swap3A_967] {strides = array<i32>} : memref<4x128xf32, #tpu.memory_space<vmem>>, vector<16xf32>,
    tpu.vector_store %arg23[%swap3A_966, %swap3A_967], %get3A_964 {strides = array<i32>} : memref<4x128xf32, #tpu.memory_space<vmem>>, vector<16xf32>,
    %slice3A_969 = vector.extract_strided_slice %get3A_692 {offsets = [3], sizes = [1], strides = [1]} : vector<16xi32> to vector<1xi32>
    %squeeze3A_970 = vector.extract %slice3A_969[0] : i32 from vector<1xi32>
    %and3A_971 = arith.constant 7 : i32
    %and3A_972 = arith.andi %squeeze3A_970, %and3A_971 : i32
    %mul3A_973 = arith.constant 16 : i32
    %mul3A_974 = arith.muli %and3A_972, %mul3A_973 : i32
    %get3A_975 = arith.constant 19 : i32
    %get3A_976 = arith.index_cast %get3A_975 : i32 to index
    %get3A_977 = arith.index_cast %mul3A_974 : i32 to index
    %get3A_978 = tpu.vector_load %arg22[%get3A_976, %get3A_977] {strides = array<i32>} : memref<32x128xf32, #tpu.memory_space<vmem>>, vector<16xf32>,
    %swap3A_979 = arith.constant 2 : i32
    %swap3A_980 = arith.index_cast %swap3A_979 : i32 to index
    %swap3A_981 = arith.constant 48 : index
    %swap3A_982 = tpu.vector_load %arg23[%swap3A_980, %swap3A_981] {strides = array<i32>} : memref<4x128xf32, #tpu.memory_space<vmem>>, vector<16xf32>,
    tpu.vector_store %arg23[%swap3A_980, %swap3A_981], %get3A_978 {strides = array<i32>} : memref<4x128xf32, #tpu.memory_space<vmem>>, vector<16xf32>,
    %slice3A_983 = vector.extract_strided_slice %get3A_692 {offsets = [4], sizes = [1], strides = [1]} : vector<16xi32> to vector<1xi32>
    %squeeze3A_984 = vector.extract %slice3A_983[0] : i32 from vector<1xi32>
    %and3A_985 = arith.constant 7 : i32
    %and3A_986 = arith.andi %squeeze3A_984, %and3A_985 : i32
    %mul3A_987 = arith.constant 16 : i32
    %mul3A_988 = arith.muli %and3A_986, %mul3A_987 : i32
    %get3A_989 = arith.constant 20 : i32
    %get3A_990 = arith.index_cast %get3A_989 : i32 to index
    %get3A_991 = arith.index_cast %mul3A_988 : i32 to index
    %get3A_992 = tpu.vector_load %arg22[%get3A_990, %get3A_991] {strides = array<i32>} : memref<32x128xf32, #tpu.memory_space<vmem>>, vector<16xf32>,
    %swap3A_993 = arith.constant 2 : i32
    %swap3A_994 = arith.index_cast %swap3A_993 : i32 to index
    %swap3A_995 = arith.constant 64 : index
    %swap3A_996 = tpu.vector_load %arg23[%swap3A_994, %swap3A_995] {strides = array<i32>} : memref<4x128xf32, #tpu.memory_space<vmem>>, vector<16xf32>,
    tpu.vector_store %arg23[%swap3A_994, %swap3A_995], %get3A_992 {strides = array<i32>} : memref<4x128xf32, #tpu.memory_space<vmem>>, vector<16xf32>,
    %slice3A_997 = vector.extract_strided_slice %get3A_692 {offsets = [5], sizes = [1], strides = [1]} : vector<16xi32> to vector<1xi32>
    %squeeze3A_998 = vector.extract %slice3A_997[0] : i32 from vector<1xi32>
    %and3A_999 = arith.constant 7 : i32
    %and3A_1000 = arith.andi %squeeze3A_998, %and3A_999 : i32
    %mul3A_1001 = arith.constant 16 : i32
    %mul3A_1002 = arith.muli %and3A_1000, %mul3A_1001 : i32
    %get3A_1003 = arith.constant 21 : i32
    %get3A_1004 = arith.index_cast %get3A_1003 : i32 to index
    %get3A_1005 = arith.index_cast %mul3A_1002 : i32 to index
    %get3A_1006 = tpu.vector_load %arg22[%get3A_1004, %get3A_1005] {strides = array<i32>} : memref<32x128xf32, #tpu.memory_space<vmem>>, vector<16xf32>,
    %swap3A_1007 = arith.constant 2 : i32
    %swap3A_1008 = arith.index_cast %swap3A_1007 : i32 to index
    %swap3A_1009 = arith.constant 80 : index
    %swap3A_1010 = tpu.vector_load %arg23[%swap3A_1008, %swap3A_1009] {strides = array<i32>} : memref<4x128xf32, #tpu.memory_space<vmem>>, vector<16xf32>,
    tpu.vector_store %arg23[%swap3A_1008, %swap3A_1009], %get3A_1006 {strides = array<i32>} : memref<4x128xf32, #tpu.memory_space<vmem>>, vector<16xf32>,
    %slice3A_1011 = vector.extract_strided_slice %get3A_692 {offsets = [6], sizes = [1], strides = [1]} : vector<16xi32> to vector<1xi32>
    %squeeze3A_1012 = vector.extract %slice3A_1011[0] : i32 from vector<1xi32>
    %and3A_1013 = arith.constant 7 : i32
    %and3A_1014 = arith.andi %squeeze3A_1012, %and3A_1013 : i32
    %mul3A_1015 = arith.constant 16 : i32
    %mul3A_1016 = arith.muli %and3A_1014, %mul3A_1015 : i32
    %get3A_1017 = arith.constant 22 : i32
    %get3A_1018 = arith.index_cast %get3A_1017 : i32 to index
    %get3A_1019 = arith.index_cast %mul3A_1016 : i32 to index
    %get3A_1020 = tpu.vector_load %arg22[%get3A_1018, %get3A_1019] {strides = array<i32>} : memref<32x128xf32, #tpu.memory_space<vmem>>, vector<16xf32>,
    %swap3A_1021 = arith.constant 2 : i32
    %swap3A_1022 = arith.index_cast %swap3A_1021 : i32 to index
    %swap3A_1023 = arith.constant 96 : index
    %swap3A_1024 = tpu.vector_load %arg23[%swap3A_1022, %swap3A_1023] {strides = array<i32>} : memref<4x128xf32, #tpu.memory_space<vmem>>, vector<16xf32>,
    tpu.vector_store %arg23[%swap3A_1022, %swap3A_1023], %get3A_1020 {strides = array<i32>} : memref<4x128xf32, #tpu.memory_space<vmem>>, vector<16xf32>,
    %slice3A_1025 = vector.extract_strided_slice %get3A_692 {offsets = [7], sizes = [1], strides = [1]} : vector<16xi32> to vector<1xi32>
    %squeeze3A_1026 = vector.extract %slice3A_1025[0] : i32 from vector<1xi32>
    %and3A_1027 = arith.constant 7 : i32
    %and3A_1028 = arith.andi %squeeze3A_1026, %and3A_1027 : i32
    %mul3A_1029 = arith.constant 16 : i32
    %mul3A_1030 = arith.muli %and3A_1028, %mul3A_1029 : i32
    %get3A_1031 = arith.constant 23 : i32
    %get3A_1032 = arith.index_cast %get3A_1031 : i32 to index
    %get3A_1033 = arith.index_cast %mul3A_1030 : i32 to index
    %get3A_1034 = tpu.vector_load %arg22[%get3A_1032, %get3A_1033] {strides = array<i32>} : memref<32x128xf32, #tpu.memory_space<vmem>>, vector<16xf32>,
    %swap3A_1035 = arith.constant 2 : i32
    %swap3A_1036 = arith.index_cast %swap3A_1035 : i32 to index
    %swap3A_1037 = arith.constant 112 : index
    %swap3A_1038 = tpu.vector_load %arg23[%swap3A_1036, %swap3A_1037] {strides = array<i32>} : memref<4x128xf32, #tpu.memory_space<vmem>>, vector<16xf32>,
    tpu.vector_store %arg23[%swap3A_1036, %swap3A_1037], %get3A_1034 {strides = array<i32>} : memref<4x128xf32, #tpu.memory_space<vmem>>, vector<16xf32>,
    %slice3A_1039 = vector.extract_strided_slice %get3A_692 {offsets = [8], sizes = [1], strides = [1]} : vector<16xi32> to vector<1xi32>
    %squeeze3A_1040 = vector.extract %slice3A_1039[0] : i32 from vector<1xi32>
    %and3A_1041 = arith.constant 7 : i32
    %and3A_1042 = arith.andi %squeeze3A_1040, %and3A_1041 : i32
    %mul3A_1043 = arith.constant 16 : i32
    %mul3A_1044 = arith.muli %and3A_1042, %mul3A_1043 : i32
    %get3A_1045 = arith.constant 24 : i32
    %get3A_1046 = arith.index_cast %get3A_1045 : i32 to index
    %get3A_1047 = arith.index_cast %mul3A_1044 : i32 to index
    %get3A_1048 = tpu.vector_load %arg22[%get3A_1046, %get3A_1047] {strides = array<i32>} : memref<32x128xf32, #tpu.memory_space<vmem>>, vector<16xf32>,
    %swap3A_1049 = arith.constant 3 : i32
    %swap3A_1050 = arith.index_cast %swap3A_1049 : i32 to index
    %swap3A_1051 = arith.constant 0 : index
    %swap3A_1052 = tpu.vector_load %arg23[%swap3A_1050, %swap3A_1051] {strides = array<i32>} : memref<4x128xf32, #tpu.memory_space<vmem>>, vector<16xf32>,
    tpu.vector_store %arg23[%swap3A_1050, %swap3A_1051], %get3A_1048 {strides = array<i32>} : memref<4x128xf32, #tpu.memory_space<vmem>>, vector<16xf32>,
    %slice3A_1053 = vector.extract_strided_slice %get3A_692 {offsets = [9], sizes = [1], strides = [1]} : vector<16xi32> to vector<1xi32>
    %squeeze3A_1054 = vector.extract %slice3A_1053[0] : i32 from vector<1xi32>
    %and3A_1055 = arith.constant 7 : i32
    %and3A_1056 = arith.andi %squeeze3A_1054, %and3A_1055 : i32
    %mul3A_1057 = arith.constant 16 : i32
    %mul3A_1058 = arith.muli %and3A_1056, %mul3A_1057 : i32
    %get3A_1059 = arith.constant 25 : i32
    %get3A_1060 = arith.index_cast %get3A_1059 : i32 to index
    %get3A_1061 = arith.index_cast %mul3A_1058 : i32 to index
    %get3A_1062 = tpu.vector_load %arg22[%get3A_1060, %get3A_1061] {strides = array<i32>} : memref<32x128xf32, #tpu.memory_space<vmem>>, vector<16xf32>,
    %swap3A_1063 = arith.constant 3 : i32
    %swap3A_1064 = arith.index_cast %swap3A_1063 : i32 to index
    %swap3A_1065 = arith.constant 16 : index
    %swap3A_1066 = tpu.vector_load %arg23[%swap3A_1064, %swap3A_1065] {strides = array<i32>} : memref<4x128xf32, #tpu.memory_space<vmem>>, vector<16xf32>,
    tpu.vector_store %arg23[%swap3A_1064, %swap3A_1065], %get3A_1062 {strides = array<i32>} : memref<4x128xf32, #tpu.memory_space<vmem>>, vector<16xf32>,
    %slice3A_1067 = vector.extract_strided_slice %get3A_692 {offsets = [10], sizes = [1], strides = [1]} : vector<16xi32> to vector<1xi32>
    %squeeze3A_1068 = vector.extract %slice3A_1067[0] : i32 from vector<1xi32>
    %and3A_1069 = arith.constant 7 : i32
    %and3A_1070 = arith.andi %squeeze3A_1068, %and3A_1069 : i32
    %mul3A_1071 = arith.constant 16 : i32
    %mul3A_1072 = arith.muli %and3A_1070, %mul3A_1071 : i32
    %get3A_1073 = arith.constant 26 : i32
    %get3A_1074 = arith.index_cast %get3A_1073 : i32 to index
    %get3A_1075 = arith.index_cast %mul3A_1072 : i32 to index
    %get3A_1076 = tpu.vector_load %arg22[%get3A_1074, %get3A_1075] {strides = array<i32>} : memref<32x128xf32, #tpu.memory_space<vmem>>, vector<16xf32>,
    %swap3A_1077 = arith.constant 3 : i32
    %swap3A_1078 = arith.index_cast %swap3A_1077 : i32 to index
    %swap3A_1079 = arith.constant 32 : index
    %swap3A_1080 = tpu.vector_load %arg23[%swap3A_1078, %swap3A_1079] {strides = array<i32>} : memref<4x128xf32, #tpu.memory_space<vmem>>, vector<16xf32>,
    tpu.vector_store %arg23[%swap3A_1078, %swap3A_1079], %get3A_1076 {strides = array<i32>} : memref<4x128xf32, #tpu.memory_space<vmem>>, vector<16xf32>,
    %slice3A_1081 = vector.extract_strided_slice %get3A_692 {offsets = [11], sizes = [1], strides = [1]} : vector<16xi32> to vector<1xi32>
    %squeeze3A_1082 = vector.extract %slice3A_1081[0] : i32 from vector<1xi32>
    %and3A_1083 = arith.constant 7 : i32
    %and3A_1084 = arith.andi %squeeze3A_1082, %and3A_1083 : i32
    %mul3A_1085 = arith.constant 16 : i32
    %mul3A_1086 = arith.muli %and3A_1084, %mul3A_1085 : i32
    %get3A_1087 = arith.constant 27 : i32
    %get3A_1088 = arith.index_cast %get3A_1087 : i32 to index
    %get3A_1089 = arith.index_cast %mul3A_1086 : i32 to index
    %get3A_1090 = tpu.vector_load %arg22[%get3A_1088, %get3A_1089] {strides = array<i32>} : memref<32x128xf32, #tpu.memory_space<vmem>>, vector<16xf32>,
    %swap3A_1091 = arith.constant 3 : i32
    %swap3A_1092 = arith.index_cast %swap3A_1091 : i32 to index
    %swap3A_1093 = arith.constant 48 : index
    %swap3A_1094 = tpu.vector_load %arg23[%swap3A_1092, %swap3A_1093] {strides = array<i32>} : memref<4x128xf32, #tpu.memory_space<vmem>>, vector<16xf32>,
    tpu.vector_store %arg23[%swap3A_1092, %swap3A_1093], %get3A_1090 {strides = array<i32>} : memref<4x128xf32, #tpu.memory_space<vmem>>, vector<16xf32>,
    %slice3A_1095 = vector.extract_strided_slice %get3A_692 {offsets = [12], sizes = [1], strides = [1]} : vector<16xi32> to vector<1xi32>
    %squeeze3A_1096 = vector.extract %slice3A_1095[0] : i32 from vector<1xi32>
    %and3A_1097 = arith.constant 7 : i32
    %and3A_1098 = arith.andi %squeeze3A_1096, %and3A_1097 : i32
    %mul3A_1099 = arith.constant 16 : i32
    %mul3A_1100 = arith.muli %and3A_1098, %mul3A_1099 : i32
    %get3A_1101 = arith.constant 28 : i32
    %get3A_1102 = arith.index_cast %get3A_1101 : i32 to index
    %get3A_1103 = arith.index_cast %mul3A_1100 : i32 to index
    %get3A_1104 = tpu.vector_load %arg22[%get3A_1102, %get3A_1103] {strides = array<i32>} : memref<32x128xf32, #tpu.memory_space<vmem>>, vector<16xf32>,
    %swap3A_1105 = arith.constant 3 : i32
    %swap3A_1106 = arith.index_cast %swap3A_1105 : i32 to index
    %swap3A_1107 = arith.constant 64 : index
    %swap3A_1108 = tpu.vector_load %arg23[%swap3A_1106, %swap3A_1107] {strides = array<i32>} : memref<4x128xf32, #tpu.memory_space<vmem>>, vector<16xf32>,
    tpu.vector_store %arg23[%swap3A_1106, %swap3A_1107], %get3A_1104 {strides = array<i32>} : memref<4x128xf32, #tpu.memory_space<vmem>>, vector<16xf32>,
    %slice3A_1109 = vector.extract_strided_slice %get3A_692 {offsets = [13], sizes = [1], strides = [1]} : vector<16xi32> to vector<1xi32>
    %squeeze3A_1110 = vector.extract %slice3A_1109[0] : i32 from vector<1xi32>
    %and3A_1111 = arith.constant 7 : i32
    %and3A_1112 = arith.andi %squeeze3A_1110, %and3A_1111 : i32
    %mul3A_1113 = arith.constant 16 : i32
    %mul3A_1114 = arith.muli %and3A_1112, %mul3A_1113 : i32
    %get3A_1115 = arith.constant 29 : i32
    %get3A_1116 = arith.index_cast %get3A_1115 : i32 to index
    %get3A_1117 = arith.index_cast %mul3A_1114 : i32 to index
    %get3A_1118 = tpu.vector_load %arg22[%get3A_1116, %get3A_1117] {strides = array<i32>} : memref<32x128xf32, #tpu.memory_space<vmem>>, vector<16xf32>,
    %swap3A_1119 = arith.constant 3 : i32
    %swap3A_1120 = arith.index_cast %swap3A_1119 : i32 to index
    %swap3A_1121 = arith.constant 80 : index
    %swap3A_1122 = tpu.vector_load %arg23[%swap3A_1120, %swap3A_1121] {strides = array<i32>} : memref<4x128xf32, #tpu.memory_space<vmem>>, vector<16xf32>,
    tpu.vector_store %arg23[%swap3A_1120, %swap3A_1121], %get3A_1118 {strides = array<i32>} : memref<4x128xf32, #tpu.memory_space<vmem>>, vector<16xf32>,
    %slice3A_1123 = vector.extract_strided_slice %get3A_692 {offsets = [14], sizes = [1], strides = [1]} : vector<16xi32> to vector<1xi32>
    %squeeze3A_1124 = vector.extract %slice3A_1123[0] : i32 from vector<1xi32>
    %and3A_1125 = arith.constant 7 : i32
    %and3A_1126 = arith.andi %squeeze3A_1124, %and3A_1125 : i32
    %mul3A_1127 = arith.constant 16 : i32
    %mul3A_1128 = arith.muli %and3A_1126, %mul3A_1127 : i32
    %get3A_1129 = arith.constant 30 : i32
    %get3A_1130 = arith.index_cast %get3A_1129 : i32 to index
    %get3A_1131 = arith.index_cast %mul3A_1128 : i32 to index
    %get3A_1132 = tpu.vector_load %arg22[%get3A_1130, %get3A_1131] {strides = array<i32>} : memref<32x128xf32, #tpu.memory_space<vmem>>, vector<16xf32>,
    %swap3A_1133 = arith.constant 3 : i32
    %swap3A_1134 = arith.index_cast %swap3A_1133 : i32 to index
    %swap3A_1135 = arith.constant 96 : index
    %swap3A_1136 = tpu.vector_load %arg23[%swap3A_1134, %swap3A_1135] {strides = array<i32>} : memref<4x128xf32, #tpu.memory_space<vmem>>, vector<16xf32>,
    tpu.vector_store %arg23[%swap3A_1134, %swap3A_1135], %get3A_1132 {strides = array<i32>} : memref<4x128xf32, #tpu.memory_space<vmem>>, vector<16xf32>,
    %slice3A_1137 = vector.extract_strided_slice %get3A_692 {offsets = [15], sizes = [1], strides = [1]} : vector<16xi32> to vector<1xi32>
    %squeeze3A_1138 = vector.extract %slice3A_1137[0] : i32 from vector<1xi32>
    %and3A_1139 = arith.constant 7 : i32
    %and3A_1140 = arith.andi %squeeze3A_1138, %and3A_1139 : i32
    %mul3A_1141 = arith.constant 16 : i32
    %mul3A_1142 = arith.muli %and3A_1140, %mul3A_1141 : i32
    %get3A_1143 = arith.constant 31 : i32
    %get3A_1144 = arith.index_cast %get3A_1143 : i32 to index
    %get3A_1145 = arith.index_cast %mul3A_1142 : i32 to index
    %get3A_1146 = tpu.vector_load %arg22[%get3A_1144, %get3A_1145] {strides = array<i32>} : memref<32x128xf32, #tpu.memory_space<vmem>>, vector<16xf32>,
    %swap3A_1147 = arith.constant 3 : i32
    %swap3A_1148 = arith.index_cast %swap3A_1147 : i32 to index
    %swap3A_1149 = arith.constant 112 : index
    %swap3A_1150 = tpu.vector_load %arg23[%swap3A_1148, %swap3A_1149] {strides = array<i32>} : memref<4x128xf32, #tpu.memory_space<vmem>>, vector<16xf32>,
    tpu.vector_store %arg23[%swap3A_1148, %swap3A_1149], %get3A_1146 {strides = array<i32>} : memref<4x128xf32, #tpu.memory_space<vmem>>, vector<16xf32>,
    %mul3A_1151 = arith.constant 16 : i32
    %mul3A_1152 = arith.muli %mul3A_2, %mul3A_1151 : i32
    %add3A_1153 = arith.constant 0 : i32
    %add3A_1154 = arith.addi %mul3A_1152, %add3A_1153 : i32
    %run_scoped3A = arith.constant 0 : i32
    "tpu.region"() ({
      %run_scoped3A_1170 = tpu.sem_alloc : memref<!tpu.dma_semaphore, #tpu.memory_space<semaphore_mem>>
      %dma_start3A_1171 = arith.constant 0 : i32
      %dma_start3A_1172 = tpu.memref_slice %arg23[%run_scoped3A, %dma_start3A_1171] : memref<4x128xf32, #tpu.memory_space<vmem>> -> memref<1x128xf32, #tpu.memory_space<vmem>>
      %dma_start3A_1173 = tpu.memref_squeeze %dma_start3A_1172 : memref<1x128xf32, #tpu.memory_space<vmem>> -> memref<128xf32, #tpu.memory_space<vmem>>
      %dma_start3A_1174 = tpu.memref_slice %arg11[%add3A_1154] : memref<16384xf32, #tpu.memory_space<hbm>> -> memref<128xf32, #tpu.memory_space<hbm>>
      %dma_start3A_1175 = tpu.memref_slice %arg11[%add3A_1154] : memref<16384xf32, #tpu.memory_space<hbm>> -> memref<128xf32, #tpu.memory_space<hbm>>
      %dma_start3A_1176 = arith.constant 0 : i32
      %dma_start3A_1177 = tpu.memref_slice %arg23[%run_scoped3A, %dma_start3A_1176] : memref<4x128xf32, #tpu.memory_space<vmem>> -> memref<1x128xf32, #tpu.memory_space<vmem>>
      %dma_start3A_1178 = tpu.memref_squeeze %dma_start3A_1177 : memref<1x128xf32, #tpu.memory_space<vmem>> -> memref<128xf32, #tpu.memory_space<vmem>>
      tpu.enqueue_dma source(%dma_start3A_1178 : memref<128xf32, #tpu.memory_space<vmem>>) target(%dma_start3A_1175 : memref<128xf32, #tpu.memory_space<hbm>>) target_semaphore(%run_scoped3A_1170 : memref<!tpu.dma_semaphore, #tpu.memory_space<semaphore_mem>>)
      %dma_wait3A_1179 = arith.constant 0 : i32
      %dma_wait3A_1180 = tpu.memref_slice %arg23[%run_scoped3A, %dma_wait3A_1179] : memref<4x128xf32, #tpu.memory_space<vmem>> -> memref<1x128xf32, #tpu.memory_space<vmem>>
      %dma_wait3A_1181 = tpu.memref_squeeze %dma_wait3A_1180 : memref<1x128xf32, #tpu.memory_space<vmem>> -> memref<128xf32, #tpu.memory_space<vmem>>
      %dma_wait3A_1182 = tpu.memref_slice %arg11[%add3A_1154] : memref<16384xf32, #tpu.memory_space<hbm>> -> memref<128xf32, #tpu.memory_space<hbm>>
      %dma_wait3A_1183 = tpu.memref_slice %arg11[%add3A_1154] : memref<16384xf32, #tpu.memory_space<hbm>> -> memref<128xf32, #tpu.memory_space<hbm>>
      %dma_wait3A_1184 = arith.constant 0 : i32
      %dma_wait3A_1185 = tpu.memref_slice %arg23[%run_scoped3A, %dma_wait3A_1184] : memref<4x128xf32, #tpu.memory_space<vmem>> -> memref<1x128xf32, #tpu.memory_space<vmem>>
      %dma_wait3A_1186 = tpu.memref_squeeze %dma_wait3A_1185 : memref<1x128xf32, #tpu.memory_space<vmem>> -> memref<128xf32, #tpu.memory_space<vmem>>
      tpu.wait_dma2 semaphore(%run_scoped3A_1170 : memref<!tpu.dma_semaphore, #tpu.memory_space<semaphore_mem>>) src(%dma_wait3A_1186 : memref<128xf32, #tpu.memory_space<vmem>>) dst(%dma_wait3A_1183 : memref<128xf32, #tpu.memory_space<hbm>>)
      tpu.yield
    }) : () -> ()
    %mul3A_1155 = arith.constant 16 : i32
    %mul3A_1156 = arith.muli %mul3A_2, %mul3A_1155 : i32
    %add3A_1157 = arith.constant 128 : i32
    %add3A_1158 = arith.addi %mul3A_1156, %add3A_1157 : i32
    %run_scoped3A_1159 = arith.constant 1 : i32
    "tpu.region"() ({
      %run_scoped3A_1170 = tpu.sem_alloc : memref<!tpu.dma_semaphore, #tpu.memory_space<semaphore_mem>>
      %dma_start3A_1171 = arith.constant 0 : i32
      %dma_start3A_1172 = tpu.memref_slice %arg23[%run_scoped3A_1159, %dma_start3A_1171] : memref<4x128xf32, #tpu.memory_space<vmem>> -> memref<1x128xf32, #tpu.memory_space<vmem>>
      %dma_start3A_1173 = tpu.memref_squeeze %dma_start3A_1172 : memref<1x128xf32, #tpu.memory_space<vmem>> -> memref<128xf32, #tpu.memory_space<vmem>>
      %dma_start3A_1174 = tpu.memref_slice %arg11[%add3A_1158] : memref<16384xf32, #tpu.memory_space<hbm>> -> memref<128xf32, #tpu.memory_space<hbm>>
      %dma_start3A_1175 = tpu.memref_slice %arg11[%add3A_1158] : memref<16384xf32, #tpu.memory_space<hbm>> -> memref<128xf32, #tpu.memory_space<hbm>>
      %dma_start3A_1176 = arith.constant 0 : i32
      %dma_start3A_1177 = tpu.memref_slice %arg23[%run_scoped3A_1159, %dma_start3A_1176] : memref<4x128xf32, #tpu.memory_space<vmem>> -> memref<1x128xf32, #tpu.memory_space<vmem>>
      %dma_start3A_1178 = tpu.memref_squeeze %dma_start3A_1177 : memref<1x128xf32, #tpu.memory_space<vmem>> -> memref<128xf32, #tpu.memory_space<vmem>>
      tpu.enqueue_dma source(%dma_start3A_1178 : memref<128xf32, #tpu.memory_space<vmem>>) target(%dma_start3A_1175 : memref<128xf32, #tpu.memory_space<hbm>>) target_semaphore(%run_scoped3A_1170 : memref<!tpu.dma_semaphore, #tpu.memory_space<semaphore_mem>>)
      %dma_wait3A_1179 = arith.constant 0 : i32
      %dma_wait3A_1180 = tpu.memref_slice %arg23[%run_scoped3A_1159, %dma_wait3A_1179] : memref<4x128xf32, #tpu.memory_space<vmem>> -> memref<1x128xf32, #tpu.memory_space<vmem>>
      %dma_wait3A_1181 = tpu.memref_squeeze %dma_wait3A_1180 : memref<1x128xf32, #tpu.memory_space<vmem>> -> memref<128xf32, #tpu.memory_space<vmem>>
      %dma_wait3A_1182 = tpu.memref_slice %arg11[%add3A_1158] : memref<16384xf32, #tpu.memory_space<hbm>> -> memref<128xf32, #tpu.memory_space<hbm>>
      %dma_wait3A_1183 = tpu.memref_slice %arg11[%add3A_1158] : memref<16384xf32, #tpu.memory_space<hbm>> -> memref<128xf32, #tpu.memory_space<hbm>>
      %dma_wait3A_1184 = arith.constant 0 : i32
      %dma_wait3A_1185 = tpu.memref_slice %arg23[%run_scoped3A_1159, %dma_wait3A_1184] : memref<4x128xf32, #tpu.memory_space<vmem>> -> memref<1x128xf32, #tpu.memory_space<vmem>>
      %dma_wait3A_1186 = tpu.memref_squeeze %dma_wait3A_1185 : memref<1x128xf32, #tpu.memory_space<vmem>> -> memref<128xf32, #tpu.memory_space<vmem>>
      tpu.wait_dma2 semaphore(%run_scoped3A_1170 : memref<!tpu.dma_semaphore, #tpu.memory_space<semaphore_mem>>) src(%dma_wait3A_1186 : memref<128xf32, #tpu.memory_space<vmem>>) dst(%dma_wait3A_1183 : memref<128xf32, #tpu.memory_space<hbm>>)
      tpu.yield
    }) : () -> ()
    %mul3A_1160 = arith.constant 16 : i32
    %mul3A_1161 = arith.muli %mul3A_2, %mul3A_1160 : i32
    %add3A_1162 = arith.constant 256 : i32
    %add3A_1163 = arith.addi %mul3A_1161, %add3A_1162 : i32
    %run_scoped3A_1164 = arith.constant 2 : i32
    "tpu.region"() ({
      %run_scoped3A_1170 = tpu.sem_alloc : memref<!tpu.dma_semaphore, #tpu.memory_space<semaphore_mem>>
      %dma_start3A_1171 = arith.constant 0 : i32
      %dma_start3A_1172 = tpu.memref_slice %arg23[%run_scoped3A_1164, %dma_start3A_1171] : memref<4x128xf32, #tpu.memory_space<vmem>> -> memref<1x128xf32, #tpu.memory_space<vmem>>
      %dma_start3A_1173 = tpu.memref_squeeze %dma_start3A_1172 : memref<1x128xf32, #tpu.memory_space<vmem>> -> memref<128xf32, #tpu.memory_space<vmem>>
      %dma_start3A_1174 = tpu.memref_slice %arg11[%add3A_1163] : memref<16384xf32, #tpu.memory_space<hbm>> -> memref<128xf32, #tpu.memory_space<hbm>>
      %dma_start3A_1175 = tpu.memref_slice %arg11[%add3A_1163] : memref<16384xf32, #tpu.memory_space<hbm>> -> memref<128xf32, #tpu.memory_space<hbm>>
      %dma_start3A_1176 = arith.constant 0 : i32
      %dma_start3A_1177 = tpu.memref_slice %arg23[%run_scoped3A_1164, %dma_start3A_1176] : memref<4x128xf32, #tpu.memory_space<vmem>> -> memref<1x128xf32, #tpu.memory_space<vmem>>
      %dma_start3A_1178 = tpu.memref_squeeze %dma_start3A_1177 : memref<1x128xf32, #tpu.memory_space<vmem>> -> memref<128xf32, #tpu.memory_space<vmem>>
      tpu.enqueue_dma source(%dma_start3A_1178 : memref<128xf32, #tpu.memory_space<vmem>>) target(%dma_start3A_1175 : memref<128xf32, #tpu.memory_space<hbm>>) target_semaphore(%run_scoped3A_1170 : memref<!tpu.dma_semaphore, #tpu.memory_space<semaphore_mem>>)
      %dma_wait3A_1179 = arith.constant 0 : i32
      %dma_wait3A_1180 = tpu.memref_slice %arg23[%run_scoped3A_1164, %dma_wait3A_1179] : memref<4x128xf32, #tpu.memory_space<vmem>> -> memref<1x128xf32, #tpu.memory_space<vmem>>
      %dma_wait3A_1181 = tpu.memref_squeeze %dma_wait3A_1180 : memref<1x128xf32, #tpu.memory_space<vmem>> -> memref<128xf32, #tpu.memory_space<vmem>>
      %dma_wait3A_1182 = tpu.memref_slice %arg11[%add3A_1163] : memref<16384xf32, #tpu.memory_space<hbm>> -> memref<128xf32, #tpu.memory_space<hbm>>
      %dma_wait3A_1183 = tpu.memref_slice %arg11[%add3A_1163] : memref<16384xf32, #tpu.memory_space<hbm>> -> memref<128xf32, #tpu.memory_space<hbm>>
      %dma_wait3A_1184 = arith.constant 0 : i32
      %dma_wait3A_1185 = tpu.memref_slice %arg23[%run_scoped3A_1164, %dma_wait3A_1184] : memref<4x128xf32, #tpu.memory_space<vmem>> -> memref<1x128xf32, #tpu.memory_space<vmem>>
      %dma_wait3A_1186 = tpu.memref_squeeze %dma_wait3A_1185 : memref<1x128xf32, #tpu.memory_space<vmem>> -> memref<128xf32, #tpu.memory_space<vmem>>
      tpu.wait_dma2 semaphore(%run_scoped3A_1170 : memref<!tpu.dma_semaphore, #tpu.memory_space<semaphore_mem>>) src(%dma_wait3A_1186 : memref<128xf32, #tpu.memory_space<vmem>>) dst(%dma_wait3A_1183 : memref<128xf32, #tpu.memory_space<hbm>>)
      tpu.yield
    }) : () -> ()
    %mul3A_1165 = arith.constant 16 : i32
    %mul3A_1166 = arith.muli %mul3A_2, %mul3A_1165 : i32
    %add3A_1167 = arith.constant 384 : i32
    %add3A_1168 = arith.addi %mul3A_1166, %add3A_1167 : i32
    %run_scoped3A_1169 = arith.constant 3 : i32
    "tpu.region"() ({
      %run_scoped3A_1170 = tpu.sem_alloc : memref<!tpu.dma_semaphore, #tpu.memory_space<semaphore_mem>>
      %dma_start3A_1171 = arith.constant 0 : i32
      %dma_start3A_1172 = tpu.memref_slice %arg23[%run_scoped3A_1169, %dma_start3A_1171] : memref<4x128xf32, #tpu.memory_space<vmem>> -> memref<1x128xf32, #tpu.memory_space<vmem>>
      %dma_start3A_1173 = tpu.memref_squeeze %dma_start3A_1172 : memref<1x128xf32, #tpu.memory_space<vmem>> -> memref<128xf32, #tpu.memory_space<vmem>>
      %dma_start3A_1174 = tpu.memref_slice %arg11[%add3A_1168] : memref<16384xf32, #tpu.memory_space<hbm>> -> memref<128xf32, #tpu.memory_space<hbm>>
      %dma_start3A_1175 = tpu.memref_slice %arg11[%add3A_1168] : memref<16384xf32, #tpu.memory_space<hbm>> -> memref<128xf32, #tpu.memory_space<hbm>>
      %dma_start3A_1176 = arith.constant 0 : i32
      %dma_start3A_1177 = tpu.memref_slice %arg23[%run_scoped3A_1169, %dma_start3A_1176] : memref<4x128xf32, #tpu.memory_space<vmem>> -> memref<1x128xf32, #tpu.memory_space<vmem>>
      %dma_start3A_1178 = tpu.memref_squeeze %dma_start3A_1177 : memref<1x128xf32, #tpu.memory_space<vmem>> -> memref<128xf32, #tpu.memory_space<vmem>>
      tpu.enqueue_dma source(%dma_start3A_1178 : memref<128xf32, #tpu.memory_space<vmem>>) target(%dma_start3A_1175 : memref<128xf32, #tpu.memory_space<hbm>>) target_semaphore(%run_scoped3A_1170 : memref<!tpu.dma_semaphore, #tpu.memory_space<semaphore_mem>>)
      %dma_wait3A_1179 = arith.constant 0 : i32
      %dma_wait3A_1180 = tpu.memref_slice %arg23[%run_scoped3A_1169, %dma_wait3A_1179] : memref<4x128xf32, #tpu.memory_space<vmem>> -> memref<1x128xf32, #tpu.memory_space<vmem>>
      %dma_wait3A_1181 = tpu.memref_squeeze %dma_wait3A_1180 : memref<1x128xf32, #tpu.memory_space<vmem>> -> memref<128xf32, #tpu.memory_space<vmem>>
      %dma_wait3A_1182 = tpu.memref_slice %arg11[%add3A_1168] : memref<16384xf32, #tpu.memory_space<hbm>> -> memref<128xf32, #tpu.memory_space<hbm>>
      %dma_wait3A_1183 = tpu.memref_slice %arg11[%add3A_1168] : memref<16384xf32, #tpu.memory_space<hbm>> -> memref<128xf32, #tpu.memory_space<hbm>>
      %dma_wait3A_1184 = arith.constant 0 : i32
      %dma_wait3A_1185 = tpu.memref_slice %arg23[%run_scoped3A_1169, %dma_wait3A_1184] : memref<4x128xf32, #tpu.memory_space<vmem>> -> memref<1x128xf32, #tpu.memory_space<vmem>>
      %dma_wait3A_1186 = tpu.memref_squeeze %dma_wait3A_1185 : memref<1x128xf32, #tpu.memory_space<vmem>> -> memref<128xf32, #tpu.memory_space<vmem>>
      tpu.wait_dma2 semaphore(%run_scoped3A_1170 : memref<!tpu.dma_semaphore, #tpu.memory_space<semaphore_mem>>) src(%dma_wait3A_1186 : memref<128xf32, #tpu.memory_space<vmem>>) dst(%dma_wait3A_1183 : memref<128xf32, #tpu.memory_space<hbm>>)
      tpu.yield
    }) : () -> ()
    return
  }
}

module attributes {stable_mosaic.version = 14 : i64} {
  func.func @_tc1_body(%arg0: i32, %arg1: memref<1x500x128xf32, #tpu.memory_space<vmem>>, %arg2: memref<128x8xf32, #tpu.memory_space<vmem>>, %arg3: memref<1x1xf32, #tpu.memory_space<vmem>>, %arg4: memref<1x500x8xf32, #tpu.memory_space<vmem>>) attributes {dimension_semantics = [#tpu.dimension_semantics<arbitrary>], iteration_bounds = array<i64: 25>, scalar_prefetch = 0 : i64, scratch_operands = 0 : i64, tpu.core_type = #tpu.core_type<tc>, window_params = [{transform_indices = @transform_0, window_bounds = array<i64: 1, 500, 128>}, {pipeline_mode = #tpu.pipeline_mode<synchronous>, transform_indices = @transform_1, window_bounds = array<i64: 128, 8>}, {pipeline_mode = #tpu.pipeline_mode<synchronous>, transform_indices = @transform_2, window_bounds = array<i64: 1, 1>}, {transform_indices = @transform_3, window_bounds = array<i64: 1, 500, 8>}]} {
    %get3A = arith.constant 0 : index
    %get3A_0 = arith.constant 0 : index
    %get3A_1 = arith.constant 0 : index
    %get3A_2 = vector.load %arg1[%get3A, %get3A_0, %get3A_1] : memref<1x500x128xf32, #tpu.memory_space<vmem>>, vector<1x500x128xf32>
    %get3A_3 = vector.shape_cast %get3A_2 : vector<1x500x128xf32> to vector<500x128xf32>
    %get3A_4 = arith.constant 0 : index
    %get3A_5 = arith.constant 0 : index
    %get3A_6 = vector.load %arg2[%get3A_4, %get3A_5] : memref<128x8xf32, #tpu.memory_space<vmem>>, vector<128x8xf32>
    %dot_general3A = arith.constant dense<0.000000e+00> : vector<500x8xf32>
    %dot_general3A_7 = tpu.matmul %get3A_3, %get3A_6, %dot_general3A {dimension_numbers = #tpu.dot_dimension_numbers<[1], [0], [0], [1], [0, 0, 1, 1], [], []>, transpose_lhs_hint = false} : vector<500x128xf32>, vector<128x8xf32>, vector<500x8xf32> -> vector<500x8xf32>
    %get3A_8 = arith.constant 0 : index
    %get3A_9 = arith.constant 0 : index
    %get3A_10 = vector.load %arg3[%get3A_8, %get3A_9] : memref<1x1xf32, #tpu.memory_space<vmem>>, vector<1x1xf32>
    %get3A_11 = vector.extract %get3A_10[0, 0] : f32 from vector<1x1xf32>
    %add3A = vector.broadcast %get3A_11 : f32 to vector<500x8xf32>
    %add3A_12 = arith.addf %dot_general3A_7, %add3A : vector<500x8xf32>
    %swap3A = arith.constant 0 : index
    %swap3A_13 = arith.constant 0 : index
    %swap3A_14 = arith.constant 0 : index
    %swap3A_15 = vector.load %arg4[%swap3A, %swap3A_13, %swap3A_14] : memref<1x500x8xf32, #tpu.memory_space<vmem>>, vector<1x500x8xf32>
    %swap3A_16 = vector.shape_cast %swap3A_15 : vector<1x500x8xf32> to vector<500x8xf32>
    %swap3A_17 = vector.shape_cast %add3A_12 : vector<500x8xf32> to vector<1x500x8xf32>
    tpu.vector_store %arg4[%swap3A, %swap3A_13, %swap3A_14], %swap3A_17 {strides = array<i32>} : memref<1x500x8xf32, #tpu.memory_space<vmem>>, vector<1x500x8xf32>,
    return
  }
  func.func @transform_0(%arg0: i32) -> (i32, i32, i32) {
    %c0_i32 = arith.constant 0 : i32
    %c0_i32_0 = arith.constant 0 : i32
    %c0_i32_1 = arith.constant 0 : i32
    return %arg0, %c0_i32, %c0_i32_0 : i32, i32, i32
  }
  func.func @transform_1(%arg0: i32) -> (i32, i32) {
    %c0_i32 = arith.constant 0 : i32
    %c0_i32_0 = arith.constant 0 : i32
    %c0_i32_1 = arith.constant 0 : i32
    return %c0_i32, %c0_i32_0 : i32, i32
  }
  func.func @transform_2(%arg0: i32) -> (i32, i32) {
    %c0_i32 = arith.constant 0 : i32
    %c0_i32_0 = arith.constant 0 : i32
    %c0_i32_1 = arith.constant 0 : i32
    return %c0_i32, %c0_i32_0 : i32, i32
  }
  func.func @transform_3(%arg0: i32) -> (i32, i32, i32) {
    %c0_i32 = arith.constant 0 : i32
    %c0_i32_0 = arith.constant 0 : i32
    %c0_i32_1 = arith.constant 0 : i32
    return %arg0, %c0_i32, %c0_i32_0 : i32, i32, i32
  }
}

module attributes {stable_mosaic.version = 14 : i64} {
  func.func @_tc2_body(%arg0: memref<1024x16xf32, #tpu.memory_space<vmem>>, %arg1: memref<16x128xf32, #tpu.memory_space<vmem>>, %arg2: memref<1x128xf32, #tpu.memory_space<vmem>>, %arg3: memref<1024x128xf32, #tpu.memory_space<vmem>>, %arg4: memref<8x128xf32, #tpu.memory_space<vmem>>, %arg5: memref<8x128xf32, #tpu.memory_space<vmem>>, %arg6: memref<8x128xf32, #tpu.memory_space<vmem>>, %arg7: memref<8x128xf32, #tpu.memory_space<vmem>>, %arg8: memref<8x128xf32, #tpu.memory_space<vmem>>, %arg9: memref<8x128xf32, #tpu.memory_space<vmem>>, %arg10: memref<8x128xi32, #tpu.memory_space<vmem>>) attributes {dimension_semantics = [], scalar_prefetch = 0 : i64, scratch_operands = 0 : i64, tpu.core_type = #tpu.core_type<tc>} {
    %get3A = arith.constant 0 : index
    %get3A_0 = arith.constant 0 : index
    %get3A_1 = vector.load %arg0[%get3A, %get3A_0] : memref<1024x16xf32, #tpu.memory_space<vmem>>, vector<1024x16xf32>
    %get3A_2 = arith.constant 0 : index
    %get3A_3 = arith.constant 0 : index
    %get3A_4 = vector.load %arg1[%get3A_2, %get3A_3] : memref<16x128xf32, #tpu.memory_space<vmem>>, vector<16x128xf32>
    %dot_general3A = arith.constant dense<0.000000e+00> : vector<1024x128xf32>
    %dot_general3A_5 = tpu.matmul %get3A_1, %get3A_4, %dot_general3A {dimension_numbers = #tpu.dot_dimension_numbers<[1], [0], [0], [1], [0, 0, 1, 1], [], []>, transpose_lhs_hint = false} : vector<1024x16xf32>, vector<16x128xf32>, vector<1024x128xf32> -> vector<1024x128xf32>
    %get3A_6 = arith.constant 0 : index
    %get3A_7 = arith.constant 0 : index
    %get3A_8 = vector.load %arg2[%get3A_6, %get3A_7] : memref<1x128xf32, #tpu.memory_space<vmem>>, vector<1x128xf32>
    %add3A = vector.broadcast %get3A_8 : vector<1x128xf32> to vector<1024x128xf32>
    %add3A_9 = arith.addf %dot_general3A_5, %add3A : vector<1024x128xf32>
    %reduce_max3A = arith.constant dense<0xFF800000> : vector<1024xf32>
    %reduce_max3A_10 = vector.multi_reduction <maximumf>, %add3A_9, %reduce_max3A [1] : vector<1024x128xf32> to vector<1024xf32>
    %broadcast_in_dim3A = vector.shape_cast %reduce_max3A_10 : vector<1024xf32> to vector<1024x1xf32>
    %sub3A = vector.broadcast %broadcast_in_dim3A : vector<1024x1xf32> to vector<1024x128xf32>
    %sub3A_11 = arith.subf %add3A_9, %sub3A : vector<1024x128xf32>
    %exp3A = math.exp %sub3A_11 : vector<1024x128xf32>
    %reduce_sum3A = arith.constant dense<0.000000e+00> : vector<1024xf32>
    %reduce_sum3A_12 = vector.multi_reduction <add>, %exp3A, %reduce_sum3A [1] : vector<1024x128xf32> to vector<1024xf32>
    %broadcast_in_dim3A_13 = vector.shape_cast %reduce_sum3A_12 : vector<1024xf32> to vector<1024x1xf32>
    %log3A = math.log %broadcast_in_dim3A_13 : vector<1024x1xf32>
    %sub3A_14 = vector.broadcast %log3A : vector<1024x1xf32> to vector<1024x128xf32>
    %sub3A_15 = arith.subf %sub3A_11, %sub3A_14 : vector<1024x128xf32>
    %get3A_16 = arith.constant 0 : index
    %get3A_17 = arith.constant 0 : index
    %get3A_18 = vector.load %arg3[%get3A_16, %get3A_17] : memref<1024x128xf32, #tpu.memory_space<vmem>>, vector<1024x128xf32>
    %add3A_19 = arith.addf %add3A_9, %get3A_18 : vector<1024x128xf32>
    %reduce_max3A_20 = arith.constant dense<0xFF800000> : vector<1024xf32>
    %reduce_max3A_21 = vector.multi_reduction <maximumf>, %add3A_19, %reduce_max3A_20 [1] : vector<1024x128xf32> to vector<1024xf32>
    %broadcast_in_dim3A_22 = vector.shape_cast %reduce_max3A_21 : vector<1024xf32> to vector<1024x1xf32>
    %iota3A = tpu.iota {dimensions = array<i32: 1>} : vector<1024x128xi32>
    %eq3A = vector.broadcast %broadcast_in_dim3A_22 : vector<1024x1xf32> to vector<1024x128xf32>
    %eq3A_23 = arith.cmpf oeq, %add3A_19, %eq3A : vector<1024x128xf32>
    %jit3A = arith.constant 128 : i32
    %broadcast_in_dim3A_24 = vector.broadcast %jit3A : i32 to vector<1024x128xi32>
    %select_n3A = arith.select %eq3A_23, %iota3A, %broadcast_in_dim3A_24 : vector<1024x128xi1>, vector<1024x128xi32>
    %reduce_min3A = arith.constant dense<2147483647> : vector<1024xi32>
    %reduce_min3A_25 = vector.multi_reduction <minsi>, %select_n3A, %reduce_min3A [1] : vector<1024x128xi32> to vector<1024xi32>
    %broadcast_in_dim3A_26 = vector.shape_cast %reduce_min3A_25 : vector<1024xi32> to vector<1024x1xi32>
    %eq3A_27 = vector.broadcast %broadcast_in_dim3A_26 : vector<1024x1xi32> to vector<1024x128xi32>
    %eq3A_28 = arith.cmpi eq, %iota3A, %eq3A_27 : vector<1024x128xi32>
    %jit3A_29 = arith.constant 0.000000e+00 : f32
    %broadcast_in_dim3A_30 = vector.broadcast %jit3A_29 : f32 to vector<1024x128xf32>
    %select_n3A_31 = arith.select %eq3A_28, %sub3A_15, %broadcast_in_dim3A_30 : vector<1024x128xi1>, vector<1024x128xf32>
    %reduce_sum3A_32 = arith.constant dense<0.000000e+00> : vector<1024xf32>
    %reduce_sum3A_33 = vector.multi_reduction <add>, %select_n3A_31, %reduce_sum3A_32 [1] : vector<1024x128xf32> to vector<1024xf32>
    %broadcast_in_dim3A_34 = vector.shape_cast %reduce_sum3A_33 : vector<1024xf32> to vector<1024x1xf32>
    %exp3A_35 = math.exp %sub3A_15 : vector<1024x128xf32>
    %mul3A = arith.mulf %exp3A_35, %sub3A_15 : vector<1024x128xf32>
    %reduce_sum3A_36 = arith.constant dense<0.000000e+00> : vector<1024xf32>
    %reduce_sum3A_37 = vector.multi_reduction <add>, %mul3A, %reduce_sum3A_36 [1] : vector<1024x128xf32> to vector<1024xf32>
    %broadcast_in_dim3A_38 = vector.shape_cast %reduce_sum3A_37 : vector<1024xf32> to vector<1024x1xf32>
    %neg3A = arith.constant 0.000000e+00 : f32
    %neg3A_39 = vector.broadcast %neg3A : f32 to vector<1024x1xf32>
    %neg3A_40 = arith.subf %neg3A_39, %broadcast_in_dim3A_38 : vector<1024x1xf32>
    %get3A_41 = arith.constant 0 : index
    %get3A_42 = arith.constant 0 : index
    %get3A_43 = vector.load %arg5[%get3A_41, %get3A_42] : memref<8x128xf32, #tpu.memory_space<vmem>>, vector<8x128xf32>
    %log3A_44 = math.log %get3A_43 : vector<8x128xf32>
    %get3A_45 = arith.constant 0 : index
    %get3A_46 = arith.constant 0 : index
    %get3A_47 = vector.load %arg7[%get3A_45, %get3A_46] : memref<8x128xf32, #tpu.memory_space<vmem>>, vector<8x128xf32>
    %get3A_48 = arith.constant 0 : index
    %get3A_49 = arith.constant 0 : index
    %get3A_50 = vector.load %arg4[%get3A_48, %get3A_49] : memref<8x128xf32, #tpu.memory_space<vmem>>, vector<8x128xf32>
    %sub3A_51 = arith.subf %get3A_47, %get3A_50 : vector<8x128xf32>
    %sub3A_52 = arith.subf %sub3A_51, %log3A_44 : vector<8x128xf32>
    %reshape3A = vector.shape_cast %broadcast_in_dim3A_34 : vector<1024x1xf32> to vector<8x128xf32>
    %add3A_53 = arith.addf %sub3A_52, %reshape3A : vector<8x128xf32>
    %get3A_54 = arith.constant 0 : index
    %get3A_55 = arith.constant 0 : index
    %get3A_56 = vector.load %arg6[%get3A_54, %get3A_55] : memref<8x128xf32, #tpu.memory_space<vmem>>, vector<8x128xf32>
    %div3A = arith.divf %get3A_56, %get3A_43 : vector<8x128xf32>
    %sub3A_57 = arith.subf %log3A_44, %div3A : vector<8x128xf32>
    %reshape3A_58 = vector.shape_cast %neg3A_40 : vector<1024x1xf32> to vector<8x128xf32>
    %add3A_59 = arith.addf %sub3A_57, %reshape3A_58 : vector<8x128xf32>
    %swap3A = arith.constant 0 : index
    %swap3A_60 = arith.constant 0 : index
    %swap3A_61 = vector.load %arg8[%swap3A, %swap3A_60] : memref<8x128xf32, #tpu.memory_space<vmem>>, vector<8x128xf32>
    tpu.vector_store %arg8[%swap3A, %swap3A_60], %add3A_53 {strides = array<i32>} : memref<8x128xf32, #tpu.memory_space<vmem>>, vector<8x128xf32>,
    %swap3A_62 = arith.constant 0 : index
    %swap3A_63 = arith.constant 0 : index
    %swap3A_64 = vector.load %arg9[%swap3A_62, %swap3A_63] : memref<8x128xf32, #tpu.memory_space<vmem>>, vector<8x128xf32>
    tpu.vector_store %arg9[%swap3A_62, %swap3A_63], %add3A_59 {strides = array<i32>} : memref<8x128xf32, #tpu.memory_space<vmem>>, vector<8x128xf32>,
    %reshape3A_65 = vector.shape_cast %broadcast_in_dim3A_26 : vector<1024x1xi32> to vector<8x128xi32>
    %swap3A_66 = arith.constant 0 : index
    %swap3A_67 = arith.constant 0 : index
    %swap3A_68 = vector.load %arg10[%swap3A_66, %swap3A_67] : memref<8x128xi32, #tpu.memory_space<vmem>>, vector<8x128xi32>
    tpu.vector_store %arg10[%swap3A_66, %swap3A_67], %reshape3A_65 {strides = array<i32>} : memref<8x128xi32, #tpu.memory_space<vmem>>, vector<8x128xi32>,
    return
  }
}

</mosaic_0001>

<sc_bundles>
// kernel: kernel.11.cloned.1.call-start
scs
__scs_entry_jumppad:
0x0: {  	(pc) =	sbr.rel $0x88, $3  }
0x1: {  	(tag) =	ssettag $0x0;
	lr =	simm.s32 $0x1  }
0x2: {  	[smem:$0x3F9B] =	sst lr;
	_ =	strace $0xD0000000  }
0x3: {  	_ = 	snop  }
0x4: {  	_ = 	snop  }
0x5: {  	_ = 	snop  }
0x6: {  	_ = 	snop  }
0x7: {  	_ = 	snop  }
__scs_overlays_trampoline_lowered:
0x8: {  	[smem:$0x3FAA] =	sst s0  }
0x9: {  	[smem:$0x3FAB] =	sst s1  }
0xa: {  	[smem:$0x3FAC] =	sst s2  }
0xb: {  	[smem:$0x3FAD] =	sst s3  }
0xc: {  	[smem:$0x3FAE] =	sst s4  }
0xd: {  	[smem:$0x3FAF] =	sst s5  }
0xe: {  	[smem:$0x3FB0] =	sst s6  }
0xf: {  	[smem:$0x3FB1] =	sst s7  }
0x10: {  	[smem:$0x3FB2] =	sst s8  }
0x11: {  	[smem:$0x3FB3] =	sst s9;
	s0 =	simm.s32 @!p0 $0x0  }
0x12: {  	s1 =	sld [smem:$0x3F99];
	s0 =	simm.s32 @p0 $0x1  }
0x13: {  	[smem:$0x3FB4] =	sst s0;
	s0 =	simm.s32 @!p1 $0x0  }
0x14: {  	s2 =	sld [smem:$0x3F98];
	s0 =	simm.s32 @p1 $0x1  }
0x15: {  	[smem:$0x3FB5] =	sst s0;
	s0 =	simm.s32 @!p2 $0x0  }
0x16: {  	s3 =	sld [smem:$0x3FDB];
	s0 =	simm.s32 @p2 $0x1  }
0x17: {  	s4 =	simm.s32 $0x1BF5;
	[smem:$0x3FB7] =	sst s0  }
0x18: {  	s0 =	sld [smem:$0x3F9A];
	_ =	swait.ge [sflag:s4], $0x0  }
0x19: {  	s7 =	sld [smem:$0x3F9B]  }
0x1a: {  	s8 =	sadd.s32 $0xFFFFE003, lr  }
0x1b: {  	s9 =	sadd.s32 $0xFFFFFEF7, lr;
	s5 =	simm.s32 $0xFFFFFFFF;
	p2 =	slt.u32 s8, $0xFFFFF086  }
0x1c: {  	p1 =	slt.u32 s9, $0xF7A;
	s5 =	simm.s32 @!p2 $0x0  }
0x1d: {  	s5 =	simm.s32 @p1 $0x1;
	p0 =	seq.s32 s7, s2  }
0x1e: {  	s7 =	smul.u32 @!p0 $0xF7A, s2;
	p2 =	seq.s32 @!p0 s5, $0x0  }
0x1f: {  	s9 =	smul.u32 $0xF7A, s1;
	s8 =	simm.s32 @!p0 $0x1BF5;
	p2 =	por !p2, p0  }
0x20: {  	[sflag:s8] =	ssyncset.s32 @!p0 $0xFFFFF086;
	s6 =	sadd.s32 @!p0 s3, s7;
	s7 =	simm.s32 @!p0 $0x108  }
0x21: {  	s3 =	sadd.s32 s3, s9;
	s6 =	sadd.s32 @!p0 $0x88, s6;
	s7 =	simm.s32 @p2 $0x1082  }
0x22: {  	[simem:s7], [sflag:s8] =	dma.local @!p0 [hbm:s6], $0xF7A  }
0x23: {  	s9 =	sor.u32 $0xD0000000, s2;
	s6 =	simm.s32 $0x108;
	_ =	swait.ge @!p0 [sflag:s8], $0x0  }
0x24: {  	s3 =	sadd.s32 $0x88, s3;
	s6 =	simm.s32 @!p1 $0x1082;
	[sflag:s4] =	ssyncset.s32 $0xFFFFF086  }
0x25: {  	[simem:s6], [sflag:s4] =	dma.local [hbm:s3], $0xF7A  }
0x26: {  	[smem:$0x3F9B] =	sst s1;
	(tag) =	ssettag s2;
	_ =	strace s9  }
0x27: {  	s1 =	sld [smem:$0x3FAB]  }
0x28: {  	s2 =	sld [smem:$0x3FAC]  }
0x29: {  	s4 =	sld [smem:$0x3FAE]  }
0x2a: {  	p0 =	seq.s32 s5, $0x0;
	s5 =	sld [smem:$0x3FAF]  }
0x2b: {  	s6 =	sld [smem:$0x3FB0]  }
0x2c: {  	s7 =	sld [smem:$0x3FB1]  }
0x2d: {  	s3 =	simm.s32 $0x108;
	s8 =	sld [smem:$0x3FB2]  }
0x2e: {  	s3 =	simm.s32 @!p0 $0x1082;
	s9 =	sld [smem:$0x3FB3]  }
0x2f: {  	lr =	sadd.s32 s0, s3;
	s0 =	sld [smem:$0x3FAA]  }
0x30: {  	s3 =	sld [smem:$0x3FAD]  }
0x31: {  	[smem:$0x3FB6] =	sst s10  }
0x32: {  	s10 =	sld [smem:$0x3FB4];
	_ =	sdelay $0x3  }
0x33: {  	p0 =	seq.s32 s10, $0x1;
	s10 =	sld [smem:$0x3FB6];
	_ =	sdelay $0x3  }
0x34: {  	[smem:$0x3FB6] =	sst s10  }
0x35: {  	s10 =	sld [smem:$0x3FB5];
	_ =	sdelay $0x3  }
0x36: {  	p1 =	seq.s32 s10, $0x1;
	s10 =	sld [smem:$0x3FB6];
	_ =	sdelay $0x3  }
0x37: {  	[smem:$0x3FB6] =	sst s10  }
0x38: {  	s10 =	sld [smem:$0x3FB7]  }
0x39: {  	_ = 	snop;
	(pc) =	sbr.ind lr, $3  }
0x3a: {  	_ = 	snop  }
0x3b: {  	_ = 	snop  }
0x3c: {  	p2 =	seq.s32 s10, $0x1;
	s10 =	sld [smem:$0x3FB6]  }
0x3d: {  	_ =	shalt  }
0x3e: {  	_ =	shalt  }
0x3f: {  	_ =	shalt  }
0x40: {  	_ =	shalt  }
0x41: {  	_ =	shalt  }
0x42: {  	_ =	shalt  }
0x43: {  	_ =	shalt  }
0x44: {  	_ =	shalt  }
0x45: {  	_ =	shalt  }
0x46: {  	_ =	shalt  }
0x47: {  	_ =	shalt  }
0x48: {  	_ =	shalt  }
0x49: {  	_ =	shalt  }
0x4a: {  	_ =	shalt  }
0x4b: {  	_ =	shalt  }
0x4c: {  	_ =	shalt  }
0x4d: {  	_ =	shalt  }
0x4e: {  	_ =	shalt  }
0x4f: {  	_ =	shalt  }
0x50: {  	_ =	shalt  }
0x51: {  	_ =	shalt  }
0x52: {  	_ =	shalt  }
0x53: {  	_ =	shalt  }
0x54: {  	_ =	shalt  }
0x55: {  	_ =	shalt  }
0x56: {  	_ =	shalt  }
0x57: {  	_ =	shalt  }
0x58: {  	_ =	shalt  }
0x59: {  	_ =	shalt  }
0x5a: {  	_ =	shalt  }
0x5b: {  	_ =	shalt  }
0x5c: {  	_ =	shalt  }
0x5d: {  	_ =	shalt  }
0x5e: {  	_ =	shalt  }
0x5f: {  	_ =	shalt  }
0x60: {  	_ =	shalt  }
0x61: {  	_ =	shalt  }
0x62: {  	_ =	shalt  }
0x63: {  	_ =	shalt  }
0x64: {  	_ =	shalt  }
0x65: {  	_ =	shalt  }
0x66: {  	_ =	shalt  }
0x67: {  	_ =	shalt  }
0x68: {  	_ =	shalt  }
0x69: {  	_ =	shalt  }
0x6a: {  	_ =	shalt  }
0x6b: {  	_ =	shalt  }
0x6c: {  	_ =	shalt  }
0x6d: {  	_ =	shalt  }
0x6e: {  	_ =	shalt  }
0x6f: {  	_ =	shalt  }
0x70: {  	_ =	shalt  }
0x71: {  	_ =	shalt  }
0x72: {  	_ =	shalt  }
0x73: {  	_ =	shalt  }
0x74: {  	_ =	shalt  }
0x75: {  	_ =	shalt  }
0x76: {  	_ =	shalt  }
0x77: {  	_ =	shalt  }
0x78: {  	_ =	shalt  }
0x79: {  	_ =	shalt  }
0x7a: {  	_ =	shalt  }
0x7b: {  	_ =	shalt  }
0x7c: {  	_ =	shalt  }
0x7d: {  	_ =	shalt  }
0x7e: {  	_ =	shalt  }
0x7f: {  	_ =	shalt  }
0x80: {  	_ =	shalt  }
0x81: {  	_ =	shalt  }
0x82: {  	_ =	shalt  }
0x83: {  	_ =	shalt  }
0x84: {  	_ =	shalt  }
0x85: {  	_ =	shalt  }
0x86: {  	_ =	shalt  }
0x87: {  	_ =	shalt  }
.Lfunc_end0:
.L_simem_size_0:
called_computation.1_lowered:
.L_overlay_start_0:
0x88: {  	s2 =	sld [smem:$0x3FD9]  }
0x89: {  	s3 =	sld [smem:$0x3FFE];
	_ =	sdelay $0x1  }
0x8a: {  	s1 =	srdreg.scid  }
0x8b: {  	s0 =	sand.u32 $0x1, s1  }
0x8c: {  	s14 =	sshll.u32 s0, $0xA;
	s2 =	sadd.s32 s3, s2  }
0x8d: {  	s2 =	sadd.s32 s2, s14  }
0x8e: {  	[smem:$0x3FC2] =	sst s2  }
0x8f: {  	_ = 	snop  }
0x90: {  	s2 =	sld [smem:$0x3FD0];
	_ =	sdelay $0x2  }
0x91: {  	s15 =	simm.s32 $0xA;
	s4 =	simm.s32 $0x10  }
0x92: {  	[smem:s4], [sflag:s15] =	dma.local [hbm:s2], $0x1  }
0x93: {  	_ =	swait.eq [sflag:s15], $0x1  }
0x94: {  	s16 =	sld [smem:$0x10];
	[sflag:s15] =	ssyncset.done $0x0  }
0x95: {  	s17 =	sld [smem:$0x11];
	[sflag:s15] =	ssyncadd.s32 $0xFFFFFFFF  }
0x96: {  	s18 =	sld [smem:$0x12];
	(tm) =	ssettm $0x1  }
0x97: {  	s5 =	sld [smem:$0x3FFB];
	_ =	sdelay $0x3  }
0x98: {  	_ =	strace s5  }
0x99: {  	s5 =	sld [smem:$0x3FFC];
	_ =	sdelay $0x3  }
0x9a: {  	_ =	strace s5  }
0x9b: {  	s5 =	sld [smem:$0x3FFD];
	_ =	sdelay $0x3  }
0x9c: {  	_ =	strace s5  }
0x9d: {  	_ =	strace $0x8FFFFFFF  }
0x9e: {  	s19 =	sld [smem:$0x3FDB];
	_ =	sdelay $0x1  }
0x9f: {  	s6 =	simm.s32 $_scs_section_size  }
0xa0: {  	s7 =	simm.s32 $_size__tile_overlayer_lowered;
	s8 =	simm.s32 $_tile_overlayer_lowered  }
0xa1: {  	s22 =	simm.s32 $0x1BFF;
	s21 =	sshll.u32 s8, $0x1;
	s5 =	sadd.s32 s6, s19  }
0xa2: {  	s9 =	simm.s32 $0x0;
	s20 =	sshll.u32 s7, $0x1;
	s7 =	sadd.s32 s21, s5  }
0xa3: {  	[timem:s9], [sflag:s22] =	dma.local [hbm:s7], s20  }
0xa4: {  	_ =	swait.ge [sflag:s22], s20  }
0xa5: {  	s6 =	ssub.s32 $0x0, s20;
	[sflag:s22] =	ssyncset.done $0x0  }
0xa6: {  	[sflag:s22] =	ssyncadd.s32 s6;
	_ =	sdelay $0x1  }
0xa7: {  	s23 =	simm.s32 $0x1B8B  }
0xa8: {  	_ =	swait.ge [sflag:s23], $0x1  }
0xa9: {  	[sflag:s23] =	ssyncset.done $0x0  }
0xaa: {  	s25 =	simm.s32 $0x1B8E;
	s24 =	sld [smem:$0x3FFE];
	[sflag:s23] =	ssyncadd.s32 $0xFFFFFFFF  }
0xab: {  	s26 =	simm.s32 $execute0_lowered;
	[smem:$0x3FD2] =	sst s25  }
0xac: {  	s7 =	sshll.u32 s26, $0x1;
	_ =	strace $0x80000049;
	[dreg:$0x1] =	wrdreg $0xFFFFFFFF  }
0xad: {  	s28 =	simm.s32 $_size_execute0_lowered;
	s5 =	sadd.s32 s5, s7;
	[dreg:$0x0] =	wrdreg $0x0  }
0xae: {  	s7 =	sshll.u32 s28, $0x1;
	[dreg:$0x2] =	wrdreg s5  }
0xaf: {  	[dreg:$0x3] =	wrdreg s7  }
0xb0: {  	[dreg:$0x4] =	wrdreg $0xC0  }
0xb1: {  	_ =	task [dreg:s9], $0x5FFFF  }
0xb2: {  	[dreg:$0x1] =	wrdreg $0xFFFFFFFF  }
0xb3: {  	[dreg:$0x0] =	wrdreg $0x60  }
0xb4: {  	[dreg:$0x2] =	wrdreg s24  }
0xb5: {  	[dreg:$0x3] =	wrdreg s18  }
0xb6: {  	[dreg:$0x4] =	wrdreg s17  }
0xb7: {  	[dreg:$0x5] =	wrdreg s16  }
0xb8: {  	[dreg:$0x6] =	wrdreg $0x9  }
0xb9: {  	_ =	task.clear_ibuf [dreg:s9], $0x7FFFF;
	_ =	strace $0x90000049  }
0xba: {  	s29 =	simm.s32 $0x9;
	_ =	strace $0x8000004B  }
0xbb: {  	_ =	swait.ge [sflag:s29], $0x1  }
0xbc: {  	[sflag:s29] =	ssyncadd.s32 $0xFFFFFFFF  }
0xbd: {  	_ =	strace $0x9000004B  }
0xbe: {  	_ =	sfence  }
0xbf: {  	s30 =	sld [smem:$0x0];
	_ =	sdelay $0x2  }
0xc0: {  	s31 =	sshll.u32 s1, $0xD;
	s1 =	sshrl.u32 s1, $0x2  }
0xc1: {  	s3 =	sand.u32 $0x4000, s31;
	s1 =	sadd.s32 s1, s30  }
0xc2: {  	s0 =	sor.u32 s3, s0;
	s1 =	sshll.u32 s1, $0x11  }
0xc3: {  	s0 =	sor.u32 s1, s0  }
0xc4: {  	s0 =	sadd.s32 $0x8F2B, s0  }
0xc5: {  	[sflag:s0] =	ssyncadd.remote.s32 $0x1  }
0xc6: {  	_ =	sfence.sel $0xFFFF  }
0xc7: {  	[dreg:$0x0] =	wrdreg $0xFFFFFFFF;
	(pc) =	sbr.abs _section_cstart, $3  }
0xc8: {  	[dreg:$0x1] =	wrdreg $0xFFFFFFFF  }
0xc9: {  	_ =	task.clear_ibuf [dreg:s9], $0x2FFFF;
	_ =	strace $0x9FFFFFFF  }
0xca: {  	(tm) =	ssettm $0x7FFFFFFF  }
0xcb: {  	_ =	shalt  }
tec
execute0_lowered:
.L_overlay_start_1:
0x0: {  	(tag) =	ssettag $0x1  }
0x1: {  	s0 =	rddreg [dreg:$0x0]  }
0x2: {  	s2 =	rddreg [dreg:$0x1]  }
0x3: {  	s5 =	rddreg [dreg:$0x2]  }
0x4: {  	s6 =	rddreg [dreg:$0x3]  }
0x5: {  	s1 =	simm.s32 $0x0;
	s7 =	srdreg.scid;
	s8 =	stileid.u32  }
0x6: {  	s19 =	simm.s32 $0x2;
	s20 =	simm.s32 $0xC280;
	s29 =	simm.s32 $0x1  }
0x7: {  	s18 =	simm.s32 $0x0;
	[smem:$0x7FF] =	sst s1;
	s3 =	sadd.s32 $0x3000, s0  }
0x8: {  	s9 =	sadd.s32 $0x189A00, s0;
	s7 =	sand.u32 $0x1, s7;
	s8 =	sshll.u32 s8, $0x1  }
0x9: {  	s21 =	sadd.s32 $0x1E00, s0;
	_ =	strace $0x8000004A;
	[dreg:$0x5] =	wrdreg s9  }
0xa: {  	s4 =	sadd.s32 $0x6600, s0;
	[dreg:$0x6] =	wrdreg s21;
	s8 =	sor.u32 s7, s8  }
0xb: {  	s7 =	ssub.s32 $0x2, s7;
	s21 =	simm.s32 $0xC300;
	s22 =	sshll.u32 s8, $0x2  }
0xc: {  	s10 =	sshll.u32 s8, $0x6;
	s11 =	sshrl.u32 s7, $0x1;
	s12 =	sadd.s32 s22, s0  }
0xd: {  	s0 =	sadd.s32 s10, s0;
	s23 =	ssub.s32 s7, s11;
	s2 =	sadd.s32 s2, s22  }
0xe: {  	s7 =	sshll.u32 s8, $0x5;
	s24 =	sadd.s32 s5, s22;
	[dreg:$0x7] =	wrdreg s2  }
0xf: {  	s25 =	sadd.s32 s6, s22;
	s22 =	simm.s32 $0xC380;
	[dreg:$0x8] =	wrdreg s24  }
.Ltmp0:
0x10: {  	[dreg:$0x9] =	wrdreg s25;
	s26 =	sadd.s32 $0xA400, s12;
	(pc) =	sbr.rel .LBB2_1-.Ltmp0, $4  }
0x11: {  	s28 =	sadd.s32 $0xA600, s12;
	s30 =	sadd.s32 $0x9C00, s0;
	[dreg:$0xa] =	wrdreg s26  }
0x12: {  	s31 =	sadd.s32 $0x9C10, s0;
	s15 =	sadd.s32 $0x9C20, s0;
	[dreg:$0xb] =	wrdreg s28  }
0x13: {  	s16 =	sadd.s32 $0x9C30, s0;
	s17 =	smax.u32 s23, $0x1;
	[dreg:$0xc] =	wrdreg s30  }
0x14: {  	v0 =	vlaneseq.u32;
	s23 =	simm.s32 $0xC400;
	s24 =	simm.s32 $0xC480;
	[dreg:$0xd] =	wrdreg s31  }
.LBB2_22:
0x15: {  	s0 =	rddreg [dreg:$0x7]  }
0x16: {  	[hbm4b:s0+s1] =	stream.linear.scatter [tilespmem:s20], [sflag:$0x2], $0x20, $0x38;
	[tilespmem:$0xD780] =	vst v63  }
0x17: {  	_ =	swait.ge [sflag:s19], $0x20  }
0x18: {  	[sflag:s19] =	ssyncset.done $0x0  }
0x19: {  	s6 =	rddreg [dreg:$0x8];
	[sflag:s19] =	ssyncadd.s32 $0xFFFFFFE0  }
0x1a: {  	[hbm4b:s6+s1] =	stream.linear.scatter [tilespmem:s21], [sflag:$0x2], $0x20, $0x38;
	[tilespmem:$0xD780] =	vst v63  }
0x1b: {  	_ =	swait.ge [sflag:s19], $0x20  }
0x1c: {  	[sflag:s19] =	ssyncset.done $0x0  }
0x1d: {  	s8 =	rddreg [dreg:$0x9];
	[sflag:s19] =	ssyncadd.s32 $0xFFFFFFE0  }
0x1e: {  	[hbm4b:s8+s1] =	stream.linear.scatter [tilespmem:s22], [sflag:$0x2], $0x20, $0x38;
	[tilespmem:$0xD780] =	vst v63  }
0x1f: {  	_ =	swait.ge [sflag:s19], $0x20  }
0x20: {  	[sflag:s19] =	ssyncset.done $0x0  }
0x21: {  	s9 =	rddreg [dreg:$0xa];
	[sflag:s19] =	ssyncadd.s32 $0xFFFFFFE0  }
0x22: {  	[hbm4b:s9+s1] =	stream.linear.scatter [tilespmem:s23], [sflag:$0x2], $0x20, $0x38;
	[tilespmem:$0xD780] =	vst v63  }
0x23: {  	_ =	swait.ge [sflag:s19], $0x20  }
0x24: {  	[sflag:s19] =	ssyncset.done $0x0  }
0x25: {  	s10 =	rddreg [dreg:$0xb];
	[sflag:s19] =	ssyncadd.s32 $0xFFFFFFE0  }
0x26: {  	[hbm4b:s10+s1] =	stream.linear.scatter [tilespmem:s24], [sflag:$0x2], $0x20, $0x38;
	[tilespmem:$0xD780] =	vst v63  }
0x27: {  	_ =	swait.ge [sflag:s19], $0x20  }
0x28: {  	[sflag:s19] =	ssyncset.done $0x0  }
0x29: {  	[sflag:s19] =	ssyncadd.s32 $0xFFFFFFE0  }
0x2a: {  	v1 =	vld [tilespmem:$0xC480]  }
0x2b: {  	v2 =	vld [tilespmem:$0xC490];
	_ =	sdelay $0x3  }
0x2c: {  	v3 =	vshrl.u32 v1, $0x3  }
0x2d: {  	s2 =	simm.s32 $0x20;
	[tilespmem:$0xC500] =	vst v3;
	v3 =	vshrl.u32 v2, $0x3  }
0x2e: {  	s5 =	simm.s32 $0xC500;
	s6 =	simm.s32 $0xC580;
	s11 =	rddreg [dreg:$0x5];
	[tilespmem:$0xC510] =	vst v3  }
0x2f: {  	[tilespmem:s6], [sflag:$0x1] =	stream.indirect.gather [hbm4b:s11+s2], $0x80, s5, s2, $0xb8;
	[tilespmem:$0xD780] =	vst v63  }
0x30: {  	v1 =	vshll.u32 v1, $0x4;
	_ =	swait.ge [sflag:s29], $0x1000  }
0x31: {  	(v2sf) =	vpush v1, $0x0;
	_ =	sdelay $0x5  }
0x32: {  	(v2sf) =	vpush v1, $0x1;
	_ =	sdelay $0x5  }
0x33: {  	(v2sf) =	vpush v1, $0x2;
	_ =	sdelay $0x2  }
0x34: {  	[sflag:s29] =	ssyncset.done $0x0;
	s12 =	spop (v2sf)  }
0x35: {  	[sflag:s29] =	ssyncadd.s32 $0xFFFFF000;
	s0 =	sand.u32 $0x70, s12  }
0x36: {  	v3 =	vld [tilespmem:s0+$0xC580]  }
0x37: {  	(v2sf) =	vpush v1, $0x3;
	_ =	sdelay $0x2  }
0x38: {  	s13 =	spop (v2sf)  }
0x39: {  	s0 =	sand.u32 $0x70, s13;
	[tilespmem:$0xD580] =	vst v3  }
0x3a: {  	v3 =	vld [tilespmem:s0+$0xC600]  }
0x3b: {  	(v2sf) =	vpush v1, $0x4;
	_ =	sdelay $0x2  }
0x3c: {  	s14 =	spop (v2sf)  }
0x3d: {  	s0 =	sand.u32 $0x70, s14;
	[tilespmem:$0xD590] =	vst v3  }
0x3e: {  	v3 =	vld [tilespmem:s0+$0xC680]  }
0x3f: {  	(v2sf) =	vpush v1, $0x5;
	_ =	sdelay $0x2  }
0x40: {  	s25 =	spop (v2sf)  }
0x41: {  	s0 =	sand.u32 $0x70, s25;
	[tilespmem:$0xD5A0] =	vst v3  }
0x42: {  	v3 =	vld [tilespmem:s0+$0xC700]  }
0x43: {  	(v2sf) =	vpush v1, $0x6;
	_ =	sdelay $0x2  }
0x44: {  	s26 =	spop (v2sf)  }
0x45: {  	s0 =	sand.u32 $0x70, s26;
	[tilespmem:$0xD5B0] =	vst v3  }
0x46: {  	v3 =	vld [tilespmem:s0+$0xC780]  }
0x47: {  	(v2sf) =	vpush v1, $0x7;
	_ =	sdelay $0x2  }
0x48: {  	s28 =	spop (v2sf)  }
0x49: {  	s0 =	sand.u32 $0x70, s28;
	[tilespmem:$0xD5C0] =	vst v3  }
0x4a: {  	v3 =	vld [tilespmem:s0+$0xC800]  }
0x4b: {  	(v2sf) =	vpush v1, $0x8;
	_ =	sdelay $0x2  }
0x4c: {  	s30 =	spop (v2sf)  }
0x4d: {  	s0 =	sand.u32 $0x70, s30;
	[tilespmem:$0xD5D0] =	vst v3  }
0x4e: {  	v3 =	vld [tilespmem:s0+$0xC880]  }
0x4f: {  	(v2sf) =	vpush v1, $0x9;
	_ =	sdelay $0x2  }
0x50: {  	s31 =	spop (v2sf)  }
0x51: {  	s0 =	sand.u32 $0x70, s31;
	[tilespmem:$0xD5E0] =	vst v3  }
0x52: {  	v3 =	vld [tilespmem:s0+$0xC900]  }
0x53: {  	(v2sf) =	vpush v1, $0xA;
	_ =	sdelay $0x2  }
0x54: {  	s2 =	spop (v2sf)  }
0x55: {  	s0 =	sand.u32 $0x70, s2;
	[tilespmem:$0xD5F0] =	vst v3  }
0x56: {  	v3 =	vld [tilespmem:s0+$0xC980]  }
0x57: {  	(v2sf) =	vpush v1, $0xB;
	_ =	sdelay $0x2  }
0x58: {  	s5 =	spop (v2sf)  }
0x59: {  	s0 =	sand.u32 $0x70, s5;
	[tilespmem:$0xD600] =	vst v3  }
0x5a: {  	v3 =	vld [tilespmem:s0+$0xCA00]  }
0x5b: {  	(v2sf) =	vpush v1, $0xC;
	_ =	sdelay $0x2  }
0x5c: {  	s6 =	spop (v2sf)  }
0x5d: {  	s0 =	sand.u32 $0x70, s6;
	[tilespmem:$0xD610] =	vst v3  }
0x5e: {  	v3 =	vld [tilespmem:s0+$0xCA80]  }
0x5f: {  	(v2sf) =	vpush v1, $0xD;
	_ =	sdelay $0x2  }
0x60: {  	s8 =	spop (v2sf)  }
0x61: {  	s0 =	sand.u32 $0x70, s8;
	[tilespmem:$0xD620] =	vst v3  }
0x62: {  	v3 =	vld [tilespmem:s0+$0xCB00]  }
0x63: {  	(v2sf) =	vpush v1, $0xE;
	_ =	sdelay $0x2  }
0x64: {  	s9 =	spop (v2sf)  }
0x65: {  	s0 =	sand.u32 $0x70, s9;
	[tilespmem:$0xD630] =	vst v3  }
0x66: {  	v3 =	vld [tilespmem:s0+$0xCB80]  }
0x67: {  	(v2sf) =	vpush v1, $0xF;
	_ =	sdelay $0x2  }
0x68: {  	s10 =	spop (v2sf)  }
0x69: {  	s0 =	sand.u32 $0x70, s10;
	[tilespmem:$0xD640] =	vst v3  }
0x6a: {  	v2 =	vshll.u32 v2, $0x4;
	v1 =	vld [tilespmem:s0+$0xCC00]  }
0x6b: {  	(v2sf) =	vpush v2, $0x0;
	_ =	sdelay $0x2  }
0x6c: {  	s11 =	spop (v2sf)  }
0x6d: {  	s0 =	sand.u32 $0x70, s11;
	[tilespmem:$0xD650] =	vst v1  }
0x6e: {  	v1 =	vld [tilespmem:s0+$0xCC80]  }
0x6f: {  	(v2sf) =	vpush v2, $0x1;
	_ =	sdelay $0x2  }
0x70: {  	s12 =	spop (v2sf)  }
0x71: {  	s0 =	sand.u32 $0x70, s12;
	[tilespmem:$0xD660] =	vst v1  }
0x72: {  	v1 =	vld [tilespmem:s0+$0xCD00]  }
0x73: {  	(v2sf) =	vpush v2, $0x2;
	_ =	sdelay $0x2  }
0x74: {  	s13 =	spop (v2sf)  }
0x75: {  	s0 =	sand.u32 $0x70, s13;
	[tilespmem:$0xD670] =	vst v1  }
0x76: {  	v1 =	vld [tilespmem:s0+$0xCD80]  }
0x77: {  	(v2sf) =	vpush v2, $0x3;
	_ =	sdelay $0x2  }
0x78: {  	s14 =	spop (v2sf)  }
0x79: {  	s0 =	sand.u32 $0x70, s14;
	[tilespmem:$0xD680] =	vst v1  }
0x7a: {  	v1 =	vld [tilespmem:s0+$0xCE00]  }
0x7b: {  	(v2sf) =	vpush v2, $0x4;
	_ =	sdelay $0x2  }
0x7c: {  	s25 =	spop (v2sf)  }
0x7d: {  	s0 =	sand.u32 $0x70, s25;
	[tilespmem:$0xD690] =	vst v1  }
0x7e: {  	v1 =	vld [tilespmem:s0+$0xCE80]  }
0x7f: {  	(v2sf) =	vpush v2, $0x5;
	_ =	sdelay $0x2  }
0x80: {  	s26 =	spop (v2sf)  }
0x81: {  	s0 =	sand.u32 $0x70, s26;
	[tilespmem:$0xD6A0] =	vst v1  }
0x82: {  	v1 =	vld [tilespmem:s0+$0xCF00]  }
0x83: {  	(v2sf) =	vpush v2, $0x6;
	_ =	sdelay $0x2  }
0x84: {  	s28 =	spop (v2sf)  }
0x85: {  	s0 =	sand.u32 $0x70, s28;
	[tilespmem:$0xD6B0] =	vst v1  }
0x86: {  	v1 =	vld [tilespmem:s0+$0xCF80]  }
0x87: {  	(v2sf) =	vpush v2, $0x7;
	_ =	sdelay $0x2  }
0x88: {  	s30 =	spop (v2sf)  }
0x89: {  	s0 =	sand.u32 $0x70, s30;
	[tilespmem:$0xD6C0] =	vst v1  }
0x8a: {  	v1 =	vld [tilespmem:s0+$0xD000]  }
0x8b: {  	(v2sf) =	vpush v2, $0x8;
	_ =	sdelay $0x2  }
0x8c: {  	s31 =	spop (v2sf)  }
0x8d: {  	s0 =	sand.u32 $0x70, s31;
	[tilespmem:$0xD6D0] =	vst v1  }
0x8e: {  	v1 =	vld [tilespmem:s0+$0xD080]  }
0x8f: {  	(v2sf) =	vpush v2, $0x9;
	_ =	sdelay $0x2  }
0x90: {  	s2 =	spop (v2sf)  }
0x91: {  	s0 =	sand.u32 $0x70, s2;
	[tilespmem:$0xD6E0] =	vst v1  }
0x92: {  	v1 =	vld [tilespmem:s0+$0xD100]  }
0x93: {  	(v2sf) =	vpush v2, $0xA;
	_ =	sdelay $0x2  }
0x94: {  	s5 =	spop (v2sf)  }
0x95: {  	s0 =	sand.u32 $0x70, s5;
	[tilespmem:$0xD6F0] =	vst v1  }
0x96: {  	v1 =	vld [tilespmem:s0+$0xD180]  }
0x97: {  	(v2sf) =	vpush v2, $0xB;
	_ =	sdelay $0x2  }
0x98: {  	s6 =	spop (v2sf)  }
0x99: {  	s0 =	sand.u32 $0x70, s6;
	[tilespmem:$0xD700] =	vst v1  }
0x9a: {  	v1 =	vld [tilespmem:s0+$0xD200]  }
0x9b: {  	(v2sf) =	vpush v2, $0xC;
	_ =	sdelay $0x2  }
0x9c: {  	s8 =	spop (v2sf)  }
0x9d: {  	s0 =	sand.u32 $0x70, s8;
	[tilespmem:$0xD710] =	vst v1  }
0x9e: {  	v1 =	vld [tilespmem:s0+$0xD280]  }
0x9f: {  	(v2sf) =	vpush v2, $0xD;
	_ =	sdelay $0x2  }
0xa0: {  	s9 =	spop (v2sf)  }
0xa1: {  	s0 =	sand.u32 $0x70, s9;
	[tilespmem:$0xD720] =	vst v1  }
0xa2: {  	v1 =	vld [tilespmem:s0+$0xD300]  }
0xa3: {  	(v2sf) =	vpush v2, $0xE;
	_ =	sdelay $0x2  }
0xa4: {  	s10 =	spop (v2sf)  }
0xa5: {  	s0 =	sand.u32 $0x70, s10;
	[tilespmem:$0xD730] =	vst v1  }
0xa6: {  	v1 =	vld [tilespmem:s0+$0xD380]  }
0xa7: {  	(v2sf) =	vpush v2, $0xF;
	_ =	sdelay $0x2  }
0xa8: {  	s11 =	spop (v2sf)  }
0xa9: {  	s0 =	sand.u32 $0x70, s11;
	[tilespmem:$0xD740] =	vst v1  }
0xaa: {  	v1 =	vld [tilespmem:s0+$0xD400];
	_ =	sdelay $0x3  }
0xab: {  	s12 =	spop (v2sf)  }
0xac: {  	s0 =	sand.u32 $0x70, s12;
	[tilespmem:$0xD750] =	vst v1  }
0xad: {  	v1 =	vld [tilespmem:s0+$0xD480];
	_ =	sdelay $0x3  }
0xae: {  	s13 =	spop (v2sf)  }
0xaf: {  	s0 =	sand.u32 $0x70, s13;
	[tilespmem:$0xD760] =	vst v1  }
0xb0: {  	v1 =	vld [tilespmem:s0+$0xD500];
	_ =	sdelay $0x4  }
0xb1: {  	s14 =	rddreg [dreg:$0xc];
	s25 =	simm.s32 $0xD580;
	[tilespmem:$0xD770] =	vst v1  }
0xb2: {  	[hbm4b:s14+s1] =	stream.linear.scatter [tilespmem:s25], [sflag:$0x2], $0x80, $0x38;
	[tilespmem:$0xD780] =	vst v63  }
0xb3: {  	_ =	swait.ge [sflag:s19], $0x80  }
0xb4: {  	[sflag:s19] =	ssyncset.done $0x0  }
0xb5: {  	s28 =	simm.s32 $0xD600;
	s26 =	rddreg [dreg:$0xd];
	[sflag:s19] =	ssyncadd.s32 $0xFFFFFF80  }
0xb6: {  	[hbm4b:s26+s1] =	stream.linear.scatter [tilespmem:s28], [sflag:$0x2], $0x80, $0x38;
	[tilespmem:$0xD780] =	vst v63  }
0xb7: {  	_ =	swait.ge [sflag:s19], $0x80  }
0xb8: {  	[sflag:s19] =	ssyncset.done $0x0  }
0xb9: {  	s30 =	simm.s32 $0xD680;
	[sflag:s19] =	ssyncadd.s32 $0xFFFFFF80  }
0xba: {  	[hbm4b:s15+s1] =	stream.linear.scatter [tilespmem:s30], [sflag:$0x2], $0x80, $0x38;
	[tilespmem:$0xD780] =	vst v63  }
0xbb: {  	s18 =	sadd.s32 $0x1, s18;
	_ =	swait.ge [sflag:s19], $0x80  }
0xbc: {  	p0 =	sne.s32 s18, s17;
	[sflag:s19] =	ssyncset.done $0x0  }
.Ltmp1:
0xbd: {  	s31 =	simm.s32 $0xD700;
	[sflag:s19] =	ssyncadd.s32 $0xFFFFFF80;
	(pc) =	sbr.rel @!p0 .LBB2_23-.Ltmp1, $4  }
0xbe: {  	[hbm4b:s16+s1] =	stream.linear.scatter [tilespmem:s31], [sflag:$0x2], $0x80, $0x38;
	[tilespmem:$0xD780] =	vst v63  }
0xbf: {  	_ =	swait.ge [sflag:s19], $0x80  }
0xc0: {  	[sflag:s19] =	ssyncset.done $0x0  }
0xc1: {  	[sflag:s19] =	ssyncadd.s32 $0xFFFFFF80  }
.LBB2_1:
0xc2: {  	s0 =	rddreg [dreg:$0x6];
	s2 =	simm.s32 $0x4000  }
0xc3: {  	[tilespmem:s2], [sflag:$0x2] =	stream.linear.gather [hbm4b:s0+s1], $0x8200, $0x38;
	[tilespmem:$0xD780] =	vst v63  }
0xc4: {  	_ =	swait.ge [sflag:s19], $0x8200  }
0xc5: {  	[sflag:s19] =	ssyncset.done $0x0  }
0xc6: {  	[sflag:s19] =	ssyncadd.s32 $0xFFFF7E00  }
0xc7: {  	v1 =	vld [tilespmem:s7+$0x4000]  }
0xc8: {  	v2 =	vld [tilespmem:s7+$0x4410];
	_ =	sdelay $0x1  }
0xc9: {  	v3 =	vld [tilespmem:s7+$0x4820];
	_ =	sdelay $0x1  }
0xca: {  	v4 =	vld [tilespmem:s7+$0x4C30]  }
0xcb: {  	vm0 =	vgt.s32 v1, v2  }
0xcc: {  	v1 =	vsel vm0, v1, v2;
	v2 =	vld [tilespmem:s7+$0x5040]  }
0xcd: {  	vm0 =	vgt.s32 v1, v3  }
0xce: {  	v1 =	vsel vm0, v1, v3;
	v3 =	vld [tilespmem:s7+$0x5450]  }
0xcf: {  	vm0 =	vgt.s32 v1, v4  }
0xd0: {  	v35 =	vld [tilespmem:s7+$0x5860];
	v1 =	vsel vm0, v1, v4  }
0xd1: {  	vm0 =	vgt.s32 v1, v2  }
0xd2: {  	v1 =	vsel vm0, v1, v2;
	v2 =	vld [tilespmem:s7+$0x5C70]  }
0xd3: {  	vm0 =	vgt.s32 v1, v3  }
0xd4: {  	v1 =	vsel vm0, v1, v3;
	v3 =	vld [tilespmem:s7+$0x6080]  }
0xd5: {  	vm0 =	vgt.s32 v1, v35  }
0xd6: {  	v36 =	vld [tilespmem:s7+$0x6490];
	v1 =	vsel vm0, v1, v35  }
0xd7: {  	vm0 =	vgt.s32 v1, v2  }
0xd8: {  	v1 =	vsel vm0, v1, v2;
	v2 =	vld [tilespmem:s7+$0x68A0]  }
0xd9: {  	vm0 =	vgt.s32 v1, v3  }
0xda: {  	v1 =	vsel vm0, v1, v3;
	v3 =	vld [tilespmem:s7+$0x6CB0]  }
0xdb: {  	vm0 =	vgt.s32 v1, v36  }
0xdc: {  	v37 =	vld [tilespmem:s7+$0x70C0];
	v1 =	vsel vm0, v1, v36  }
0xdd: {  	vm0 =	vgt.s32 v1, v2  }
0xde: {  	v1 =	vsel vm0, v1, v2;
	v2 =	vld [tilespmem:s7+$0x74D0]  }
0xdf: {  	vm0 =	vgt.s32 v1, v3  }
0xe0: {  	v1 =	vsel vm0, v1, v3;
	v3 =	vld [tilespmem:s7+$0x78E0]  }
0xe1: {  	vm0 =	vgt.s32 v1, v37  }
0xe2: {  	v38 =	vld [tilespmem:s7+$0x7CF0];
	v1 =	vsel vm0, v1, v37  }
0xe3: {  	vm0 =	vgt.s32 v1, v2  }
0xe4: {  	v1 =	vsel vm0, v1, v2;
	v2 =	vld [tilespmem:s7+$0x8100]  }
0xe5: {  	vm0 =	vgt.s32 v1, v3  }
0xe6: {  	v1 =	vsel vm0, v1, v3;
	v3 =	vld [tilespmem:s7+$0x8510]  }
0xe7: {  	vm0 =	vgt.s32 v1, v38  }
0xe8: {  	v39 =	vld [tilespmem:s7+$0x8920];
	v1 =	vsel vm0, v1, v38  }
0xe9: {  	vm0 =	vgt.s32 v1, v2  }
0xea: {  	v1 =	vsel vm0, v1, v2;
	v2 =	vld [tilespmem:s7+$0x8D30]  }
0xeb: {  	vm0 =	vgt.s32 v1, v3  }
0xec: {  	v1 =	vsel vm0, v1, v3;
	v3 =	vld [tilespmem:s7+$0x9140]  }
0xed: {  	vm0 =	vgt.s32 v1, v39  }
0xee: {  	v40 =	vld [tilespmem:s7+$0x9550];
	v1 =	vsel vm0, v1, v39  }
0xef: {  	vm0 =	vgt.s32 v1, v2  }
0xf0: {  	v1 =	vsel vm0, v1, v2;
	v2 =	vld [tilespmem:s7+$0x9960]  }
0xf1: {  	vm0 =	vgt.s32 v1, v3  }
0xf2: {  	v1 =	vsel vm0, v1, v3;
	v3 =	vld [tilespmem:s7+$0x9D70]  }
0xf3: {  	vm0 =	vgt.s32 v1, v40  }
0xf4: {  	v41 =	vld [tilespmem:s7+$0xA180];
	v1 =	vsel vm0, v1, v40  }
0xf5: {  	vm0 =	vgt.s32 v1, v2  }
0xf6: {  	v1 =	vsel vm0, v1, v2;
	v2 =	vld [tilespmem:s7+$0xA590]  }
0xf7: {  	vm0 =	vgt.s32 v1, v3  }
0xf8: {  	v1 =	vsel vm0, v1, v3;
	v3 =	vld [tilespmem:s7+$0xA9A0]  }
0xf9: {  	vm0 =	vgt.s32 v1, v41  }
0xfa: {  	v42 =	vld [tilespmem:s7+$0xADB0];
	v1 =	vsel vm0, v1, v41  }
0xfb: {  	vm0 =	vgt.s32 v1, v2  }
0xfc: {  	v1 =	vsel vm0, v1, v2;
	v2 =	vld [tilespmem:s7+$0xB1C0]  }
0xfd: {  	vm0 =	vgt.s32 v1, v3  }
0xfe: {  	v1 =	vsel vm0, v1, v3;
	v3 =	vld [tilespmem:s7+$0xB5D0]  }
0xff: {  	vm0 =	vgt.s32 v1, v42  }
0x100: {  	v43 =	vld [tilespmem:s7+$0xB9E0];
	v1 =	vsel vm0, v1, v42  }
0x101: {  	vm0 =	vgt.s32 v1, v2  }
0x102: {  	v1 =	vsel vm0, v1, v2;
	v2 =	vld [tilespmem:s7+$0xBDF0]  }
0x103: {  	vm0 =	vgt.s32 v1, v3  }
0x104: {  	v1 =	vsel vm0, v1, v3  }
0x105: {  	vm0 =	vgt.s32 v1, v43  }
0x106: {  	v1 =	vsel vm0, v1, v43  }
0x107: {  	vm0 =	vgt.s32 v1, v2  }
0x108: {  	v1 =	vsel vm0, v1, v2  }
0x109: {  	v2 =	vshra.s32 v1, $0x1F  }
0x10a: {  	v1 =	vor.u32 v2, v1  }
0x10b: {  	[tilespmem:$0xC200] =	vst v1  }
0x10c: {  	v1 =	vld [tilespmem:s7+$0x4010]  }
0x10d: {  	v2 =	vld [tilespmem:s7+$0x4420];
	_ =	sdelay $0x1  }
0x10e: {  	v3 =	vld [tilespmem:s7+$0x4830];
	_ =	sdelay $0x1  }
0x10f: {  	v44 =	vld [tilespmem:s7+$0x4C40]  }
0x110: {  	vm14 =	vgt.s32 v1, v2  }
0x111: {  	v1 =	vsel vm14, v1, v2;
	v2 =	vld [tilespmem:s7+$0x5050]  }
0x112: {  	vm0 =	vgt.s32 v1, v3  }
0x113: {  	v1 =	vsel vm0, v1, v3;
	v3 =	vld [tilespmem:s7+$0x5460]  }
0x114: {  	vm0 =	vgt.s32 v1, v44  }
0x115: {  	v45 =	vld [tilespmem:s7+$0x5870];
	v1 =	vsel vm0, v1, v44  }
0x116: {  	vm0 =	vgt.s32 v1, v2  }
0x117: {  	v1 =	vsel vm0, v1, v2;
	v2 =	vld [tilespmem:s7+$0x5C80]  }
0x118: {  	vm0 =	vgt.s32 v1, v3  }
0x119: {  	v1 =	vsel vm0, v1, v3;
	v3 =	vld [tilespmem:s7+$0x6090]  }
0x11a: {  	vm0 =	vgt.s32 v1, v45  }
0x11b: {  	v46 =	vld [tilespmem:s7+$0x64A0];
	v1 =	vsel vm0, v1, v45  }
0x11c: {  	vm0 =	vgt.s32 v1, v2  }
0x11d: {  	v1 =	vsel vm0, v1, v2;
	v2 =	vld [tilespmem:s7+$0x68B0]  }
0x11e: {  	vm0 =	vgt.s32 v1, v3  }
0x11f: {  	v1 =	vsel vm0, v1, v3;
	v3 =	vld [tilespmem:s7+$0x6CC0]  }
0x120: {  	vm0 =	vgt.s32 v1, v46  }
0x121: {  	v47 =	vld [tilespmem:s7+$0x70D0];
	v1 =	vsel vm0, v1, v46  }
0x122: {  	vm0 =	vgt.s32 v1, v2  }
0x123: {  	v1 =	vsel vm0, v1, v2;
	v2 =	vld [tilespmem:s7+$0x74E0]  }
0x124: {  	vm0 =	vgt.s32 v1, v3  }
0x125: {  	v1 =	vsel vm0, v1, v3;
	v3 =	vld [tilespmem:s7+$0x78F0]  }
0x126: {  	vm0 =	vgt.s32 v1, v47  }
0x127: {  	v48 =	vld [tilespmem:s7+$0x7D00];
	v1 =	vsel vm0, v1, v47  }
0x128: {  	vm0 =	vgt.s32 v1, v2  }
0x129: {  	v1 =	vsel vm0, v1, v2;
	v2 =	vld [tilespmem:s7+$0x8110]  }
0x12a: {  	vm0 =	vgt.s32 v1, v3  }
0x12b: {  	v1 =	vsel vm0, v1, v3;
	v3 =	vld [tilespmem:s7+$0x8520]  }
0x12c: {  	vm0 =	vgt.s32 v1, v48  }
0x12d: {  	v49 =	vld [tilespmem:s7+$0x8930];
	v1 =	vsel vm0, v1, v48  }
0x12e: {  	vm0 =	vgt.s32 v1, v2  }
0x12f: {  	v1 =	vsel vm0, v1, v2;
	v2 =	vld [tilespmem:s7+$0x8D40]  }
0x130: {  	vm0 =	vgt.s32 v1, v3  }
0x131: {  	v1 =	vsel vm0, v1, v3;
	v3 =	vld [tilespmem:s7+$0x9150]  }
0x132: {  	vm0 =	vgt.s32 v1, v49  }
0x133: {  	v50 =	vld [tilespmem:s7+$0x9560];
	v1 =	vsel vm0, v1, v49  }
0x134: {  	vm0 =	vgt.s32 v1, v2  }
0x135: {  	v1 =	vsel vm0, v1, v2;
	v2 =	vld [tilespmem:s7+$0x9970]  }
0x136: {  	vm0 =	vgt.s32 v1, v3  }
0x137: {  	v1 =	vsel vm0, v1, v3;
	v3 =	vld [tilespmem:s7+$0x9D80]  }
0x138: {  	vm0 =	vgt.s32 v1, v50  }
0x139: {  	v51 =	vld [tilespmem:s7+$0xA190];
	v1 =	vsel vm0, v1, v50  }
0x13a: {  	vm0 =	vgt.s32 v1, v2  }
0x13b: {  	v1 =	vsel vm0, v1, v2;
	v2 =	vld [tilespmem:s7+$0xA5A0]  }
0x13c: {  	vm0 =	vgt.s32 v1, v3  }
0x13d: {  	v1 =	vsel vm0, v1, v3;
	v3 =	vld [tilespmem:s7+$0xA9B0]  }
0x13e: {  	vm0 =	vgt.s32 v1, v51  }
0x13f: {  	v52 =	vld [tilespmem:s7+$0xADC0];
	v1 =	vsel vm0, v1, v51  }
0x140: {  	vm0 =	vgt.s32 v1, v2  }
0x141: {  	v1 =	vsel vm0, v1, v2;
	v2 =	vld [tilespmem:s7+$0xB1D0]  }
0x142: {  	vm0 =	vgt.s32 v1, v3  }
0x143: {  	v1 =	vsel vm0, v1, v3;
	v3 =	vld [tilespmem:s7+$0xB5E0]  }
0x144: {  	vm0 =	vgt.s32 v1, v52  }
0x145: {  	v53 =	vld [tilespmem:s7+$0xB9F0];
	v1 =	vsel vm0, v1, v52  }
0x146: {  	vm0 =	vgt.s32 v1, v2  }
0x147: {  	v1 =	vsel vm0, v1, v2;
	v2 =	vld [tilespmem:s7+$0xBE00]  }
0x148: {  	vm0 =	vgt.s32 v1, v3  }
0x149: {  	v1 =	vsel vm0, v1, v3  }
0x14a: {  	vm0 =	vgt.s32 v1, v53  }
0x14b: {  	v1 =	vsel vm0, v1, v53  }
0x14c: {  	vm0 =	vgt.s32 v1, v2  }
0x14d: {  	v1 =	vsel vm0, v1, v2  }
0x14e: {  	v2 =	vshra.s32 v1, $0x1F  }
0x14f: {  	v1 =	vor.u32 v2, v1  }
0x150: {  	[tilespmem:$0xC210] =	vst v1  }
0x151: {  	v1 =	vld [tilespmem:s7+$0x4020]  }
0x152: {  	v2 =	vld [tilespmem:s7+$0x4430];
	_ =	sdelay $0x1  }
0x153: {  	v3 =	vld [tilespmem:s7+$0x4840];
	_ =	sdelay $0x1  }
0x154: {  	v54 =	vld [tilespmem:s7+$0x4C50]  }
0x155: {  	vm15 =	vgt.s32 v1, v2  }
0x156: {  	v1 =	vsel vm15, v1, v2;
	v2 =	vld [tilespmem:s7+$0x5060]  }
0x157: {  	vm0 =	vgt.s32 v1, v3  }
0x158: {  	v1 =	vsel vm0, v1, v3;
	v3 =	vld [tilespmem:s7+$0x5470]  }
0x159: {  	vm0 =	vgt.s32 v1, v54  }
0x15a: {  	v55 =	vld [tilespmem:s7+$0x5880];
	v1 =	vsel vm0, v1, v54  }
0x15b: {  	vm0 =	vgt.s32 v1, v2  }
0x15c: {  	v1 =	vsel vm0, v1, v2;
	v2 =	vld [tilespmem:s7+$0x5C90]  }
0x15d: {  	vm0 =	vgt.s32 v1, v3  }
0x15e: {  	v1 =	vsel vm0, v1, v3;
	v3 =	vld [tilespmem:s7+$0x60A0]  }
0x15f: {  	vm0 =	vgt.s32 v1, v55  }
0x160: {  	v56 =	vld [tilespmem:s7+$0x64B0];
	v1 =	vsel vm0, v1, v55  }
0x161: {  	vm0 =	vgt.s32 v1, v2  }
0x162: {  	v1 =	vsel vm0, v1, v2;
	v2 =	vld [tilespmem:s7+$0x68C0]  }
0x163: {  	vm0 =	vgt.s32 v1, v3  }
0x164: {  	v1 =	vsel vm0, v1, v3;
	v3 =	vld [tilespmem:s7+$0x6CD0]  }
0x165: {  	vm0 =	vgt.s32 v1, v56  }
0x166: {  	v57 =	vld [tilespmem:s7+$0x70E0];
	v1 =	vsel vm0, v1, v56  }
0x167: {  	vm0 =	vgt.s32 v1, v2  }
0x168: {  	v1 =	vsel vm0, v1, v2;
	v2 =	vld [tilespmem:s7+$0x74F0]  }
0x169: {  	vm0 =	vgt.s32 v1, v3  }
0x16a: {  	v1 =	vsel vm0, v1, v3;
	v3 =	vld [tilespmem:s7+$0x7900]  }
0x16b: {  	vm0 =	vgt.s32 v1, v57  }
0x16c: {  	v58 =	vld [tilespmem:s7+$0x7D10];
	v1 =	vsel vm0, v1, v57  }
0x16d: {  	vm0 =	vgt.s32 v1, v2  }
0x16e: {  	v1 =	vsel vm0, v1, v2;
	v2 =	vld [tilespmem:s7+$0x8120]  }
0x16f: {  	vm0 =	vgt.s32 v1, v3  }
0x170: {  	v1 =	vsel vm0, v1, v3;
	v3 =	vld [tilespmem:s7+$0x8530]  }
0x171: {  	vm0 =	vgt.s32 v1, v58  }
0x172: {  	v59 =	vld [tilespmem:s7+$0x8940];
	v1 =	vsel vm0, v1, v58  }
0x173: {  	vm0 =	vgt.s32 v1, v2  }
0x174: {  	v1 =	vsel vm0, v1, v2;
	v2 =	vld [tilespmem:s7+$0x8D50]  }
0x175: {  	vm0 =	vgt.s32 v1, v3  }
0x176: {  	v1 =	vsel vm0, v1, v3;
	v3 =	vld [tilespmem:s7+$0x9160]  }
0x177: {  	vm0 =	vgt.s32 v1, v59  }
0x178: {  	v60 =	vld [tilespmem:s7+$0x9570];
	v1 =	vsel vm0, v1, v59  }
0x179: {  	vm0 =	vgt.s32 v1, v2  }
0x17a: {  	v1 =	vsel vm0, v1, v2;
	v2 =	vld [tilespmem:s7+$0x9980]  }
0x17b: {  	vm0 =	vgt.s32 v1, v3  }
0x17c: {  	v1 =	vsel vm0, v1, v3;
	v3 =	vld [tilespmem:s7+$0x9D90]  }
0x17d: {  	vm0 =	vgt.s32 v1, v60  }
0x17e: {  	v61 =	vld [tilespmem:s7+$0xA1A0];
	v1 =	vsel vm0, v1, v60  }
0x17f: {  	vm0 =	vgt.s32 v1, v2  }
0x180: {  	v1 =	vsel vm0, v1, v2;
	v2 =	vld [tilespmem:s7+$0xA5B0]  }
0x181: {  	vm0 =	vgt.s32 v1, v3  }
0x182: {  	v1 =	vsel vm0, v1, v3;
	v3 =	vld [tilespmem:s7+$0xA9C0]  }
0x183: {  	vm0 =	vgt.s32 v1, v61  }
0x184: {  	v62 =	vld [tilespmem:s7+$0xADD0];
	v1 =	vsel vm0, v1, v61  }
0x185: {  	vm0 =	vgt.s32 v1, v2  }
0x186: {  	v1 =	vsel vm0, v1, v2;
	v2 =	vld [tilespmem:s7+$0xB1E0]  }
0x187: {  	vm0 =	vgt.s32 v1, v3  }
0x188: {  	v1 =	vsel vm0, v1, v3;
	v3 =	vld [tilespmem:s7+$0xB5F0]  }
0x189: {  	vm0 =	vgt.s32 v1, v62  }
0x18a: {  	v63 =	vld [tilespmem:s7+$0xBA00];
	v1 =	vsel vm0, v1, v62  }
0x18b: {  	vm0 =	vgt.s32 v1, v2  }
0x18c: {  	v1 =	vsel vm0, v1, v2;
	v2 =	vld [tilespmem:s7+$0xBE10]  }
0x18d: {  	vm0 =	vgt.s32 v1, v3  }
0x18e: {  	v1 =	vsel vm0, v1, v3  }
0x18f: {  	vm0 =	vgt.s32 v1, v63  }
0x190: {  	v1 =	vsel vm0, v1, v63  }
.Ltmp2:
0x191: {  	vm0 =	vgt.s32 v1, v2;
	(pc) =	sbr.rel .LBB2_2-.Ltmp2, $4  }
0x192: {  	v1 =	vsel vm0, v1, v2  }
0x193: {  	v2 =	vshra.s32 v1, $0x1F  }
0x194: {  	v1 =	vor.u32 v2, v1  }
0x195: {  	s25 =	simm.s32 $0xC0000000;
	s26 =	simm.s32 $0x0;
	[tilespmem:$0xC220] =	vst v1  }
.LBB2_11:
0x196: {  	v4 =	vimm.f32 $0.0e+00  }
.LBB2_21:
0x197: {  	(xrf2) =	vadd.scan.msk.f32 $0xffff, v3  }
0x198: {  	(xrf2) =	vadd.scan.msk.f32 $0xffff, v4;
	_ =	sdelay $0x5  }
0x199: {  	v3 =	vmov s26;
	_ =	sdelay $0x2  }
0x19a: {  	p0 =	sgt.s32 s0, $0x0;
	s26 =	sadd.s32 $0x1, s26;
	v63, _, _ =	vpop (xrf2)  }
0x19b: {  	s0 =	simm.s32 @!p0 $0x0;
	p0 =	sne.s32 s26, $0x20;
	v4 =	vbroadcast v63, $0xF;
	v5, _, _ =	vpop (xrf2)  }
.Ltmp3:
0x19c: {  	[tilespmem:v3+s20+$0x0] =	vst.idx.msk $0x1, v2;
	v2 =	vbroadcast v5, $0xF;
	(pc) =	sbr.rel @!p0 .LBB2_22-.Ltmp3, $4  }
0x19d: {  	v1 =	vbroadcast v1, $0xF;
	[tilespmem:v3+s21+$0x0] =	vst.idx.msk $0x1, v4  }
0x19e: {  	[tilespmem:v3+s22+$0x0] =	vst.idx.msk $0x1, v2  }
0x19f: {  	[tilespmem:v3+s23+$0x0] =	vst.idx.msk $0x1, v1;
	v1 =	vmov s0  }
0x1a0: {  	[tilespmem:v3+s24+$0x0] =	vst.idx.msk $0x1, v1  }
.LBB2_2:
0x1a1: {  	v1 =	vld [tilespmem:s26+$0xC200];
	_ =	sdelay $0x4  }
0x1a2: {  	(v2sf) =	vpush v1, $0x0;
	_ =	sdelay $0x1  }
0x1a3: {  	(v2sf) =	vpush v1, $0x1;
	_ =	sdelay $0xc  }
0x1a4: {  	s2 =	spop (v2sf)  }
0x1a5: {  	p0 =	sgt.s32 s2, $0x0  }
0x1a6: {  	s0 =	spop (v2sf);
	s2 =	simm.s32 @!p0 $0x0  }
0x1a7: {  	p0 =	sgt.s32 s0, s2;
	s31 =	smov.u32 s2  }
0x1a8: {  	s31 =	smov.u32 @p0 s0;
	p0 =	sle.s32 s0, s2  }
.Ltmp4:
0x1a9: {  	_ = 	snop;
	(pc) =	sbr.rel @p0 .LBB2_3-.Ltmp4, $3  }
0x1aa: {  	_ =	sdelay $0x1  }
0x1ab: {  	s5 =	sshll.u32 s2, $0x2  }
0x1ac: {  	s30 =	sshra.s32 s5, $0x2;
	s28 =	ssub.s32 s31, s2  }
0x1ad: {  	s6 =	sshra.s32 s2, $0x1F  }
0x1ae: {  	s0 =	sadd.s32 $0x10, s2;
	s8 =	sadd.s32 $0x2000, s25;
	p2 =	slt.s32 s2, s25  }
0x1af: {  	s11 =	ssub.s32 s31, s2;
	s5 =	sshra.s32 s5, $0x2;
	s6 =	sshrl.u32 s6, $0x1D  }
0x1b0: {  	p1 =	sgt.s32 s0, s8;
	p3 =	slt.s32 s0, s31;
	s6 =	sadd.s32 s6, s2  }
0x1b1: {  	p1 =	por p2, p1;
	p2 =	por $0x0, $0x0;
	s9 =	sand.u32 $0xFFFFFFF8, s6  }
0x1b2: {  	s8 =	simm.s32 @p1 $0x2;
	s10 =	simm.s32 @p1 $0x0;
	s12 =	sshrl.u32 @p1 s9, $0x3  }
.Ltmp5:
0x1b3: {  	s25 =	smov.u32 @p1 s9;
	s6 =	sadd.s32 @p1 s3, s12;
	(pc) =	sbr.rel @!p3 .LBB2_5-.Ltmp5, $4  }
0x1b4: {  	[tilespmem:s10], [sflag:$0x2] =	stream.linear.gather @p1 [hbm4b:s6+s10], $0x2000, $0x38;
	[tilespmem:$0xD780] =	vst v63  }
0x1b5: {  	s14 =	simm.s32 @p1 $0x2000;
	s9 =	sshll.u32 s25, $0x2;
	_ =	swait.ge @p1 [sflag:s8], $0x2000  }
0x1b6: {  	s13 =	sadd.s32 @p1 s4, s12;
	s9 =	ssub.s32 $0x0, s9;
	[sflag:s8] =	ssyncset.done @p1 $0x0  }
0x1b7: {  	v2 =	vimm.s32 $0xFFFFFFFF;
	v1 =	vimm.f32 $-1.000000000e+09;
	v3 =	vmov s11;
	s6 =	sadd.s32 $0x2000, s5;
	s12 =	sshra.s32 s9, $0x2;
	[sflag:s8] =	ssyncadd.s32 @p1 $0xFFFFE000  }
0x1b8: {  	[tilespmem:s14], [sflag:$0x2] =	stream.linear.gather @p1 [hbm4b:s13+s10], $0x2000, $0x38;
	[tilespmem:$0xD780] =	vst v63  }
0x1b9: {  	s9 =	sadd.s32 $0x10, s0;
	s10 =	sadd.s32 s12, s6;
	_ =	swait.ge @p1 [sflag:s8], $0x2000  }
0x1ba: {  	s13 =	sshra.s32 s0, $0x1F;
	s14 =	sadd.s32 $0x2000, s25;
	[sflag:s8] =	ssyncset.done @p1 $0x0  }
0x1bb: {  	s12 =	sadd.s32 s12, s5;
	p2 =	slt.s32 s0, s25;
	[sflag:s8] =	ssyncadd.s32 @p1 $0xFFFFE000  }
0x1bc: {  	s6 =	sadd.s32 $0x10, s6;
	s11 =	sadd.s32 $0xFFFFFFF0, s11;
	s13 =	sshrl.u32 s13, $0x1D;
	v4 =	vld [tilespmem:s10+$0x0]  }
0x1bd: {  	s5 =	sadd.s32 $0x10, s5;
	p6 =	sgt.s32 s9, s14;
	s14 =	sadd.s32 s13, s0;
	v5 =	vld [tilespmem:s12+$0x0]  }
0x1be: {  	p3 =	slt.s32 s9, s31;
	p1 =	por p2, p6;
	s12 =	sand.u32 $0xFFFFFFF8, s14  }
0x1bf: {  	s8 =	simm.s32 @p1 $0x2;
	s10 =	simm.s32 @p1 $0x0;
	s13 =	sshrl.u32 @p1 s12, $0x3  }
.Ltmp6:
0x1c0: {  	s25 =	smov.u32 @p1 s12;
	s14 =	sadd.s32 @p1 s3, s13;
	(pc) =	sbr.rel @!p3 .LBB2_7-.Ltmp6, $4  }
0x1c1: {  	vm0 =	vgt.s32 v3, v0;
	[tilespmem:s10], [sflag:$0x2] =	stream.linear.gather @p1 [hbm4b:s14+s10], $0x2000, $0x38;
	[tilespmem:$0xD780] =	vst v63  }
0x1c2: {  	v8 =	vadd.s32 s2, v0;
	v6 =	vimm.s32 $0xFFFFFFFF;
	p2 =	por $0x1, $0x1;
	s12 =	sshll.u32 s25, $0x2;
	_ =	swait.ge @p1 [sflag:s8], $0x2000;
	v4 =	vadd.f32 v4, v5  }
0x1c3: {  	v7 =	vimm.f32 $-1.000000000e+09;
	v3 =	vmov s11;
	s13 =	sadd.s32 @p1 s4, s13;
	s12 =	ssub.s32 $0x0, s12;
	[sflag:s8] =	ssyncset.done @p1 $0x0;
	v9 =	vnsel vm0, $0xCE6E6B28, v5  }
0x1c4: {  	s14 =	simm.s32 @p1 $0x2000;
	s12 =	sshra.s32 s12, $0x2;
	v5 =	vimm.f32 $-1.000000000e+09;
	[sflag:s8] =	ssyncadd.s32 @p1 $0xFFFFE000;
	v10 =	vnsel vm0, $0xCE6E6B28, v4;
	v4 =	vimm.f32 $-1.000000000e+09  }
.LBB2_8:
0x1c5: {  	[tilespmem:s14], [sflag:$0x2] =	stream.linear.gather @p1 [hbm4b:s13+s10], $0x2000, $0x38;
	[tilespmem:$0xD780] =	vst v63  }
0x1c6: {  	v4 =	vmax.f32 v4, v9;
	vm0 =	vge.f32 v10, v5;
	s14 =	smov.u32 s0;
	s0 =	smov.u32 s9  }
0x1c7: {  	s9 =	sadd.s32 $0x10, s9;
	s10 =	sadd.s32 $0x2000, s25;
	_ =	swait.ge @p1 [sflag:s8], $0x2000;
	v5 =	vsel vm0, v10, v5;
	v6 =	vsel vm0, v8, v6;
	v7 =	vsel vm0, v9, v7  }
0x1c8: {  	p4 =	sgt.s32 s9, s10;
	s10 =	sadd.s32 s12, s6;
	[sflag:s8] =	ssyncset.done @p1 $0x0  }
0x1c9: {  	s13 =	sshra.s32 s0, $0x1F;
	[sflag:s8] =	ssyncadd.s32 @p1 $0xFFFFE000;
	s8 =	sadd.s32 s12, s5  }
0x1ca: {  	p3 =	slt.s32 s9, s31;
	s12 =	sshrl.u32 s13, $0x1D;
	v8 =	vld [tilespmem:s10+$0x0]  }
0x1cb: {  	s6 =	sadd.s32 $0x10, s6;
	p1 =	slt.s32 s0, s25;
	s10 =	sadd.s32 s12, s0;
	v9 =	vld [tilespmem:s8+$0x0]  }
0x1cc: {  	s5 =	sadd.s32 $0x10, s5;
	p1 =	por p1, p4;
	s8 =	sand.u32 $0xFFFFFFF8, s10  }
0x1cd: {  	s25 =	smov.u32 @p1 s8;
	s12 =	sshrl.u32 @p1 s8, $0x3;
	s8 =	simm.s32 @p1 $0x2  }
.Ltmp7:
0x1ce: {  	s10 =	simm.s32 @p1 $0x0;
	s13 =	sadd.s32 @p1 s3, s12;
	(pc) =	sbr.rel @p3 .LBB2_8-.Ltmp7, $4  }
0x1cf: {  	[tilespmem:s10], [sflag:$0x2] =	stream.linear.gather @p1 [hbm4b:s13+s10], $0x2000, $0x38;
	[tilespmem:$0xD780] =	vst v63  }
0x1d0: {  	vm0 =	vgt.s32 v3, v0;
	s13 =	sadd.s32 @p1 s4, s12;
	s12 =	sshll.u32 s25, $0x2;
	_ =	swait.ge @p1 [sflag:s8], $0x2000;
	v10 =	vadd.f32 v8, v9  }
0x1d1: {  	s11 =	sadd.s32 $0xFFFFFFF0, s11;
	s12 =	ssub.s32 $0x0, s12;
	v8 =	vadd.s32 s14, v0;
	[sflag:s8] =	ssyncset.done @p1 $0x0  }
0x1d2: {  	v3 =	vmov s11;
	s14 =	simm.s32 @p1 $0x2000;
	v9 =	vnsel vm0, $0xCE6E6B28, v9;
	s12 =	sshra.s32 s12, $0x2;
	[sflag:s8] =	ssyncadd.s32 @p1 $0xFFFFE000;
	v10 =	vnsel vm0, $0xCE6E6B28, v10  }
.LBB2_9:
0x1d3: {  	[tilespmem:s14], [sflag:$0x2] =	stream.linear.gather @p1 [hbm4b:s13+s10], $0x2000, $0x38;
	[tilespmem:$0xD780] =	vst v63  }
0x1d4: {  	_ =	swait.ge @p1 [sflag:s8], $0x2000  }
0x1d5: {  	[sflag:s8] =	ssyncset.done @p1 $0x0  }
0x1d6: {  	s6 =	sadd.s32 s12, s6;
	[sflag:s8] =	ssyncadd.s32 @p1 $0xFFFFE000  }
0x1d7: {  	s5 =	sadd.s32 s12, s5;
	v11 =	vld [tilespmem:s6+$0x0]  }
0x1d8: {  	v12 =	vld [tilespmem:s5+$0x0];
	_ =	sdelay $0x2  }
0x1d9: {  	vm0 =	vge.f32 @p2 v10, v5  }
0x1da: {  	v4 =	vmax.f32 @p2 v4, v9;
	vm15 =	vgt.s32 v3, v0;
	v62 =	vadd.s32 s0, v0  }
.Ltmp8:
0x1db: {  	v5 =	vsel @p2 vm0, v10, v5;
	v6 =	vsel @p2 vm0, v8, v6;
	v61 =	vadd.f32 v11, v12;
	(pc) =	sbr.rel .LBB2_10-.Ltmp8, $4  }
0x1dc: {  	v7 =	vsel @p2 vm0, v9, v7;
	v4 =	vpsel p2, v4, v1;
	v5 =	vpsel p2, v5, v1  }
0x1dd: {  	v2 =	vpsel p2, v6, v2;
	v63 =	vnsel vm15, $0xCE6E6B28, v12;
	v3 =	vnsel vm15, $0xCE6E6B28, v61  }
0x1de: {  	v6 =	vpsel p2, v7, v1;
	v4 =	vmax.f32 v4, v63;
	vm0 =	vge.f32 v3, v5  }
0x1df: {  	v3 =	vsel vm0, v3, v5;
	v1 =	vsel vm0, v62, v2;
	v2 =	vsel vm0, v63, v6  }
.LBB2_3:
0x1e0: {  	v1 =	vimm.s32 $0xFFFFFFFF  }
0x1e1: {  	v4 =	vimm.f32 $-1.000000000e+09;
	v3 =	vimm.f32 $-1.000000000e+09;
	v2 =	vimm.f32 $-1.000000000e+09  }
.LBB2_10:
0x1e2: {  	(xrf0) =	vmax.scan.msk.f32 $0xffff, v4  }
0x1e3: {  	(xrf0) =	vmax.scan.msk.f32 $0xffff, v3;
	_ =	sdelay $0x4  }
0x1e4: {  	v4, _, _ =	vpop (xrf0)  }
0x1e5: {  	v5, _, _ =	vpop (xrf0)  }
0x1e6: {  	v5 =	vbroadcast v5, $0xF;
	_ =	sdelay $0x1  }
0x1e7: {  	vm0 =	veq.f32 v3, v5;
	v3 =	vxor.u32 $0x80000000, v1  }
0x1e8: {  	v3 =	vnsel vm0, $0x7FFFFFFF, v3  }
0x1e9: {  	(xrf0) =	vmax.scan.msk.u32 $0xffff, v3;
	_ =	sdelay $0x5  }
0x1ea: {  	v3, _, _ =	vpop (xrf0)  }
0x1eb: {  	(v2sf) =	vpush v3, $0xF;
	_ =	sdelay $0xe  }
0x1ec: {  	s0 =	spop (v2sf)  }
0x1ed: {  	s0 =	sxor.u32 $0x80000000, s0  }
0x1ee: {  	vm15 =	veq.s32 v1, s0  }
0x1ef: {  	v1 =	vnsel vm15, $0xCE6E6B28, v2  }
0x1f0: {  	(xrf0) =	vmax.scan.msk.f32 $0xffff, v1;
	_ =	sdelay $0x1  }
.Ltmp9:
0x1f1: {  	_ = 	snop;
	(pc) =	sbr.rel @p0 .LBB2_11-.Ltmp9, $2  }
0x1f2: {  	_ =	sdelay $0x2  }
0x1f3: {  	v3 =	vimm.f32 $0.0e+00;
	v2 =	vbroadcast v4, $0xF;
	v1, _, _ =	vpop (xrf0)  }
0x1f4: {  	s6 =	sshra.s32 s2, $0x1F;
	s5 =	sadd.s32 $0x10, s2  }
0x1f5: {  	s8 =	sadd.s32 $0x2000, s25;
	p1 =	slt.s32 s2, s25;
	s6 =	sshrl.u32 s6, $0x1D  }
0x1f6: {  	p2 =	por $0x0, $0x0;
	p0 =	sgt.s32 s5, s8;
	s14 =	sadd.s32 s6, s2  }
0x1f7: {  	p3 =	slt.s32 s5, s31;
	p0 =	por p1, p0;
	s8 =	sand.u32 $0xFFFFFFF8, s14  }
0x1f8: {  	s6 =	simm.s32 @p0 $0x0;
	s2 =	simm.s32 @p0 $0x2;
	s9 =	sshrl.u32 @p0 s8, $0x3  }
.Ltmp10:
0x1f9: {  	s25 =	smov.u32 @p0 s8;
	s10 =	sadd.s32 @p0 s3, s9;
	(pc) =	sbr.rel @!p3 .LBB2_13-.Ltmp10, $4  }
0x1fa: {  	[tilespmem:s6], [sflag:$0x2] =	stream.linear.gather @p0 [hbm4b:s10+s6], $0x2000, $0x38;
	[tilespmem:$0xD780] =	vst v63  }
0x1fb: {  	p1 =	por $0x0, $0x0;
	s8 =	sshll.u32 s25, $0x2;
	_ =	swait.ge @p0 [sflag:s2], $0x2000  }
0x1fc: {  	s12 =	simm.s32 @p0 $0x2000;
	s8 =	ssub.s32 $0x0, s8;
	[sflag:s2] =	ssyncset.done @p0 $0x0  }
0x1fd: {  	v3 =	vimm.f32 $0.0e+00;
	s11 =	sadd.s32 @p0 s4, s9;
	s10 =	sshra.s32 s8, $0x2;
	[sflag:s2] =	ssyncadd.s32 @p0 $0xFFFFE000  }
0x1fe: {  	[tilespmem:s12], [sflag:$0x2] =	stream.linear.gather @p0 [hbm4b:s11+s6], $0x2000, $0x38;
	[tilespmem:$0xD780] =	vst v63  }
0x1ff: {  	s9 =	sadd.s32 $0x10, s5;
	_ =	swait.ge @p0 [sflag:s2], $0x2000  }
0x200: {  	s12 =	sadd.s32 $0x2000, s25;
	s8 =	sshra.s32 s5, $0x1F;
	[sflag:s2] =	ssyncset.done @p0 $0x0  }
0x201: {  	s14 =	sadd.s32 s10, s30;
	s13 =	sshrl.u32 s8, $0x1D;
	[sflag:s2] =	ssyncadd.s32 @p0 $0xFFFFE000  }
0x202: {  	p6 =	slt.s32 s5, s25;
	p1 =	sgt.s32 s9, s12;
	s2 =	sadd.s32 s13, s5;
	v4 =	vld [tilespmem:s14+$0x0]  }
0x203: {  	p3 =	slt.s32 s9, s31;
	p0 =	por p6, p1;
	s5 =	sand.u32 $0xFFFFFFF8, s2  }
0x204: {  	s6 =	simm.s32 @p0 $0x0;
	s2 =	simm.s32 @p0 $0x2;
	s8 =	sshrl.u32 @p0 s5, $0x3  }
.Ltmp11:
0x205: {  	s25 =	smov.u32 @p0 s5;
	s10 =	sadd.s32 @p0 s3, s8;
	(pc) =	sbr.rel @!p3 .LBB2_15-.Ltmp11, $4  }
0x206: {  	[tilespmem:s6], [sflag:$0x2] =	stream.linear.gather @p0 [hbm4b:s10+s6], $0x2000, $0x38;
	[tilespmem:$0xD780] =	vst v63  }
0x207: {  	p1 =	por $0x1, $0x1;
	s5 =	sshll.u32 s25, $0x2;
	_ =	swait.ge @p0 [sflag:s2], $0x2000;
	v7 =	vsub.f32 v4, v2  }
0x208: {  	s12 =	simm.s32 @p0 $0x2000;
	s5 =	ssub.s32 $0x0, s5;
	[sflag:s2] =	ssyncset.done @p0 $0x0  }
0x209: {  	v5 =	vmov s28;
	s11 =	sadd.s32 @p0 s4, s8;
	s10 =	sshra.s32 s5, $0x2;
	[sflag:s2] =	ssyncadd.s32 @p0 $0xFFFFE000;
	v9 =	vmul.f32 $1.442695020e+00, v7  }
0x20a: {  	_ = 	snop  }
0x20b: {  	[tilespmem:s12], [sflag:$0x2] =	stream.linear.gather @p0 [hbm4b:s11+s6], $0x2000, $0x38;
	(erf) = vpow2.f32 v9;
	[tilespmem:$0xD780] =	vst v63  }
0x20c: {  	_ =	swait.ge @p0 [sflag:s2], $0x2000  }
0x20d: {  	s8 =	sadd.s32 $0x10, s9;
	s5 =	sadd.s32 $0x10, s30;
	[sflag:s2] =	ssyncset.done @p0 $0x0  }
0x20e: {  	s14 =	sshra.s32 s9, $0x1F;
	s10 =	sadd.s32 s10, s5;
	[sflag:s2] =	ssyncadd.s32 @p0 $0xFFFFE000  }
0x20f: {  	s13 =	sadd.s32 $0x2000, s25;
	p2 =	slt.s32 s9, s25;
	s12 =	sshrl.u32 s14, $0x1D;
	v4 =	vld [tilespmem:s10+$0x0]  }
0x210: {  	p6 =	sgt.s32 s8, s13;
	p3 =	slt.s32 s8, s31;
	s13 =	sadd.s32 s12, s9  }
0x211: {  	s9 =	sand.u32 $0xFFFFFFF8, s13;
	p0 =	por p2, p6;
	p2 =	por $0x1, $0x1  }
0x212: {  	s10 =	sshrl.u32 @p0 s9, $0x3;
	s6 =	simm.s32 @p0 $0x0;
	s2 =	simm.s32 @p0 $0x2  }
.Ltmp12:
0x213: {  	s25 =	smov.u32 @p0 s9;
	s11 =	sadd.s32 @p0 s3, s10;
	(pc) =	sbr.rel @!p3 .LBB2_17-.Ltmp12, $4  }
0x214: {  	[tilespmem:s6], [sflag:$0x2] =	stream.linear.gather @p0 [hbm4b:s11+s6], $0x2000, $0x38;
	v6 =	vpop (erf);
	v8 =	vsub.f32 v4, v2;
	[tilespmem:$0xD780] =	vst v63  }
0x215: {  	vm0 =	vgt.s32 v5, v0;
	s12 =	simm.s32 @p0 $0x2000;
	s9 =	sshll.u32 s25, $0x2;
	_ =	swait.ge @p0 [sflag:s2], $0x2000  }
0x216: {  	s14 =	ssub.s32 $0x0, s9;
	s9 =	sadd.s32 $0xFFFFFFF0, s28;
	v5 =	vnsel vm0, $0x0, v6;
	v6 =	vimm.f32 $0.0e+00;
	[sflag:s2] =	ssyncset.done @p0 $0x0;
	v9 =	vmul.f32 $1.442695020e+00, v8  }
0x217: {  	s11 =	sadd.s32 @p0 s4, s10;
	s10 =	sshra.s32 s14, $0x2;
	v4 =	vadd.f32 v5, v3;
	v10 =	vmul.f32 v5, v7;
	v5 =	vmov s9;
	[sflag:s2] =	ssyncadd.s32 @p0 $0xFFFFE000  }
.LBB2_18:
0x218: {  	[tilespmem:s12], [sflag:$0x2] =	stream.linear.gather @p0 [hbm4b:s11+s6], $0x2000, $0x38;
	[tilespmem:$0xD780] =	vst v63  }
0x219: {  	(erf) = vpow2.f32 v9;
	v6 =	vadd.f32 v10, v6;
	s6 =	smov.u32 s8  }
0x21a: {  	s8 =	sadd.s32 $0x10, s8;
	s11 =	sadd.s32 $0x2000, s25;
	_ =	swait.ge @p0 [sflag:s2], $0x2000  }
0x21b: {  	s5 =	sadd.s32 $0x10, s5;
	p4 =	sgt.s32 s8, s11;
	[sflag:s2] =	ssyncset.done @p0 $0x0  }
0x21c: {  	s11 =	sshra.s32 s6, $0x1F;
	[sflag:s2] =	ssyncadd.s32 @p0 $0xFFFFE000;
	s2 =	sadd.s32 s10, s5  }
0x21d: {  	p3 =	slt.s32 s8, s31;
	s10 =	sshrl.u32 s11, $0x1D;
	v7 =	vld [tilespmem:s2+$0x0]  }
0x21e: {  	p0 =	slt.s32 s6, s25;
	s2 =	sadd.s32 s10, s6  }
0x21f: {  	p0 =	por p0, p4;
	s2 =	sand.u32 $0xFFFFFFF8, s2  }
0x220: {  	s6 =	simm.s32 @p0 $0x0;
	s25 =	smov.u32 @p0 s2;
	s10 =	sshrl.u32 @p0 s2, $0x3  }
.Ltmp13:
0x221: {  	s2 =	simm.s32 @p0 $0x2;
	s11 =	sadd.s32 @p0 s3, s10;
	(pc) =	sbr.rel @p3 .LBB2_18-.Ltmp13, $4  }
0x222: {  	vm0 =	vgt.s32 v5, v0;
	[tilespmem:s6], [sflag:$0x2] =	stream.linear.gather @p0 [hbm4b:s11+s6], $0x2000, $0x38;
	v7 =	vsub.f32 v7, v2;
	v5 =	vpop (erf);
	[tilespmem:$0xD780] =	vst v63  }
0x223: {  	s11 =	sadd.s32 @p0 s4, s10;
	s10 =	sshll.u32 s25, $0x2;
	_ =	swait.ge @p0 [sflag:s2], $0x2000;
	v5 =	vnsel vm0, $0x0, v5  }
0x224: {  	s9 =	sadd.s32 $0xFFFFFFF0, s9;
	s10 =	ssub.s32 $0x0, s10;
	[sflag:s2] =	ssyncset.done @p0 $0x0;
	v9 =	vmul.f32 $1.442695020e+00, v7;
	v4 =	vadd.f32 v5, v4;
	v10 =	vmul.f32 v5, v8;
	v8 =	vmovc v7  }
0x225: {  	s12 =	simm.s32 @p0 $0x2000;
	s10 =	sshra.s32 s10, $0x2;
	v5 =	vmov s9;
	[sflag:s2] =	ssyncadd.s32 @p0 $0xFFFFE000  }
0x226: {  	v7 =	vmov v8  }
.LBB2_20:
0x227: {  	[tilespmem:s12], [sflag:$0x2] =	stream.linear.gather @p0 [hbm4b:s11+s6], $0x2000, $0x38;
	(erf) = vpow2.f32 @p1 v9;
	[tilespmem:$0xD780] =	vst v63  }
0x228: {  	s5 =	sadd.s32 @p1 $0x10, s5;
	_ =	swait.ge @p0 [sflag:s2], $0x2000  }
0x229: {  	s30 =	smov.u32 @p1 s5;
	[sflag:s2] =	ssyncset.done @p0 $0x0  }
0x22a: {  	s31 =	sadd.s32 s10, s30;
	[sflag:s2] =	ssyncadd.s32 @p0 $0xFFFFE000  }
0x22b: {  	v8 =	vld [tilespmem:s31+$0x0];
	_ =	sdelay $0x4  }
0x22c: {  	v8 =	vsub.f32 v8, v2;
	_ =	sdelay $0x1  }
0x22d: {  	v61 =	vmul.f32 $1.442695020e+00, v8;
	_ =	sdelay $0x1  }
0x22e: {  	(erf) = vpow2.f32 v61;
	_ =	sdelay $0x4  }
0x22f: {  	vm0 =	vgt.s32 @p1 v5, v0;
	v9 =	vpop @p1 (erf)  }
0x230: {  	v6 =	vadd.f32 @p2 v10, v6;
	s2 =	sadd.s32 @p1 $0xFFFFFFF0, s9;
	v5 =	vnsel @p1 vm0, $0x0, v9  }
0x231: {  	s28 =	smov.u32 @p1 s2;
	v7 =	vmul.f32 @p1 v5, v7  }
0x232: {  	v6 =	vpsel p2, v6, v3;
	v62 =	vmov s28  }
.Ltmp14:
0x233: {  	vm15 =	vgt.s32 v62, v0;
	v4 =	vadd.f32 @p1 v5, v4;
	v7 =	vpsel p1, v7, v0;
	v63 =	vpop (erf);
	(pc) =	sbr.rel .LBB2_21-.Ltmp14, $4  }
0x234: {  	v5 =	vadd.f32 @p1 v7, v6;
	v6 =	vnsel vm15, $0x0, v63  }
0x235: {  	v4 =	vpsel p1, v4, v3;
	v7 =	vmul.f32 v6, v8  }
0x236: {  	v5 =	vpsel p1, v5, v3;
	v3 =	vadd.f32 v6, v4  }
0x237: {  	v4 =	vadd.f32 v7, v5  }
.LBB2_5:
.Ltmp15:
0x238: {  	(pc) =	sbr.rel .LBB2_9-.Ltmp15, $3  }
0x239: {  	_ =	sdelay $0x1  }
0x23a: {  	v4 =	vimm.f32 $-1.000000000e+09  }
0x23b: {  	v5 =	vimm.f32 $-1.000000000e+09;
	s0 =	smov.u32 s2;
	v6 =	vimm.s32 $0xFFFFFFFF;
	v7 =	vimm.f32 $-1.000000000e+09  }
.LBB2_13:
.Ltmp16:
0x23c: {  	(pc) =	sbr.rel .LBB2_20-.Ltmp16, $2  }
0x23d: {  	_ =	sdelay $0x2  }
0x23e: {  	v6 =	vimm.f32 $0.0e+00;
	s5 =	smov.u32 s30;
	v4 =	vimm.f32 $0.0e+00;
	s9 =	smov.u32 s28  }
.LBB2_7:
.Ltmp17:
0x23f: {  	(pc) =	sbr.rel .LBB2_9-.Ltmp17, $3  }
0x240: {  	_ =	sdelay $0x1  }
0x241: {  	v4 =	vimm.f32 $-1.000000000e+09  }
0x242: {  	v5 =	vimm.f32 $-1.000000000e+09;
	v6 =	vimm.s32 $0xFFFFFFFF;
	v7 =	vimm.f32 $-1.000000000e+09  }
.LBB2_15:
.Ltmp18:
0x243: {  	(pc) =	sbr.rel .LBB2_20-.Ltmp18, $2  }
0x244: {  	_ =	sdelay $0x2  }
0x245: {  	v6 =	vimm.f32 $0.0e+00;
	s5 =	smov.u32 s30;
	v4 =	vimm.f32 $0.0e+00;
	s9 =	smov.u32 s28  }
.LBB2_17:
.Ltmp19:
0x246: {  	(pc) =	sbr.rel .LBB2_20-.Ltmp19, $2  }
0x247: {  	_ =	sdelay $0x2  }
0x248: {  	v6 =	vimm.f32 $0.0e+00;
	v7 =	vmov v8  }
.LBB2_23:
0x249: {  	_ =	sfence.sel $0x180000  }
0x24a: {  	[bflag:$0x0] =	sbarrier.arrive $0xFFFF  }
0x24b: {  	_ =	strace $0x9000004A  }
0x24c: {  	s0 =	stileid.u32;
	[bflag:$0x2] =	sbarrier.arrive $0xFFFF  }
0x24d: {  	p0 =	sne.s32 s0, $0x0;
	s0 =	rddreg [dreg:$0x4]  }
0x24e: {  	s0 =	sadd.s32 @!p0 $0x100000, s0  }
0x24f: {  	[sflag:s0] =	ssyncadd.tile.s32 @!p0 $0x1;
	_ =	shalt  }
.Lfunc_end2:
_tile_overlayer_lowered:
.L_overlay_start_2:
0x250: {  	(tag) =	ssettag $0x2  }
0x251: {  	s0 =	rddreg [dreg:$0x0];
	s2 =	stileid.u32  }
0x252: {  	s1 =	rddreg [dreg:$0x1];
	p0 =	sne.s32 s2, $0x0  }
0x253: {  	s3 =	rddreg [dreg:$0x2];
	[bflag:$0x3] =	sbarrier.arrive $0xFFFF;
	s2 =	simm.s32 @!p0 $0x1C02  }
0x254: {  	[timem:s3], [sflag:s2] =	dma.local @!p0 [hbm:s0], s1  }
0x255: {  	s0 =	simm.s32 @!p0 $0x2  }
0x256: {  	_ =	swait.ge @!p0 [sflag:s0], s1  }
0x257: {  	s1 =	ssub.s32 @!p0 $0x0, s1;
	[sflag:s0] =	ssyncset.done @!p0 $0x0  }
0x258: {  	[sflag:s0] =	ssyncadd.s32 @!p0 s1  }
0x259: {  	[bflag:$0x3] =	sbarrier.arrive $0xFFFF  }
0x25a: {  	_ =	shalt  }

// kernel: kernel.8.cloned.1.call-start
scs
__scs_entry_jumppad:
0x0: {  	(pc) =	sbr.rel $0x88, $3  }
0x1: {  	(tag) =	ssettag $0x0;
	lr =	simm.s32 $0x1  }
0x2: {  	[smem:$0x3F9B] =	sst lr;
	_ =	strace $0xD0000000  }
0x3: {  	_ = 	snop  }
0x4: {  	_ = 	snop  }
0x5: {  	_ = 	snop  }
0x6: {  	_ = 	snop  }
0x7: {  	_ = 	snop  }
__scs_overlays_trampoline_lowered:
0x8: {  	[smem:$0x3FAA] =	sst s0  }
0x9: {  	[smem:$0x3FAB] =	sst s1  }
0xa: {  	[smem:$0x3FAC] =	sst s2  }
0xb: {  	[smem:$0x3FAD] =	sst s3  }
0xc: {  	[smem:$0x3FAE] =	sst s4  }
0xd: {  	[smem:$0x3FAF] =	sst s5  }
0xe: {  	[smem:$0x3FB0] =	sst s6  }
0xf: {  	[smem:$0x3FB1] =	sst s7  }
0x10: {  	[smem:$0x3FB2] =	sst s8  }
0x11: {  	[smem:$0x3FB3] =	sst s9;
	s0 =	simm.s32 @!p0 $0x0  }
0x12: {  	s1 =	sld [smem:$0x3F99];
	s0 =	simm.s32 @p0 $0x1  }
0x13: {  	[smem:$0x3FB4] =	sst s0;
	s0 =	simm.s32 @!p1 $0x0  }
0x14: {  	s2 =	sld [smem:$0x3F98];
	s0 =	simm.s32 @p1 $0x1  }
0x15: {  	[smem:$0x3FB5] =	sst s0;
	s0 =	simm.s32 @!p2 $0x0  }
0x16: {  	s3 =	sld [smem:$0x3FDB];
	s0 =	simm.s32 @p2 $0x1  }
0x17: {  	s4 =	simm.s32 $0x1BF5;
	[smem:$0x3FB7] =	sst s0  }
0x18: {  	s0 =	sld [smem:$0x3F9A];
	_ =	swait.ge [sflag:s4], $0x0  }
0x19: {  	s7 =	sld [smem:$0x3F9B]  }
0x1a: {  	s8 =	sadd.s32 $0xFFFFE003, lr  }
0x1b: {  	s9 =	sadd.s32 $0xFFFFFEF7, lr;
	s5 =	simm.s32 $0xFFFFFFFF;
	p2 =	slt.u32 s8, $0xFFFFF086  }
0x1c: {  	p1 =	slt.u32 s9, $0xF7A;
	s5 =	simm.s32 @!p2 $0x0  }
0x1d: {  	s5 =	simm.s32 @p1 $0x1;
	p0 =	seq.s32 s7, s2  }
0x1e: {  	s7 =	smul.u32 @!p0 $0xF7A, s2;
	p2 =	seq.s32 @!p0 s5, $0x0  }
0x1f: {  	s9 =	smul.u32 $0xF7A, s1;
	s8 =	simm.s32 @!p0 $0x1BF5;
	p2 =	por !p2, p0  }
0x20: {  	[sflag:s8] =	ssyncset.s32 @!p0 $0xFFFFF086;
	s6 =	sadd.s32 @!p0 s3, s7;
	s7 =	simm.s32 @!p0 $0x108  }
0x21: {  	s3 =	sadd.s32 s3, s9;
	s6 =	sadd.s32 @!p0 $0x88, s6;
	s7 =	simm.s32 @p2 $0x1082  }
0x22: {  	[simem:s7], [sflag:s8] =	dma.local @!p0 [hbm:s6], $0xF7A  }
0x23: {  	s9 =	sor.u32 $0xD0000000, s2;
	s6 =	simm.s32 $0x108;
	_ =	swait.ge @!p0 [sflag:s8], $0x0  }
0x24: {  	s3 =	sadd.s32 $0x88, s3;
	s6 =	simm.s32 @!p1 $0x1082;
	[sflag:s4] =	ssyncset.s32 $0xFFFFF086  }
0x25: {  	[simem:s6], [sflag:s4] =	dma.local [hbm:s3], $0xF7A  }
0x26: {  	[smem:$0x3F9B] =	sst s1;
	(tag) =	ssettag s2;
	_ =	strace s9  }
0x27: {  	s1 =	sld [smem:$0x3FAB]  }
0x28: {  	s2 =	sld [smem:$0x3FAC]  }
0x29: {  	s4 =	sld [smem:$0x3FAE]  }
0x2a: {  	p0 =	seq.s32 s5, $0x0;
	s5 =	sld [smem:$0x3FAF]  }
0x2b: {  	s6 =	sld [smem:$0x3FB0]  }
0x2c: {  	s7 =	sld [smem:$0x3FB1]  }
0x2d: {  	s3 =	simm.s32 $0x108;
	s8 =	sld [smem:$0x3FB2]  }
0x2e: {  	s3 =	simm.s32 @!p0 $0x1082;
	s9 =	sld [smem:$0x3FB3]  }
0x2f: {  	lr =	sadd.s32 s0, s3;
	s0 =	sld [smem:$0x3FAA]  }
0x30: {  	s3 =	sld [smem:$0x3FAD]  }
0x31: {  	[smem:$0x3FB6] =	sst s10  }
0x32: {  	s10 =	sld [smem:$0x3FB4];
	_ =	sdelay $0x3  }
0x33: {  	p0 =	seq.s32 s10, $0x1;
	s10 =	sld [smem:$0x3FB6];
	_ =	sdelay $0x3  }
0x34: {  	[smem:$0x3FB6] =	sst s10  }
0x35: {  	s10 =	sld [smem:$0x3FB5];
	_ =	sdelay $0x3  }
0x36: {  	p1 =	seq.s32 s10, $0x1;
	s10 =	sld [smem:$0x3FB6];
	_ =	sdelay $0x3  }
0x37: {  	[smem:$0x3FB6] =	sst s10  }
0x38: {  	s10 =	sld [smem:$0x3FB7]  }
0x39: {  	_ = 	snop;
	(pc) =	sbr.ind lr, $3  }
0x3a: {  	_ = 	snop  }
0x3b: {  	_ = 	snop  }
0x3c: {  	p2 =	seq.s32 s10, $0x1;
	s10 =	sld [smem:$0x3FB6]  }
0x3d: {  	_ =	shalt  }
0x3e: {  	_ =	shalt  }
0x3f: {  	_ =	shalt  }
0x40: {  	_ =	shalt  }
0x41: {  	_ =	shalt  }
0x42: {  	_ =	shalt  }
0x43: {  	_ =	shalt  }
0x44: {  	_ =	shalt  }
0x45: {  	_ =	shalt  }
0x46: {  	_ =	shalt  }
0x47: {  	_ =	shalt  }
0x48: {  	_ =	shalt  }
0x49: {  	_ =	shalt  }
0x4a: {  	_ =	shalt  }
0x4b: {  	_ =	shalt  }
0x4c: {  	_ =	shalt  }
0x4d: {  	_ =	shalt  }
0x4e: {  	_ =	shalt  }
0x4f: {  	_ =	shalt  }
0x50: {  	_ =	shalt  }
0x51: {  	_ =	shalt  }
0x52: {  	_ =	shalt  }
0x53: {  	_ =	shalt  }
0x54: {  	_ =	shalt  }
0x55: {  	_ =	shalt  }
0x56: {  	_ =	shalt  }
0x57: {  	_ =	shalt  }
0x58: {  	_ =	shalt  }
0x59: {  	_ =	shalt  }
0x5a: {  	_ =	shalt  }
0x5b: {  	_ =	shalt  }
0x5c: {  	_ =	shalt  }
0x5d: {  	_ =	shalt  }
0x5e: {  	_ =	shalt  }
0x5f: {  	_ =	shalt  }
0x60: {  	_ =	shalt  }
0x61: {  	_ =	shalt  }
0x62: {  	_ =	shalt  }
0x63: {  	_ =	shalt  }
0x64: {  	_ =	shalt  }
0x65: {  	_ =	shalt  }
0x66: {  	_ =	shalt  }
0x67: {  	_ =	shalt  }
0x68: {  	_ =	shalt  }
0x69: {  	_ =	shalt  }
0x6a: {  	_ =	shalt  }
0x6b: {  	_ =	shalt  }
0x6c: {  	_ =	shalt  }
0x6d: {  	_ =	shalt  }
0x6e: {  	_ =	shalt  }
0x6f: {  	_ =	shalt  }
0x70: {  	_ =	shalt  }
0x71: {  	_ =	shalt  }
0x72: {  	_ =	shalt  }
0x73: {  	_ =	shalt  }
0x74: {  	_ =	shalt  }
0x75: {  	_ =	shalt  }
0x76: {  	_ =	shalt  }
0x77: {  	_ =	shalt  }
0x78: {  	_ =	shalt  }
0x79: {  	_ =	shalt  }
0x7a: {  	_ =	shalt  }
0x7b: {  	_ =	shalt  }
0x7c: {  	_ =	shalt  }
0x7d: {  	_ =	shalt  }
0x7e: {  	_ =	shalt  }
0x7f: {  	_ =	shalt  }
0x80: {  	_ =	shalt  }
0x81: {  	_ =	shalt  }
0x82: {  	_ =	shalt  }
0x83: {  	_ =	shalt  }
0x84: {  	_ =	shalt  }
0x85: {  	_ =	shalt  }
0x86: {  	_ =	shalt  }
0x87: {  	_ =	shalt  }
.Lfunc_end0:
.L_simem_size_0:
called_computation_lowered:
.L_overlay_start_0:
0x88: {  	s2 =	sld [smem:$0x3FD9]  }
0x89: {  	s3 =	sld [smem:$0x3FFE];
	_ =	sdelay $0x1  }
0x8a: {  	s1 =	srdreg.scid  }
0x8b: {  	s0 =	sand.u32 $0x1, s1  }
0x8c: {  	s17 =	sshll.u32 s0, $0xA;
	s2 =	sadd.s32 s3, s2  }
0x8d: {  	s2 =	sadd.s32 s2, s17  }
0x8e: {  	[smem:$0x3FC2] =	sst s2  }
0x8f: {  	_ = 	snop  }
0x90: {  	s2 =	sld [smem:$0x3FC8];
	(tm) =	ssettm $0x1  }
0x91: {  	s18 =	sld [smem:$0x3FFB];
	_ =	sdelay $0x3  }
0x92: {  	_ =	strace s18  }
0x93: {  	s3 =	sld [smem:$0x3FFC];
	_ =	sdelay $0x3  }
0x94: {  	_ =	strace s3  }
0x95: {  	s3 =	sld [smem:$0x3FFD];
	_ =	sdelay $0x3  }
0x96: {  	_ =	strace s3  }
0x97: {  	_ =	strace $0x8FFFFFFF  }
0x98: {  	s19 =	sld [smem:$0x3FDB];
	_ =	sdelay $0x1  }
0x99: {  	s4 =	simm.s32 $_scs_section_size  }
0x9a: {  	s5 =	simm.s32 $_size__tile_overlayer_lowered;
	s6 =	simm.s32 $_tile_overlayer_lowered  }
0x9b: {  	s22 =	simm.s32 $0x1BFF;
	s21 =	sshll.u32 s6, $0x1;
	s3 =	sadd.s32 s4, s19  }
0x9c: {  	s7 =	simm.s32 $0x0;
	s20 =	sshll.u32 s5, $0x1;
	s5 =	sadd.s32 s21, s3  }
0x9d: {  	[timem:s7], [sflag:s22] =	dma.local [hbm:s5], s20  }
0x9e: {  	_ =	swait.ge [sflag:s22], s20  }
0x9f: {  	s4 =	ssub.s32 $0x0, s20;
	[sflag:s22] =	ssyncset.done $0x0  }
0xa0: {  	[sflag:s22] =	ssyncadd.s32 s4;
	_ =	sdelay $0x1  }
0xa1: {  	s23 =	simm.s32 $0x1B8B  }
0xa2: {  	_ =	swait.ge [sflag:s23], $0x1  }
0xa3: {  	[sflag:s23] =	ssyncset.done $0x0  }
0xa4: {  	s25 =	simm.s32 $0x1B8E;
	s24 =	sld [smem:$0x3FFE];
	[sflag:s23] =	ssyncadd.s32 $0xFFFFFFFF  }
0xa5: {  	s26 =	simm.s32 $execute0_lowered;
	[smem:$0x3FD2] =	sst s25  }
0xa6: {  	s5 =	sshll.u32 s26, $0x1;
	_ =	strace $0x80000046;
	[dreg:$0x1] =	wrdreg $0xFFFFFFFF  }
0xa7: {  	s28 =	simm.s32 $_size_execute0_lowered;
	s3 =	sadd.s32 s3, s5;
	[dreg:$0x0] =	wrdreg $0x0  }
0xa8: {  	s5 =	sshll.u32 s28, $0x1;
	[dreg:$0x2] =	wrdreg s3  }
0xa9: {  	[dreg:$0x3] =	wrdreg s5  }
0xaa: {  	[dreg:$0x4] =	wrdreg $0xC0  }
0xab: {  	_ =	task [dreg:s7], $0x5FFFF  }
0xac: {  	[dreg:$0x1] =	wrdreg $0xFFFFFFFF  }
0xad: {  	[dreg:$0x0] =	wrdreg $0x60  }
0xae: {  	[dreg:$0x2] =	wrdreg s2  }
0xaf: {  	[dreg:$0x3] =	wrdreg s24  }
0xb0: {  	[dreg:$0x4] =	wrdreg $0x9  }
0xb1: {  	_ =	task.clear_ibuf [dreg:s7], $0x5FFFF;
	_ =	strace $0x90000046  }
0xb2: {  	s29 =	simm.s32 $0x9;
	_ =	strace $0x80000048  }
0xb3: {  	_ =	swait.ge [sflag:s29], $0x1  }
0xb4: {  	[sflag:s29] =	ssyncadd.s32 $0xFFFFFFFF  }
0xb5: {  	_ =	strace $0x90000048  }
0xb6: {  	_ =	sfence  }
0xb7: {  	s30 =	sld [smem:$0x0];
	_ =	sdelay $0x2  }
0xb8: {  	s31 =	sshll.u32 s1, $0xD;
	s1 =	sshrl.u32 s1, $0x2  }
0xb9: {  	s3 =	sand.u32 $0x4000, s31;
	s1 =	sadd.s32 s1, s30  }
0xba: {  	s0 =	sor.u32 s3, s0;
	s1 =	sshll.u32 s1, $0x11  }
0xbb: {  	s0 =	sor.u32 s1, s0  }
0xbc: {  	s0 =	sadd.s32 $0x8F2B, s0  }
0xbd: {  	[sflag:s0] =	ssyncadd.remote.s32 $0x1  }
0xbe: {  	_ =	sfence.sel $0xFFFF  }
0xbf: {  	[dreg:$0x0] =	wrdreg $0xFFFFFFFF;
	(pc) =	sbr.abs _section_cstart, $3  }
0xc0: {  	[dreg:$0x1] =	wrdreg $0xFFFFFFFF  }
0xc1: {  	_ =	task.clear_ibuf [dreg:s7], $0x2FFFF;
	_ =	strace $0x9FFFFFFF  }
0xc2: {  	(tm) =	ssettm $0x7FFFFFFF  }
0xc3: {  	_ =	shalt  }
tec
execute0_lowered:
.L_overlay_start_1:
0x0: {  	(tag) =	ssettag $0x1  }
0x1: {  	s1 =	srdreg.scid;
	s6 =	rddreg [dreg:$0x0]  }
0x2: {  	s0 =	stileid.u32;
	s3 =	rddreg [dreg:$0x1];
	s2 =	simm.s32 $0x0  }
0x3: {  	s5 =	sand.u32 $0x1, s1;
	s28 =	sshll.u32 s0, $0x1;
	s30 =	smul.u32 $0x1880, s0  }
0x4: {  	s1 =	rddreg [dreg:$0x2];
	s13 =	sor.u32 s5, s28;
	s12 =	smul.u32 $0xC40, s5  }
0x5: {  	[smem:$0x7FF] =	sst s2;
	s4 =	smul.u32 $0x82, s13  }
0x6: {  	s7 =	ssub.s32 $0x2, s5;
	_ =	strace $0x80000047;
	s8 =	smul.u32 $0x188, s13  }
0x7: {  	s5 =	sadd.s32 $0x2F78, s6;
	s9 =	sshrl.u32 s7, $0x1;
	s10 =	smul.u32 $0xC40, s13  }
0x8: {  	p0 =	seq.s32 s13, $0x1F;
	p1 =	seq.s32 s13, $0x0;
	s9 =	ssub.s32 s7, s9  }
0x9: {  	s11 =	sadd.s32 s4, s3;
	s3 =	sadd.s32 s6, s8;
	s29 =	sadd.s32 $0xFFFFFFF0, s10  }
0xa: {  	s4 =	simm.s32 $0xAE;
	s8 =	smax.u32 s9, $0x1;
	s9 =	sadd.s32 s12, s30  }
0xb: {  	s10 =	simm.s32 $0x10;
	s12 =	simm.s32 $0xC80;
	s31 =	sshrl.u32 s29, $0x3  }
0xc: {  	v0 =	vimm.s32 $0xFFFFFFFF;
	vm0 =	vcmask $0x300;
	s4 =	simm.s32 @!p0 $0xC4;
	s7 =	sadd.s32 $0x1E00, s11;
	p0 =	sne.s32 s13, $0x1F  }
0xd: {  	v2 =	vlaneseq.u32;
	v1 =	vsel vm0, $0x186A0, v0;
	s11 =	simm.s32 $0x1;
	s13 =	simm.s32 $0x0;
	s6 =	sadd.s32 s6, s31  }
.LBB2_1:
.Ltmp0:
0xe: {  	(pc) =	sbr.rel @p0 .LBB2_3-.Ltmp0, $1  }
0xf: {  	_ =	sdelay $0x3  }
.Ltmp1:
0x10: {  	(pc) =	sbr.rel .LBB2_4-.Ltmp1, $4  }
0x11: {  	[tilespmem:s10], [sflag:$0x1] =	stream.linear.gather [hbm4b:s5+s2], $0xAE0, $0x38;
	[tilespmem:$0x1100] =	vst v63  }
0x12: {  	_ =	swait.ge [sflag:s11], $0xAE0  }
0x13: {  	[sflag:s11] =	ssyncset.done $0x0  }
0x14: {  	[sflag:s11] =	ssyncadd.s32 $0xFFFFF520  }
.LBB2_3:
.Ltmp2:
0x15: {  	(pc) =	sbr.rel @p1 .LBB2_5-.Ltmp2, $4  }
0x16: {  	[tilespmem:s10], [sflag:$0x1] =	stream.linear.gather [hbm4b:s3+s2], $0xC40, $0x38;
	[tilespmem:$0x1100] =	vst v63  }
0x17: {  	_ =	swait.ge [sflag:s11], $0xC40  }
0x18: {  	[sflag:s11] =	ssyncset.done $0x0  }
0x19: {  	[sflag:s11] =	ssyncadd.s32 $0xFFFFF3C0  }
.LBB2_4:
0x1a: {  	[tilespmem:s2], [sflag:$0x1] =	stream.linear.gather [hbm4b:s6+s2], $0x10, $0x38;
	[tilespmem:$0x1100] =	vst v63  }
0x1b: {  	_ =	swait.ge [sflag:s11], $0x10  }
0x1c: {  	[sflag:s11] =	ssyncset.done $0x0  }
0x1d: {  	[sflag:s11] =	ssyncadd.s32 $0xFFFFFFF0  }
.LBB2_6:
0x1e: {  	[tilespmem:$0xC80] =	vst v0  }
0x1f: {  	[tilespmem:$0xC90] =	vst v0  }
0x20: {  	[tilespmem:$0xCA0] =	vst v0  }
0x21: {  	[tilespmem:$0xCB0] =	vst v0  }
0x22: {  	[tilespmem:$0xCC0] =	vst v0  }
0x23: {  	[tilespmem:$0xCD0] =	vst v0  }
0x24: {  	[tilespmem:$0xCE0] =	vst v0  }
0x25: {  	[tilespmem:$0xCF0] =	vst v0  }
0x26: {  	[tilespmem:$0xD00] =	vst v0  }
0x27: {  	[tilespmem:$0xD10] =	vst v0  }
0x28: {  	[tilespmem:$0xD20] =	vst v0  }
0x29: {  	[tilespmem:$0xD30] =	vst v0  }
0x2a: {  	[tilespmem:$0xD40] =	vst v0  }
0x2b: {  	[tilespmem:$0xD50] =	vst v0  }
0x2c: {  	[tilespmem:$0xD60] =	vst v0  }
0x2d: {  	[tilespmem:$0xD70] =	vst v0  }
0x2e: {  	[tilespmem:$0xD80] =	vst v0  }
0x2f: {  	[tilespmem:$0xD90] =	vst v0  }
0x30: {  	[tilespmem:$0xDA0] =	vst v0  }
0x31: {  	[tilespmem:$0xDB0] =	vst v0  }
0x32: {  	[tilespmem:$0xDC0] =	vst v0  }
0x33: {  	[tilespmem:$0xDD0] =	vst v0  }
0x34: {  	[tilespmem:$0xDE0] =	vst v0  }
0x35: {  	[tilespmem:$0xDF0] =	vst v0  }
0x36: {  	[tilespmem:$0xE00] =	vst v0  }
0x37: {  	[tilespmem:$0xE10] =	vst v0  }
0x38: {  	[tilespmem:$0xE20] =	vst v0  }
0x39: {  	[tilespmem:$0xE30] =	vst v0  }
0x3a: {  	[tilespmem:$0xE40] =	vst v0  }
0x3b: {  	[tilespmem:$0xE50] =	vst v0  }
0x3c: {  	[tilespmem:$0xE60] =	vst v0  }
0x3d: {  	[tilespmem:$0xE70] =	vst v0  }
0x3e: {  	[tilespmem:$0xE80] =	vst v0  }
0x3f: {  	[tilespmem:$0xE90] =	vst v0  }
0x40: {  	[tilespmem:$0xEA0] =	vst v0  }
0x41: {  	[tilespmem:$0xEB0] =	vst v0  }
0x42: {  	[tilespmem:$0xEC0] =	vst v0  }
0x43: {  	[tilespmem:$0xED0] =	vst v0  }
0x44: {  	[tilespmem:$0xEE0] =	vst v0  }
0x45: {  	[tilespmem:$0xEF0] =	vst v0  }
0x46: {  	[tilespmem:$0xF00] =	vst v0  }
0x47: {  	[tilespmem:$0xF10] =	vst v0  }
0x48: {  	[tilespmem:$0xF20] =	vst v0  }
0x49: {  	[tilespmem:$0xF30] =	vst v0  }
0x4a: {  	[tilespmem:$0xF40] =	vst v0  }
0x4b: {  	[tilespmem:$0xF50] =	vst v0  }
0x4c: {  	[tilespmem:$0xF60] =	vst v0  }
0x4d: {  	[tilespmem:$0xF70] =	vst v0  }
0x4e: {  	[tilespmem:$0xF80] =	vst v0  }
0x4f: {  	[tilespmem:$0xF90] =	vst v0  }
0x50: {  	[tilespmem:$0xFA0] =	vst v0  }
0x51: {  	[tilespmem:$0xFB0] =	vst v0  }
0x52: {  	[tilespmem:$0xFC0] =	vst v0  }
0x53: {  	[tilespmem:$0xFD0] =	vst v0  }
0x54: {  	[tilespmem:$0xFE0] =	vst v0  }
0x55: {  	[tilespmem:$0xFF0] =	vst v0  }
0x56: {  	[tilespmem:$0x1000] =	vst v0  }
0x57: {  	[tilespmem:$0x1010] =	vst v0  }
0x58: {  	[tilespmem:$0x1020] =	vst v0  }
0x59: {  	[tilespmem:$0x1030] =	vst v0  }
0x5a: {  	[tilespmem:$0x1040] =	vst v0  }
0x5b: {  	[tilespmem:$0x1050] =	vst v0;
	p3 =	sne.s32 s4, $0x1  }
.Ltmp3:
0x5c: {  	[tilespmem:$0x1060] =	vst v0;
	(pc) =	sbr.rel @!p3 .LBB2_7-.Ltmp3, $4  }
0x5d: {  	[tilespmem:$0x1070] =	vst v0  }
0x5e: {  	[tilespmem:$0x1080] =	vst v1;
	s14 =	simm.s32 $0x10  }
0x5f: {  	v4 =	vld [tilespmem:s14+$0xFFFFFFFF]  }
0x60: {  	p2 =	por $0x0, $0x0;
	v3 =	vld [tilespmem:s14+$0x0];
	s14 =	sadd.s32 $0xFFFFFFFF, s4  }
0x61: {  	_ =	sdelay $0x3  }
0x62: {  	vm0 =	vne.s32 v3, v4;
	_ =	sdelay $0x2  }
0x63: {  	p3 =	sne.s32 s14, $0x1  }
.Ltmp4:
0x64: {  	_ = 	snop;
	(pc) =	sbr.rel @!p3 .LBB2_9-.Ltmp4, $4  }
0x65: {  	v4 =	vor.u32 s9, v2  }
0x66: {  	s15 =	simm.s32 $0x20;
	[tilespmem:v3+s12+$0x0] =	vst.idx.msk vm0, v4  }
0x67: {  	v4 =	vld [tilespmem:s15+$0xFFFFFFFF]  }
0x68: {  	s16 =	sadd.s32 $0xFFFFFFFF, s14;
	p2 =	por $0x1, $0x1;
	s14 =	smov.u32 s9;
	v3 =	vld [tilespmem:s15+$0x0]  }
.LBB2_10:
0x69: {  	p3 =	sne.s32 s16, $0x1;
	_ =	sdelay $0x3  }
0x6a: {  	vm0 =	vne.s32 v3, v4;
	_ =	sdelay $0x3  }
.Ltmp5:
0x6b: {  	s14 =	sadd.s32 $0x10, s14;
	(pc) =	sbr.rel @p3 .LBB2_10-.Ltmp5, $4  }
0x6c: {  	v4 =	vor.u32 s14, v2  }
0x6d: {  	s15 =	sadd.s32 $0x10, s15;
	[tilespmem:v3+s12+$0x0] =	vst.idx.msk vm0, v4  }
0x6e: {  	v4 =	vld [tilespmem:s15+$0xFFFFFFFF]  }
0x6f: {  	s16 =	sadd.s32 $0xFFFFFFFF, s16;
	v3 =	vld [tilespmem:s15+$0x0]  }
.LBB2_11:
0x70: {  	_ =	sdelay $0x3  }
0x71: {  	vm0 =	vne.s32 v3, v4;
	_ =	sdelay $0x2  }
0x72: {  	s14 =	sadd.s32 @p2 $0x10, s14;
	s15 =	smov.u32 s9  }
0x73: {  	s15 =	smov.u32 @p2 s14  }
0x74: {  	s13 =	sadd.s32 $0x1, s13;
	v63 =	vor.u32 s15, v2  }
0x75: {  	p2 =	sne.s32 s13, s8;
	[tilespmem:v3+s12+$0x0] =	vst.idx.msk vm0, v63  }
0x76: {  	[hbm4b:s7+s2] =	stream.linear.scatter [tilespmem:s12], [sflag:$0x1], $0x410, $0x38;
	[tilespmem:$0x1100] =	vst v63  }
.Ltmp6:
0x77: {  	_ = 	snop;
	(pc) =	sbr.rel @p2 .LBB2_1-.Ltmp6, $4  }
.Ltmp7:
0x78: {  	_ = 	snop;
	(pc) =	sbr.rel @!p2 .LBB2_12-.Ltmp7, $4  }
0x79: {  	_ =	swait.ge [sflag:s11], $0x410  }
0x7a: {  	[sflag:s11] =	ssyncset.done $0x0  }
0x7b: {  	[sflag:s11] =	ssyncadd.s32 $0xFFFFFBF0  }
0x7c: {  	_ = 	snop  }
.LBB2_5:
.Ltmp8:
0x7d: {  	(pc) =	sbr.rel .LBB2_6-.Ltmp8, $2  }
0x7e: {  	_ =	sdelay $0x2  }
0x7f: {  	[tilespmem:$0x0] =	vst v0  }
.LBB2_7:
.Ltmp9:
0x80: {  	(pc) =	sbr.rel .LBB2_11-.Ltmp9, $2  }
0x81: {  	_ =	sdelay $0x2  }
0x82: {  	s14 =	smov.u32 s9  }
.LBB2_9:
.Ltmp10:
0x83: {  	(pc) =	sbr.rel .LBB2_11-.Ltmp10, $2  }
0x84: {  	_ =	sdelay $0x2  }
0x85: {  	s14 =	smov.u32 s9  }
.LBB2_12:
0x86: {  	_ =	sfence.sel $0x180000  }
0x87: {  	[bflag:$0x0] =	sbarrier.arrive $0xFFFF  }
0x88: {  	p0 =	sne.s32 s0, $0x0;
	_ =	strace $0x90000047  }
0x89: {  	s0 =	sadd.s32 @!p0 $0x100000, s1;
	[bflag:$0x2] =	sbarrier.arrive $0xFFFF  }
0x8a: {  	[sflag:s0] =	ssyncadd.tile.s32 @!p0 $0x1;
	_ =	shalt  }
.Lfunc_end2:
_tile_overlayer_lowered:
.L_overlay_start_2:
0x8b: {  	(tag) =	ssettag $0x2  }
0x8c: {  	s0 =	rddreg [dreg:$0x0];
	s2 =	stileid.u32  }
0x8d: {  	s1 =	rddreg [dreg:$0x1];
	p0 =	sne.s32 s2, $0x0  }
0x8e: {  	s3 =	rddreg [dreg:$0x2];
	[bflag:$0x3] =	sbarrier.arrive $0xFFFF;
	s2 =	simm.s32 @!p0 $0x1C01  }
0x8f: {  	[timem:s3], [sflag:s2] =	dma.local @!p0 [hbm:s0], s1  }
0x90: {  	s0 =	simm.s32 @!p0 $0x1  }
0x91: {  	_ =	swait.ge @!p0 [sflag:s0], s1  }
0x92: {  	s1 =	ssub.s32 @!p0 $0x0, s1;
	[sflag:s0] =	ssyncset.done @!p0 $0x0  }
0x93: {  	[sflag:s0] =	ssyncadd.s32 @!p0 s1  }
0x94: {  	[bflag:$0x3] =	sbarrier.arrive $0xFFFF  }
0x95: {  	_ =	shalt  }

</sc_bundles>
